<compile_context>
chip_gen: v7x
topology: tpu7x:2x2x1
jax: 0.10.2.dev20260603
libtpu: 0.0.44.dev20260713+nightly
codegen_flags: <defaults>
</compile_context>

<pallas_src>
import functools

import jax
import jax.numpy as jnp
from jax import lax
from jax.experimental import pallas as pl
from jax.experimental.pallas import tpu as pltpu
from jax.experimental.pallas import tpu_sc as plsc

EXTENT = 15
HW = 2 * EXTENT + 1
IMG = HW * HW
NHEX = 721

_SEGS = []
_o = 0
for _r in range(HW):
    _st = max(0, EXTENT - _r)
    _ln = HW - abs(_r - EXTENT)
    _SEGS.append((_r * HW + _st, _ln, _o))
    _o += _ln
assert _o == NHEX


_NBUF = 3
_SUB = 8


@functools.lru_cache(maxsize=None)
def _build(c: int, n: int):
    info = plsc.get_sparse_core_info()
    qn = c // _SUB

    mesh = plsc.VectorSubcoreMesh(core_axis_name="c", subcore_axis_name="s")

    @functools.partial(
        pl.kernel,
        mesh=mesh,
        out_type=jax.ShapeDtypeStruct((NHEX, c, n), jnp.float32),
        scratch_types=[
            *[pltpu.VMEM((_SUB, n), jnp.float32) for _ in range(_NBUF)],
            *[pltpu.SemaphoreType.DMA for _ in range(2 * _NBUF)],
        ],
        compiler_params=pltpu.CompilerParams(use_tc_tiling_on_sc=True),
    )
    def hex_gather(x_hbm, out_hbm, *rest):
        bufs = rest[:_NBUF]
        sin = rest[_NBUF:2 * _NBUF]
        sout = rest[2 * _NBUF:]
        wid = lax.axis_index("s") * info.num_cores + lax.axis_index("c")

        def seg_params(r):
            st = jnp.maximum(0, EXTENT - r)
            ln = HW - jnp.abs(r - EXTENT)
            src0 = r * HW + st
            dst0 = jnp.where(
                r <= EXTENT,
                16 * r + (r * (r - 1)) // 2,
                NHEX - ((46 - r) * (47 - r)) // 2 + 120,
            )
            return src0, ln, dst0

        def run_task(src0, dst0, nslabs):
            npieces = nslabs * qn
            ngroups = (npieces + _NBUF - 1) // _NBUF

            def piece_refs(p):
                k = p // qn
                q = pl.multiple_of((p % qn) * _SUB, _SUB)
                return (x_hbm.at[src0 + k, pl.ds(q, _SUB)],
                        out_hbm.at[dst0 + k, pl.ds(q, _SUB)])

            def group(g, carry):
                for b in range(_NBUF):
                    p = _NBUF * g + b

                    @pl.when(p < npieces)
                    def _(p=p, b=b):
                        @pl.when(g > 0)
                        def _():
                            pltpu.make_async_copy(
                                bufs[b], out_hbm.at[0, pl.ds(0, _SUB)],
                                sout[b]).wait()
                        src, _dst = piece_refs(p)
                        pltpu.async_copy(src, bufs[b], sin[b])

                for b in range(_NBUF):
                    p = _NBUF * g + b

                    @pl.when(p < npieces)
                    def _(p=p, b=b):
                        pltpu.make_async_copy(
                            x_hbm.at[0, pl.ds(0, _SUB)], bufs[b],
                            sin[b]).wait()
                        _src, dst = piece_refs(p)
                        pltpu.async_copy(bufs[b], dst, sout[b])

                return carry

            lax.fori_loop(0, ngroups, group, 0)
            for b in range(_NBUF):
                @pl.when(b < npieces)
                def _(b=b):
                    pltpu.make_async_copy(
                        bufs[b], out_hbm.at[0, pl.ds(0, _SUB)],
                        sout[b]).wait()

        @pl.when(wid < HW)
        def _():
            srcA, lnA, dstA = seg_params(wid)
            firstA = (lnA + 1) // 2
            firstA = jnp.where(wid == EXTENT, firstA // 2, firstA)
            run_task(srcA, dstA, firstA)
            r2 = lax.rem(wid + EXTENT, HW)
            srcB, lnB, dstB = seg_params(r2)
            firstB = (lnB + 1) // 2
            run_task(srcB + firstB, dstB + firstB, lnB - firstB)

        @pl.when(wid == HW)
        def _():
            srcA, lnA, dstA = seg_params(EXTENT)
            firstA = (lnA + 1) // 2
            half = firstA // 2
            run_task(srcA + half, dstA + half, firstA - half)

    return hex_gather


def kernel(x, u, v):
    n, c = x.shape[:2]
    x3 = x.transpose(2, 3, 1, 0).reshape(IMG, c, n)
    out3 = _build(c, n)(x3)
    return out3.transpose(2, 1, 0).reshape(n, 1, c, NHEX)

# --- scband reference (transcript-rebuilt; emitter-appended) ---
"""Pipeline reference for scband-cartesian-map-to-regular-hex-52587579572657 (READ-ONLY COPY).

The authoritative reference and input builder live on the scoring server;
editing this copy changes nothing except your own understanding.
"""

import jax, jax.numpy as jnp
import numpy as np

EXTENT = 15

def get_hex_coords(extent):
    us, vs = [], []
    for u in range(-extent, extent + 1):
        v_lo = max(-extent, -extent - u)
        v_hi = min(extent, extent - u)
        for v in range(v_lo, v_hi + 1):
            us.append(u)
            vs.append(v)
    return np.array(us), np.array(vs)

_u, _v = get_hex_coords(EXTENT)
_u = _u - _u.min()
_v = _v - _v.min()
H = int(_u.max() + 1)
W = int(_v.max() + 1)


def setup_inputs(seed: int = 0) -> dict:
    key = jax.random.key(seed)
    x = jax.random.normal(key, (4096, 32, H, W), dtype=jnp.float32)
    u = jnp.asarray(_u, dtype=jnp.int32)
    v = jnp.asarray(_v, dtype=jnp.int32)
    return {"x": x, "u": u, "v": v}


def reference(x, u, v):
    n_samples, n_channels = x.shape[:2]
    n_frames = 1
    xr = x.reshape(n_samples, n_frames, n_channels, H, W)
    # advanced indexing gather: [N, 1, C, H, W] -> [N, 1, C, n_hexals]
    out = xr[:, :, :, u, v]
    return out

if __name__ == "__main__":
    import jax
    _d = setup_inputs()
    print(jax.jit(kernel)(*tuple(_d.values())))

</pallas_src>

<mosaic_0001>
#map = affine_map<(d0, d1) -> (0, 0, 0)>
module attributes {stable_mosaic.version = 14 : i64} {
  func.func @hex_gather(%arg0: i32, %arg1: i32, %arg2: memref<961x32x4096xf32, #tpu.memory_space<hbm>>, %arg3: memref<721x32x4096xf32, #tpu.memory_space<hbm>>, %arg4: memref<8x4096xf32, #tpu.memory_space<vmem>>, %arg5: memref<8x4096xf32, #tpu.memory_space<vmem>>, %arg6: memref<8x4096xf32, #tpu.memory_space<vmem>>, %arg7: memref<!tpu.dma_semaphore, #tpu.memory_space<semaphore_mem>>, %arg8: memref<!tpu.dma_semaphore, #tpu.memory_space<semaphore_mem>>, %arg9: memref<!tpu.dma_semaphore, #tpu.memory_space<semaphore_mem>>, %arg10: memref<!tpu.dma_semaphore, #tpu.memory_space<semaphore_mem>>, %arg11: memref<!tpu.dma_semaphore, #tpu.memory_space<semaphore_mem>>, %arg12: memref<!tpu.dma_semaphore, #tpu.memory_space<semaphore_mem>>) attributes {dimension_semantics = [#tpu.dimension_semantics<core_parallel>, #tpu.dimension_semantics<subcore_parallel>], iteration_bounds = array<i64: 2, 16>, scalar_prefetch = 0 : i64, scratch_operands = 9 : i64, tpu.core_type = #tpu.core_type<sc_vector_subcore>, window_params = [{transform_indices = #map}, {transform_indices = #map}]} {
    %mul3A = arith.constant 2 : i32
    %mul3A_0 = arith.muli %arg1, %mul3A : i32
    %add3A = arith.addi %mul3A_0, %arg0 : i32
    %lt3A = arith.constant 31 : i32
    %lt3A_1 = arith.cmpi slt, %add3A, %lt3A : i32
    %convert_element_type3A = arith.extui %lt3A_1 : i1 to i32
    %cond3A = arith.constant 0 : i32
    %cond3A_2 = arith.cmpi ne, %convert_element_type3A, %cond3A : i32
    scf.if %cond3A_2 {
      %sub3A = arith.constant 15 : i32
      %sub3A_7 = arith.subi %sub3A, %add3A : i32
      %max3A = arith.constant 0 : i32
      %max3A_8 = arith.maxsi %max3A, %sub3A_7 : i32
      %sub3A_9 = arith.constant 15 : i32
      %sub3A_10 = arith.subi %add3A, %sub3A_9 : i32
      %abs3A = math.absi %sub3A_10 : i32
      %sub3A_11 = arith.constant 31 : i32
      %sub3A_12 = arith.subi %sub3A_11, %abs3A : i32
      %mul3A_13 = arith.constant 31 : i32
      %mul3A_14 = arith.muli %add3A, %mul3A_13 : i32
      %add3A_15 = arith.addi %mul3A_14, %max3A_8 : i32
      %le3A = arith.constant 15 : i32
      %le3A_16 = arith.cmpi sle, %add3A, %le3A : i32
      %mul3A_17 = arith.constant 16 : i32
      %mul3A_18 = arith.muli %mul3A_17, %add3A : i32
      %sub3A_19 = arith.constant 1 : i32
      %sub3A_20 = arith.subi %add3A, %sub3A_19 : i32
      %mul3A_21 = arith.muli %add3A, %sub3A_20 : i32
      %jit3A = arith.constant 2 : i32
      %div3A = arith.divsi %mul3A_21, %jit3A : i32
      %sign3A = arith.constant 0 : i32
      %sign3A_22 = arith.cmpi sgt, %mul3A_21, %sign3A : i32
      %sign3A_23 = arith.extui %sign3A_22 : i1 to i32
      %sign3A_24 = arith.constant 0 : i32
      %sign3A_25 = arith.cmpi slt, %mul3A_21, %sign3A_24 : i32
      %sign3A_26 = arith.extui %sign3A_25 : i1 to i32
      %sign3A_27 = arith.subi %sign3A_23, %sign3A_26 : i32
      %sign3A_28 = arith.constant 0 : i32
      %sign3A_29 = arith.cmpi sgt, %jit3A, %sign3A_28 : i32
      %sign3A_30 = arith.extui %sign3A_29 : i1 to i32
      %sign3A_31 = arith.constant 0 : i32
      %sign3A_32 = arith.cmpi slt, %jit3A, %sign3A_31 : i32
      %sign3A_33 = arith.extui %sign3A_32 : i1 to i32
      %sign3A_34 = arith.subi %sign3A_30, %sign3A_33 : i32
      %ne3A = arith.cmpi ne, %sign3A_27, %sign3A_34 : i32
      %rem3A = arith.remsi %mul3A_21, %jit3A : i32
      %ne3A_35 = arith.constant 0 : i32
      %ne3A_36 = arith.cmpi ne, %rem3A, %ne3A_35 : i32
      %and3A = arith.andi %ne3A, %ne3A_36 : i1
      %sub3A_37 = arith.constant 1 : i32
      %sub3A_38 = arith.subi %div3A, %sub3A_37 : i32
      %select_n3A = arith.select %and3A, %sub3A_38, %div3A : i32
      %add3A_39 = arith.addi %mul3A_18, %select_n3A : i32
      %sub3A_40 = arith.constant 46 : i32
      %sub3A_41 = arith.subi %sub3A_40, %add3A : i32
      %sub3A_42 = arith.constant 47 : i32
      %sub3A_43 = arith.subi %sub3A_42, %add3A : i32
      %mul3A_44 = arith.muli %sub3A_41, %sub3A_43 : i32
      %jit3A_45 = arith.constant 2 : i32
      %div3A_46 = arith.divsi %mul3A_44, %jit3A_45 : i32
      %sign3A_47 = arith.constant 0 : i32
      %sign3A_48 = arith.cmpi sgt, %mul3A_44, %sign3A_47 : i32
      %sign3A_49 = arith.extui %sign3A_48 : i1 to i32
      %sign3A_50 = arith.constant 0 : i32
      %sign3A_51 = arith.cmpi slt, %mul3A_44, %sign3A_50 : i32
      %sign3A_52 = arith.extui %sign3A_51 : i1 to i32
      %sign3A_53 = arith.subi %sign3A_49, %sign3A_52 : i32
      %sign3A_54 = arith.constant 0 : i32
      %sign3A_55 = arith.cmpi sgt, %jit3A_45, %sign3A_54 : i32
      %sign3A_56 = arith.extui %sign3A_55 : i1 to i32
      %sign3A_57 = arith.constant 0 : i32
      %sign3A_58 = arith.cmpi slt, %jit3A_45, %sign3A_57 : i32
      %sign3A_59 = arith.extui %sign3A_58 : i1 to i32
      %sign3A_60 = arith.subi %sign3A_56, %sign3A_59 : i32
      %ne3A_61 = arith.cmpi ne, %sign3A_53, %sign3A_60 : i32
      %rem3A_62 = arith.remsi %mul3A_44, %jit3A_45 : i32
      %ne3A_63 = arith.constant 0 : i32
      %ne3A_64 = arith.cmpi ne, %rem3A_62, %ne3A_63 : i32
      %and3A_65 = arith.andi %ne3A_61, %ne3A_64 : i1
      %sub3A_66 = arith.constant 1 : i32
      %sub3A_67 = arith.subi %div3A_46, %sub3A_66 : i32
      %select_n3A_68 = arith.select %and3A_65, %sub3A_67, %div3A_46 : i32
      %sub3A_69 = arith.constant 721 : i32
      %sub3A_70 = arith.subi %sub3A_69, %select_n3A_68 : i32
      %add3A_71 = arith.constant 120 : i32
      %add3A_72 = arith.addi %sub3A_70, %add3A_71 : i32
      %select_n3A_73 = arith.select %le3A_16, %add3A_39, %add3A_72 : i32
      %add3A_74 = arith.constant 1 : i32
      %add3A_75 = arith.addi %sub3A_12, %add3A_74 : i32
      %jit3A_76 = arith.constant 2 : i32
      %div3A_77 = arith.divsi %add3A_75, %jit3A_76 : i32
      %sign3A_78 = arith.constant 0 : i32
      %sign3A_79 = arith.cmpi sgt, %add3A_75, %sign3A_78 : i32
      %sign3A_80 = arith.extui %sign3A_79 : i1 to i32
      %sign3A_81 = arith.constant 0 : i32
      %sign3A_82 = arith.cmpi slt, %add3A_75, %sign3A_81 : i32
      %sign3A_83 = arith.extui %sign3A_82 : i1 to i32
      %sign3A_84 = arith.subi %sign3A_80, %sign3A_83 : i32
      %sign3A_85 = arith.constant 0 : i32
      %sign3A_86 = arith.cmpi sgt, %jit3A_76, %sign3A_85 : i32
      %sign3A_87 = arith.extui %sign3A_86 : i1 to i32
      %sign3A_88 = arith.constant 0 : i32
      %sign3A_89 = arith.cmpi slt, %jit3A_76, %sign3A_88 : i32
      %sign3A_90 = arith.extui %sign3A_89 : i1 to i32
      %sign3A_91 = arith.subi %sign3A_87, %sign3A_90 : i32
      %ne3A_92 = arith.cmpi ne, %sign3A_84, %sign3A_91 : i32
      %rem3A_93 = arith.remsi %add3A_75, %jit3A_76 : i32
      %ne3A_94 = arith.constant 0 : i32
      %ne3A_95 = arith.cmpi ne, %rem3A_93, %ne3A_94 : i32
      %and3A_96 = arith.andi %ne3A_92, %ne3A_95 : i1
      %sub3A_97 = arith.constant 1 : i32
      %sub3A_98 = arith.subi %div3A_77, %sub3A_97 : i32
      %select_n3A_99 = arith.select %and3A_96, %sub3A_98, %div3A_77 : i32
      %eq3A_100 = arith.constant 15 : i32
      %eq3A_101 = arith.cmpi eq, %add3A, %eq3A_100 : i32
      %jit3A_102 = arith.constant 2 : i32
      %div3A_103 = arith.divsi %select_n3A_99, %jit3A_102 : i32
      %sign3A_104 = arith.constant 0 : i32
      %sign3A_105 = arith.cmpi sgt, %select_n3A_99, %sign3A_104 : i32
      %sign3A_106 = arith.extui %sign3A_105 : i1 to i32
      %sign3A_107 = arith.constant 0 : i32
      %sign3A_108 = arith.cmpi slt, %select_n3A_99, %sign3A_107 : i32
      %sign3A_109 = arith.extui %sign3A_108 : i1 to i32
      %sign3A_110 = arith.subi %sign3A_106, %sign3A_109 : i32
      %sign3A_111 = arith.constant 0 : i32
      %sign3A_112 = arith.cmpi sgt, %jit3A_102, %sign3A_111 : i32
      %sign3A_113 = arith.extui %sign3A_112 : i1 to i32
      %sign3A_114 = arith.constant 0 : i32
      %sign3A_115 = arith.cmpi slt, %jit3A_102, %sign3A_114 : i32
      %sign3A_116 = arith.extui %sign3A_115 : i1 to i32
      %sign3A_117 = arith.subi %sign3A_113, %sign3A_116 : i32
      %ne3A_118 = arith.cmpi ne, %sign3A_110, %sign3A_117 : i32
      %rem3A_119 = arith.remsi %select_n3A_99, %jit3A_102 : i32
      %ne3A_120 = arith.constant 0 : i32
      %ne3A_121 = arith.cmpi ne, %rem3A_119, %ne3A_120 : i32
      %and3A_122 = arith.andi %ne3A_118, %ne3A_121 : i1
      %sub3A_123 = arith.constant 1 : i32
      %sub3A_124 = arith.subi %div3A_103, %sub3A_123 : i32
      %select_n3A_125 = arith.select %and3A_122, %sub3A_124, %div3A_103 : i32
      %select_n3A_126 = arith.select %eq3A_101, %select_n3A_125, %select_n3A_99 : i32
      %mul3A_127 = arith.constant 4 : i32
      %mul3A_128 = arith.muli %select_n3A_126, %mul3A_127 : i32
      %add3A_129 = arith.constant 3 : i32
      %add3A_130 = arith.addi %mul3A_128, %add3A_129 : i32
      %sub3A_131 = arith.constant 1 : i32
      %sub3A_132 = arith.subi %add3A_130, %sub3A_131 : i32
      %jit3A_133 = arith.constant 3 : i32
      %div3A_134 = arith.divsi %sub3A_132, %jit3A_133 : i32
      %sign3A_135 = arith.constant 0 : i32
      %sign3A_136 = arith.cmpi sgt, %sub3A_132, %sign3A_135 : i32
      %sign3A_137 = arith.extui %sign3A_136 : i1 to i32
      %sign3A_138 = arith.constant 0 : i32
      %sign3A_139 = arith.cmpi slt, %sub3A_132, %sign3A_138 : i32
      %sign3A_140 = arith.extui %sign3A_139 : i1 to i32
      %sign3A_141 = arith.subi %sign3A_137, %sign3A_140 : i32
      %sign3A_142 = arith.constant 0 : i32
      %sign3A_143 = arith.cmpi sgt, %jit3A_133, %sign3A_142 : i32
      %sign3A_144 = arith.extui %sign3A_143 : i1 to i32
      %sign3A_145 = arith.constant 0 : i32
      %sign3A_146 = arith.cmpi slt, %jit3A_133, %sign3A_145 : i32
      %sign3A_147 = arith.extui %sign3A_146 : i1 to i32
      %sign3A_148 = arith.subi %sign3A_144, %sign3A_147 : i32
      %ne3A_149 = arith.cmpi ne, %sign3A_141, %sign3A_148 : i32
      %rem3A_150 = arith.remsi %sub3A_132, %jit3A_133 : i32
      %ne3A_151 = arith.constant 0 : i32
      %ne3A_152 = arith.cmpi ne, %rem3A_150, %ne3A_151 : i32
      %and3A_153 = arith.andi %ne3A_149, %ne3A_152 : i1
      %sub3A_154 = arith.constant 1 : i32
      %sub3A_155 = arith.subi %div3A_134, %sub3A_154 : i32
      %select_n3A_156 = arith.select %and3A_153, %sub3A_155, %div3A_134 : i32
      %while3A = arith.constant 0 : i32
      %while3A_157 = arith.constant 0 : i32
      %while3A_158 = arith.subi %select_n3A_156, %while3A_157 : i32
      %while3A_159 = arith.addi %while3A_157, %while3A_158 : i32
      %while3A_160 = arith.constant 1 : i32
      %while3A_161 = arith.divsi %while3A_158, %while3A_160 : i32
      %while3A_162 = arith.muli %while3A_161, %while3A_160 : i32
      %while3A_163 = arith.addi %while3A_157, %while3A_162 : i32
      %while3A_164 = arith.constant 1 : i32
      scf.for %while3A_346 = %while3A_157 to %while3A_163 step %while3A_164  : i32 {
        %mul3A_347 = arith.constant 3 : i32
        %mul3A_348 = arith.muli %mul3A_347, %while3A_346 : i32
        %add3A_349 = arith.constant 0 : i32
        %add3A_350 = arith.addi %mul3A_348, %add3A_349 : i32
        %lt3A_351 = arith.cmpi slt, %add3A_350, %mul3A_128 : i32
        %convert_element_type3A_352 = arith.extui %lt3A_351 : i1 to i32
        %cond3A_353 = arith.constant 0 : i32
        %cond3A_354 = arith.cmpi ne, %convert_element_type3A_352, %cond3A_353 : i32
        scf.if %cond3A_354 {
          %gt3A_395 = arith.constant 0 : i32
          %gt3A_396 = arith.cmpi sgt, %while3A_346, %gt3A_395 : i32
          %convert_element_type3A_397 = arith.extui %gt3A_396 : i1 to i32
          %cond3A_398 = arith.constant 0 : i32
          %cond3A_399 = arith.cmpi ne, %convert_element_type3A_397, %cond3A_398 : i32
          scf.if %cond3A_399 {
            %dma_wait3A = arith.constant 0 : i32
            %dma_wait3A_449 = arith.constant 0 : i32
            %dma_wait3A_450 = arith.constant 0 : i32
            %dma_wait3A_451 = tpu.memref_slice %arg3[%dma_wait3A, %dma_wait3A_449, %dma_wait3A_450] : memref<721x32x4096xf32, #tpu.memory_space<hbm>> -> memref<1x8x4096xf32, #tpu.memory_space<hbm>>
            %dma_wait3A_452 = tpu.memref_squeeze %dma_wait3A_451 : memref<1x8x4096xf32, #tpu.memory_space<hbm>> -> memref<8x4096xf32, #tpu.memory_space<hbm>>
            %dma_wait3A_453 = arith.constant 0 : i32
            %dma_wait3A_454 = arith.constant 0 : i32
            %dma_wait3A_455 = tpu.memref_slice %arg3[%dma_wait3A, %dma_wait3A_453, %dma_wait3A_454] : memref<721x32x4096xf32, #tpu.memory_space<hbm>> -> memref<1x8x4096xf32, #tpu.memory_space<hbm>>
            %dma_wait3A_456 = tpu.memref_squeeze %dma_wait3A_455 : memref<1x8x4096xf32, #tpu.memory_space<hbm>> -> memref<8x4096xf32, #tpu.memory_space<hbm>>
            tpu.wait_dma2 semaphore(%arg10 : memref<!tpu.dma_semaphore, #tpu.memory_space<semaphore_mem>>) src(%arg4 : memref<8x4096xf32, #tpu.memory_space<vmem>>) dst(%dma_wait3A_456 : memref<8x4096xf32, #tpu.memory_space<hbm>>)
          } else {
          }
          %jit3A_400 = arith.constant 4 : i32
          %div3A_401 = arith.divsi %add3A_350, %jit3A_400 : i32
          %sign3A_402 = arith.constant 0 : i32
          %sign3A_403 = arith.cmpi sgt, %add3A_350, %sign3A_402 : i32
          %sign3A_404 = arith.extui %sign3A_403 : i1 to i32
          %sign3A_405 = arith.constant 0 : i32
          %sign3A_406 = arith.cmpi slt, %add3A_350, %sign3A_405 : i32
          %sign3A_407 = arith.extui %sign3A_406 : i1 to i32
          %sign3A_408 = arith.subi %sign3A_404, %sign3A_407 : i32
          %sign3A_409 = arith.constant 0 : i32
          %sign3A_410 = arith.cmpi sgt, %jit3A_400, %sign3A_409 : i32
          %sign3A_411 = arith.extui %sign3A_410 : i1 to i32
          %sign3A_412 = arith.constant 0 : i32
          %sign3A_413 = arith.cmpi slt, %jit3A_400, %sign3A_412 : i32
          %sign3A_414 = arith.extui %sign3A_413 : i1 to i32
          %sign3A_415 = arith.subi %sign3A_411, %sign3A_414 : i32
          %ne3A_416 = arith.cmpi ne, %sign3A_408, %sign3A_415 : i32
          %rem3A_417 = arith.remsi %add3A_350, %jit3A_400 : i32
          %ne3A_418 = arith.constant 0 : i32
          %ne3A_419 = arith.cmpi ne, %rem3A_417, %ne3A_418 : i32
          %and3A_420 = arith.andi %ne3A_416, %ne3A_419 : i1
          %sub3A_421 = arith.constant 1 : i32
          %sub3A_422 = arith.subi %div3A_401, %sub3A_421 : i32
          %select_n3A_423 = arith.select %and3A_420, %sub3A_422, %div3A_401 : i32
          %jit3A_424 = arith.constant 4 : i32
          %eq3A_425 = arith.constant 0 : i32
          %eq3A_426 = arith.cmpi eq, %jit3A_424, %eq3A_425 : i32
          %jit3A_427 = arith.constant 1 : i32
          %select_n3A_428 = arith.select %eq3A_426, %jit3A_427, %jit3A_424 : i32
          %rem3A_429 = arith.remsi %add3A_350, %select_n3A_428 : i32
          %ne3A_430 = arith.constant 0 : i32
          %ne3A_431 = arith.cmpi ne, %rem3A_429, %ne3A_430 : i32
          %lt3A_432 = arith.constant 0 : i32
          %lt3A_433 = arith.cmpi slt, %rem3A_429, %lt3A_432 : i32
          %lt3A_434 = arith.constant 0 : i32
          %lt3A_435 = arith.cmpi slt, %select_n3A_428, %lt3A_434 : i32
          %ne3A_436 = arith.xori %lt3A_433, %lt3A_435 : i1
          %and3A_437 = arith.andi %ne3A_436, %ne3A_431 : i1
          %add3A_438 = arith.addi %rem3A_429, %select_n3A_428 : i32
          %select_n3A_439 = arith.select %and3A_437, %add3A_438, %rem3A_429 : i32
          %mul3A_440 = arith.constant 8 : i32
          %mul3A_441 = arith.muli %select_n3A_439, %mul3A_440 : i32
          %multiple_of3A = tpu.assume_multiple %mul3A_441, 8 : i32
          %add3A_442 = arith.addi %add3A_15, %select_n3A_423 : i32
          %add3A_443 = arith.addi %select_n3A_73, %select_n3A_423 : i32
          %dma_start3A = arith.constant 0 : i32
          %dma_start3A_444 = tpu.memref_slice %arg2[%add3A_442, %multiple_of3A, %dma_start3A] : memref<961x32x4096xf32, #tpu.memory_space<hbm>> -> memref<1x8x4096xf32, #tpu.memory_space<hbm>>
          %dma_start3A_445 = tpu.memref_squeeze %dma_start3A_444 : memref<1x8x4096xf32, #tpu.memory_space<hbm>> -> memref<8x4096xf32, #tpu.memory_space<hbm>>
          %dma_start3A_446 = arith.constant 0 : i32
          %dma_start3A_447 = tpu.memref_slice %arg2[%add3A_442, %multiple_of3A, %dma_start3A_446] : memref<961x32x4096xf32, #tpu.memory_space<hbm>> -> memref<1x8x4096xf32, #tpu.memory_space<hbm>>
          %dma_start3A_448 = tpu.memref_squeeze %dma_start3A_447 : memref<1x8x4096xf32, #tpu.memory_space<hbm>> -> memref<8x4096xf32, #tpu.memory_space<hbm>>
          tpu.enqueue_dma source(%dma_start3A_448 : memref<8x4096xf32, #tpu.memory_space<hbm>>) target(%arg4 : memref<8x4096xf32, #tpu.memory_space<vmem>>) target_semaphore(%arg7 : memref<!tpu.dma_semaphore, #tpu.memory_space<semaphore_mem>>)
        } else {
        }
        %mul3A_355 = arith.constant 3 : i32
        %mul3A_356 = arith.muli %mul3A_355, %while3A_346 : i32
        %add3A_357 = arith.constant 1 : i32
        %add3A_358 = arith.addi %mul3A_356, %add3A_357 : i32
        %lt3A_359 = arith.cmpi slt, %add3A_358, %mul3A_128 : i32
        %convert_element_type3A_360 = arith.extui %lt3A_359 : i1 to i32
        %cond3A_361 = arith.constant 0 : i32
        %cond3A_362 = arith.cmpi ne, %convert_element_type3A_360, %cond3A_361 : i32
        scf.if %cond3A_362 {
          %gt3A_395 = arith.constant 0 : i32
          %gt3A_396 = arith.cmpi sgt, %while3A_346, %gt3A_395 : i32
          %convert_element_type3A_397 = arith.extui %gt3A_396 : i1 to i32
          %cond3A_398 = arith.constant 0 : i32
          %cond3A_399 = arith.cmpi ne, %convert_element_type3A_397, %cond3A_398 : i32
          scf.if %cond3A_399 {
            %dma_wait3A = arith.constant 0 : i32
            %dma_wait3A_449 = arith.constant 0 : i32
            %dma_wait3A_450 = arith.constant 0 : i32
            %dma_wait3A_451 = tpu.memref_slice %arg3[%dma_wait3A, %dma_wait3A_449, %dma_wait3A_450] : memref<721x32x4096xf32, #tpu.memory_space<hbm>> -> memref<1x8x4096xf32, #tpu.memory_space<hbm>>
            %dma_wait3A_452 = tpu.memref_squeeze %dma_wait3A_451 : memref<1x8x4096xf32, #tpu.memory_space<hbm>> -> memref<8x4096xf32, #tpu.memory_space<hbm>>
            %dma_wait3A_453 = arith.constant 0 : i32
            %dma_wait3A_454 = arith.constant 0 : i32
            %dma_wait3A_455 = tpu.memref_slice %arg3[%dma_wait3A, %dma_wait3A_453, %dma_wait3A_454] : memref<721x32x4096xf32, #tpu.memory_space<hbm>> -> memref<1x8x4096xf32, #tpu.memory_space<hbm>>
            %dma_wait3A_456 = tpu.memref_squeeze %dma_wait3A_455 : memref<1x8x4096xf32, #tpu.memory_space<hbm>> -> memref<8x4096xf32, #tpu.memory_space<hbm>>
            tpu.wait_dma2 semaphore(%arg11 : memref<!tpu.dma_semaphore, #tpu.memory_space<semaphore_mem>>) src(%arg5 : memref<8x4096xf32, #tpu.memory_space<vmem>>) dst(%dma_wait3A_456 : memref<8x4096xf32, #tpu.memory_space<hbm>>)
          } else {
          }
          %jit3A_400 = arith.constant 4 : i32
          %div3A_401 = arith.divsi %add3A_358, %jit3A_400 : i32
          %sign3A_402 = arith.constant 0 : i32
          %sign3A_403 = arith.cmpi sgt, %add3A_358, %sign3A_402 : i32
          %sign3A_404 = arith.extui %sign3A_403 : i1 to i32
          %sign3A_405 = arith.constant 0 : i32
          %sign3A_406 = arith.cmpi slt, %add3A_358, %sign3A_405 : i32
          %sign3A_407 = arith.extui %sign3A_406 : i1 to i32
          %sign3A_408 = arith.subi %sign3A_404, %sign3A_407 : i32
          %sign3A_409 = arith.constant 0 : i32
          %sign3A_410 = arith.cmpi sgt, %jit3A_400, %sign3A_409 : i32
          %sign3A_411 = arith.extui %sign3A_410 : i1 to i32
          %sign3A_412 = arith.constant 0 : i32
          %sign3A_413 = arith.cmpi slt, %jit3A_400, %sign3A_412 : i32
          %sign3A_414 = arith.extui %sign3A_413 : i1 to i32
          %sign3A_415 = arith.subi %sign3A_411, %sign3A_414 : i32
          %ne3A_416 = arith.cmpi ne, %sign3A_408, %sign3A_415 : i32
          %rem3A_417 = arith.remsi %add3A_358, %jit3A_400 : i32
          %ne3A_418 = arith.constant 0 : i32
          %ne3A_419 = arith.cmpi ne, %rem3A_417, %ne3A_418 : i32
          %and3A_420 = arith.andi %ne3A_416, %ne3A_419 : i1
          %sub3A_421 = arith.constant 1 : i32
          %sub3A_422 = arith.subi %div3A_401, %sub3A_421 : i32
          %select_n3A_423 = arith.select %and3A_420, %sub3A_422, %div3A_401 : i32
          %jit3A_424 = arith.constant 4 : i32
          %eq3A_425 = arith.constant 0 : i32
          %eq3A_426 = arith.cmpi eq, %jit3A_424, %eq3A_425 : i32
          %jit3A_427 = arith.constant 1 : i32
          %select_n3A_428 = arith.select %eq3A_426, %jit3A_427, %jit3A_424 : i32
          %rem3A_429 = arith.remsi %add3A_358, %select_n3A_428 : i32
          %ne3A_430 = arith.constant 0 : i32
          %ne3A_431 = arith.cmpi ne, %rem3A_429, %ne3A_430 : i32
          %lt3A_432 = arith.constant 0 : i32
          %lt3A_433 = arith.cmpi slt, %rem3A_429, %lt3A_432 : i32
          %lt3A_434 = arith.constant 0 : i32
          %lt3A_435 = arith.cmpi slt, %select_n3A_428, %lt3A_434 : i32
          %ne3A_436 = arith.xori %lt3A_433, %lt3A_435 : i1
          %and3A_437 = arith.andi %ne3A_436, %ne3A_431 : i1
          %add3A_438 = arith.addi %rem3A_429, %select_n3A_428 : i32
          %select_n3A_439 = arith.select %and3A_437, %add3A_438, %rem3A_429 : i32
          %mul3A_440 = arith.constant 8 : i32
          %mul3A_441 = arith.muli %select_n3A_439, %mul3A_440 : i32
          %multiple_of3A = tpu.assume_multiple %mul3A_441, 8 : i32
          %add3A_442 = arith.addi %add3A_15, %select_n3A_423 : i32
          %add3A_443 = arith.addi %select_n3A_73, %select_n3A_423 : i32
          %dma_start3A = arith.constant 0 : i32
          %dma_start3A_444 = tpu.memref_slice %arg2[%add3A_442, %multiple_of3A, %dma_start3A] : memref<961x32x4096xf32, #tpu.memory_space<hbm>> -> memref<1x8x4096xf32, #tpu.memory_space<hbm>>
          %dma_start3A_445 = tpu.memref_squeeze %dma_start3A_444 : memref<1x8x4096xf32, #tpu.memory_space<hbm>> -> memref<8x4096xf32, #tpu.memory_space<hbm>>
          %dma_start3A_446 = arith.constant 0 : i32
          %dma_start3A_447 = tpu.memref_slice %arg2[%add3A_442, %multiple_of3A, %dma_start3A_446] : memref<961x32x4096xf32, #tpu.memory_space<hbm>> -> memref<1x8x4096xf32, #tpu.memory_space<hbm>>
          %dma_start3A_448 = tpu.memref_squeeze %dma_start3A_447 : memref<1x8x4096xf32, #tpu.memory_space<hbm>> -> memref<8x4096xf32, #tpu.memory_space<hbm>>
          tpu.enqueue_dma source(%dma_start3A_448 : memref<8x4096xf32, #tpu.memory_space<hbm>>) target(%arg5 : memref<8x4096xf32, #tpu.memory_space<vmem>>) target_semaphore(%arg8 : memref<!tpu.dma_semaphore, #tpu.memory_space<semaphore_mem>>)
        } else {
        }
        %mul3A_363 = arith.constant 3 : i32
        %mul3A_364 = arith.muli %mul3A_363, %while3A_346 : i32
        %add3A_365 = arith.constant 2 : i32
        %add3A_366 = arith.addi %mul3A_364, %add3A_365 : i32
        %lt3A_367 = arith.cmpi slt, %add3A_366, %mul3A_128 : i32
        %convert_element_type3A_368 = arith.extui %lt3A_367 : i1 to i32
        %cond3A_369 = arith.constant 0 : i32
        %cond3A_370 = arith.cmpi ne, %convert_element_type3A_368, %cond3A_369 : i32
        scf.if %cond3A_370 {
          %gt3A_395 = arith.constant 0 : i32
          %gt3A_396 = arith.cmpi sgt, %while3A_346, %gt3A_395 : i32
          %convert_element_type3A_397 = arith.extui %gt3A_396 : i1 to i32
          %cond3A_398 = arith.constant 0 : i32
          %cond3A_399 = arith.cmpi ne, %convert_element_type3A_397, %cond3A_398 : i32
          scf.if %cond3A_399 {
            %dma_wait3A = arith.constant 0 : i32
            %dma_wait3A_449 = arith.constant 0 : i32
            %dma_wait3A_450 = arith.constant 0 : i32
            %dma_wait3A_451 = tpu.memref_slice %arg3[%dma_wait3A, %dma_wait3A_449, %dma_wait3A_450] : memref<721x32x4096xf32, #tpu.memory_space<hbm>> -> memref<1x8x4096xf32, #tpu.memory_space<hbm>>
            %dma_wait3A_452 = tpu.memref_squeeze %dma_wait3A_451 : memref<1x8x4096xf32, #tpu.memory_space<hbm>> -> memref<8x4096xf32, #tpu.memory_space<hbm>>
            %dma_wait3A_453 = arith.constant 0 : i32
            %dma_wait3A_454 = arith.constant 0 : i32
            %dma_wait3A_455 = tpu.memref_slice %arg3[%dma_wait3A, %dma_wait3A_453, %dma_wait3A_454] : memref<721x32x4096xf32, #tpu.memory_space<hbm>> -> memref<1x8x4096xf32, #tpu.memory_space<hbm>>
            %dma_wait3A_456 = tpu.memref_squeeze %dma_wait3A_455 : memref<1x8x4096xf32, #tpu.memory_space<hbm>> -> memref<8x4096xf32, #tpu.memory_space<hbm>>
            tpu.wait_dma2 semaphore(%arg12 : memref<!tpu.dma_semaphore, #tpu.memory_space<semaphore_mem>>) src(%arg6 : memref<8x4096xf32, #tpu.memory_space<vmem>>) dst(%dma_wait3A_456 : memref<8x4096xf32, #tpu.memory_space<hbm>>)
          } else {
          }
          %jit3A_400 = arith.constant 4 : i32
          %div3A_401 = arith.divsi %add3A_366, %jit3A_400 : i32
          %sign3A_402 = arith.constant 0 : i32
          %sign3A_403 = arith.cmpi sgt, %add3A_366, %sign3A_402 : i32
          %sign3A_404 = arith.extui %sign3A_403 : i1 to i32
          %sign3A_405 = arith.constant 0 : i32
          %sign3A_406 = arith.cmpi slt, %add3A_366, %sign3A_405 : i32
          %sign3A_407 = arith.extui %sign3A_406 : i1 to i32
          %sign3A_408 = arith.subi %sign3A_404, %sign3A_407 : i32
          %sign3A_409 = arith.constant 0 : i32
          %sign3A_410 = arith.cmpi sgt, %jit3A_400, %sign3A_409 : i32
          %sign3A_411 = arith.extui %sign3A_410 : i1 to i32
          %sign3A_412 = arith.constant 0 : i32
          %sign3A_413 = arith.cmpi slt, %jit3A_400, %sign3A_412 : i32
          %sign3A_414 = arith.extui %sign3A_413 : i1 to i32
          %sign3A_415 = arith.subi %sign3A_411, %sign3A_414 : i32
          %ne3A_416 = arith.cmpi ne, %sign3A_408, %sign3A_415 : i32
          %rem3A_417 = arith.remsi %add3A_366, %jit3A_400 : i32
          %ne3A_418 = arith.constant 0 : i32
          %ne3A_419 = arith.cmpi ne, %rem3A_417, %ne3A_418 : i32
          %and3A_420 = arith.andi %ne3A_416, %ne3A_419 : i1
          %sub3A_421 = arith.constant 1 : i32
          %sub3A_422 = arith.subi %div3A_401, %sub3A_421 : i32
          %select_n3A_423 = arith.select %and3A_420, %sub3A_422, %div3A_401 : i32
          %jit3A_424 = arith.constant 4 : i32
          %eq3A_425 = arith.constant 0 : i32
          %eq3A_426 = arith.cmpi eq, %jit3A_424, %eq3A_425 : i32
          %jit3A_427 = arith.constant 1 : i32
          %select_n3A_428 = arith.select %eq3A_426, %jit3A_427, %jit3A_424 : i32
          %rem3A_429 = arith.remsi %add3A_366, %select_n3A_428 : i32
          %ne3A_430 = arith.constant 0 : i32
          %ne3A_431 = arith.cmpi ne, %rem3A_429, %ne3A_430 : i32
          %lt3A_432 = arith.constant 0 : i32
          %lt3A_433 = arith.cmpi slt, %rem3A_429, %lt3A_432 : i32
          %lt3A_434 = arith.constant 0 : i32
          %lt3A_435 = arith.cmpi slt, %select_n3A_428, %lt3A_434 : i32
          %ne3A_436 = arith.xori %lt3A_433, %lt3A_435 : i1
          %and3A_437 = arith.andi %ne3A_436, %ne3A_431 : i1
          %add3A_438 = arith.addi %rem3A_429, %select_n3A_428 : i32
          %select_n3A_439 = arith.select %and3A_437, %add3A_438, %rem3A_429 : i32
          %mul3A_440 = arith.constant 8 : i32
          %mul3A_441 = arith.muli %select_n3A_439, %mul3A_440 : i32
          %multiple_of3A = tpu.assume_multiple %mul3A_441, 8 : i32
          %add3A_442 = arith.addi %add3A_15, %select_n3A_423 : i32
          %add3A_443 = arith.addi %select_n3A_73, %select_n3A_423 : i32
          %dma_start3A = arith.constant 0 : i32
          %dma_start3A_444 = tpu.memref_slice %arg2[%add3A_442, %multiple_of3A, %dma_start3A] : memref<961x32x4096xf32, #tpu.memory_space<hbm>> -> memref<1x8x4096xf32, #tpu.memory_space<hbm>>
          %dma_start3A_445 = tpu.memref_squeeze %dma_start3A_444 : memref<1x8x4096xf32, #tpu.memory_space<hbm>> -> memref<8x4096xf32, #tpu.memory_space<hbm>>
          %dma_start3A_446 = arith.constant 0 : i32
          %dma_start3A_447 = tpu.memref_slice %arg2[%add3A_442, %multiple_of3A, %dma_start3A_446] : memref<961x32x4096xf32, #tpu.memory_space<hbm>> -> memref<1x8x4096xf32, #tpu.memory_space<hbm>>
          %dma_start3A_448 = tpu.memref_squeeze %dma_start3A_447 : memref<1x8x4096xf32, #tpu.memory_space<hbm>> -> memref<8x4096xf32, #tpu.memory_space<hbm>>
          tpu.enqueue_dma source(%dma_start3A_448 : memref<8x4096xf32, #tpu.memory_space<hbm>>) target(%arg6 : memref<8x4096xf32, #tpu.memory_space<vmem>>) target_semaphore(%arg9 : memref<!tpu.dma_semaphore, #tpu.memory_space<semaphore_mem>>)
        } else {
        }
        %mul3A_371 = arith.constant 3 : i32
        %mul3A_372 = arith.muli %mul3A_371, %while3A_346 : i32
        %add3A_373 = arith.constant 0 : i32
        %add3A_374 = arith.addi %mul3A_372, %add3A_373 : i32
        %lt3A_375 = arith.cmpi slt, %add3A_374, %mul3A_128 : i32
        %convert_element_type3A_376 = arith.extui %lt3A_375 : i1 to i32
        %cond3A_377 = arith.constant 0 : i32
        %cond3A_378 = arith.cmpi ne, %convert_element_type3A_376, %cond3A_377 : i32
        scf.if %cond3A_378 {
          %dma_wait3A = arith.constant 0 : i32
          %dma_wait3A_395 = arith.constant 0 : i32
          %dma_wait3A_396 = arith.constant 0 : i32
          %dma_wait3A_397 = tpu.memref_slice %arg2[%dma_wait3A, %dma_wait3A_395, %dma_wait3A_396] : memref<961x32x4096xf32, #tpu.memory_space<hbm>> -> memref<1x8x4096xf32, #tpu.memory_space<hbm>>
          %dma_wait3A_398 = tpu.memref_squeeze %dma_wait3A_397 : memref<1x8x4096xf32, #tpu.memory_space<hbm>> -> memref<8x4096xf32, #tpu.memory_space<hbm>>
          %dma_wait3A_399 = arith.constant 0 : i32
          %dma_wait3A_400 = arith.constant 0 : i32
          %dma_wait3A_401 = tpu.memref_slice %arg2[%dma_wait3A, %dma_wait3A_399, %dma_wait3A_400] : memref<961x32x4096xf32, #tpu.memory_space<hbm>> -> memref<1x8x4096xf32, #tpu.memory_space<hbm>>
          %dma_wait3A_402 = tpu.memref_squeeze %dma_wait3A_401 : memref<1x8x4096xf32, #tpu.memory_space<hbm>> -> memref<8x4096xf32, #tpu.memory_space<hbm>>
          tpu.wait_dma2 semaphore(%arg7 : memref<!tpu.dma_semaphore, #tpu.memory_space<semaphore_mem>>) src(%dma_wait3A_402 : memref<8x4096xf32, #tpu.memory_space<hbm>>) dst(%arg4 : memref<8x4096xf32, #tpu.memory_space<vmem>>)
          %jit3A_403 = arith.constant 4 : i32
          %div3A_404 = arith.divsi %add3A_374, %jit3A_403 : i32
          %sign3A_405 = arith.constant 0 : i32
          %sign3A_406 = arith.cmpi sgt, %add3A_374, %sign3A_405 : i32
          %sign3A_407 = arith.extui %sign3A_406 : i1 to i32
          %sign3A_408 = arith.constant 0 : i32
          %sign3A_409 = arith.cmpi slt, %add3A_374, %sign3A_408 : i32
          %sign3A_410 = arith.extui %sign3A_409 : i1 to i32
          %sign3A_411 = arith.subi %sign3A_407, %sign3A_410 : i32
          %sign3A_412 = arith.constant 0 : i32
          %sign3A_413 = arith.cmpi sgt, %jit3A_403, %sign3A_412 : i32
          %sign3A_414 = arith.extui %sign3A_413 : i1 to i32
          %sign3A_415 = arith.constant 0 : i32
          %sign3A_416 = arith.cmpi slt, %jit3A_403, %sign3A_415 : i32
          %sign3A_417 = arith.extui %sign3A_416 : i1 to i32
          %sign3A_418 = arith.subi %sign3A_414, %sign3A_417 : i32
          %ne3A_419 = arith.cmpi ne, %sign3A_411, %sign3A_418 : i32
          %rem3A_420 = arith.remsi %add3A_374, %jit3A_403 : i32
          %ne3A_421 = arith.constant 0 : i32
          %ne3A_422 = arith.cmpi ne, %rem3A_420, %ne3A_421 : i32
          %and3A_423 = arith.andi %ne3A_419, %ne3A_422 : i1
          %sub3A_424 = arith.constant 1 : i32
          %sub3A_425 = arith.subi %div3A_404, %sub3A_424 : i32
          %select_n3A_426 = arith.select %and3A_423, %sub3A_425, %div3A_404 : i32
          %jit3A_427 = arith.constant 4 : i32
          %eq3A_428 = arith.constant 0 : i32
          %eq3A_429 = arith.cmpi eq, %jit3A_427, %eq3A_428 : i32
          %jit3A_430 = arith.constant 1 : i32
          %select_n3A_431 = arith.select %eq3A_429, %jit3A_430, %jit3A_427 : i32
          %rem3A_432 = arith.remsi %add3A_374, %select_n3A_431 : i32
          %ne3A_433 = arith.constant 0 : i32
          %ne3A_434 = arith.cmpi ne, %rem3A_432, %ne3A_433 : i32
          %lt3A_435 = arith.constant 0 : i32
          %lt3A_436 = arith.cmpi slt, %rem3A_432, %lt3A_435 : i32
          %lt3A_437 = arith.constant 0 : i32
          %lt3A_438 = arith.cmpi slt, %select_n3A_431, %lt3A_437 : i32
          %ne3A_439 = arith.xori %lt3A_436, %lt3A_438 : i1
          %and3A_440 = arith.andi %ne3A_439, %ne3A_434 : i1
          %add3A_441 = arith.addi %rem3A_432, %select_n3A_431 : i32
          %select_n3A_442 = arith.select %and3A_440, %add3A_441, %rem3A_432 : i32
          %mul3A_443 = arith.constant 8 : i32
          %mul3A_444 = arith.muli %select_n3A_442, %mul3A_443 : i32
          %multiple_of3A = tpu.assume_multiple %mul3A_444, 8 : i32
          %add3A_445 = arith.addi %add3A_15, %select_n3A_426 : i32
          %add3A_446 = arith.addi %select_n3A_73, %select_n3A_426 : i32
          %dma_start3A = arith.constant 0 : i32
          %dma_start3A_447 = tpu.memref_slice %arg3[%add3A_446, %multiple_of3A, %dma_start3A] : memref<721x32x4096xf32, #tpu.memory_space<hbm>> -> memref<1x8x4096xf32, #tpu.memory_space<hbm>>
          %dma_start3A_448 = tpu.memref_squeeze %dma_start3A_447 : memref<1x8x4096xf32, #tpu.memory_space<hbm>> -> memref<8x4096xf32, #tpu.memory_space<hbm>>
          %dma_start3A_449 = arith.constant 0 : i32
          %dma_start3A_450 = tpu.memref_slice %arg3[%add3A_446, %multiple_of3A, %dma_start3A_449] : memref<721x32x4096xf32, #tpu.memory_space<hbm>> -> memref<1x8x4096xf32, #tpu.memory_space<hbm>>
          %dma_start3A_451 = tpu.memref_squeeze %dma_start3A_450 : memref<1x8x4096xf32, #tpu.memory_space<hbm>> -> memref<8x4096xf32, #tpu.memory_space<hbm>>
          tpu.enqueue_dma source(%arg4 : memref<8x4096xf32, #tpu.memory_space<vmem>>) target(%dma_start3A_451 : memref<8x4096xf32, #tpu.memory_space<hbm>>) target_semaphore(%arg10 : memref<!tpu.dma_semaphore, #tpu.memory_space<semaphore_mem>>)
        } else {
        }
        %mul3A_379 = arith.constant 3 : i32
        %mul3A_380 = arith.muli %mul3A_379, %while3A_346 : i32
        %add3A_381 = arith.constant 1 : i32
        %add3A_382 = arith.addi %mul3A_380, %add3A_381 : i32
        %lt3A_383 = arith.cmpi slt, %add3A_382, %mul3A_128 : i32
        %convert_element_type3A_384 = arith.extui %lt3A_383 : i1 to i32
        %cond3A_385 = arith.constant 0 : i32
        %cond3A_386 = arith.cmpi ne, %convert_element_type3A_384, %cond3A_385 : i32
        scf.if %cond3A_386 {
          %dma_wait3A = arith.constant 0 : i32
          %dma_wait3A_395 = arith.constant 0 : i32
          %dma_wait3A_396 = arith.constant 0 : i32
          %dma_wait3A_397 = tpu.memref_slice %arg2[%dma_wait3A, %dma_wait3A_395, %dma_wait3A_396] : memref<961x32x4096xf32, #tpu.memory_space<hbm>> -> memref<1x8x4096xf32, #tpu.memory_space<hbm>>
          %dma_wait3A_398 = tpu.memref_squeeze %dma_wait3A_397 : memref<1x8x4096xf32, #tpu.memory_space<hbm>> -> memref<8x4096xf32, #tpu.memory_space<hbm>>
          %dma_wait3A_399 = arith.constant 0 : i32
          %dma_wait3A_400 = arith.constant 0 : i32
          %dma_wait3A_401 = tpu.memref_slice %arg2[%dma_wait3A, %dma_wait3A_399, %dma_wait3A_400] : memref<961x32x4096xf32, #tpu.memory_space<hbm>> -> memref<1x8x4096xf32, #tpu.memory_space<hbm>>
          %dma_wait3A_402 = tpu.memref_squeeze %dma_wait3A_401 : memref<1x8x4096xf32, #tpu.memory_space<hbm>> -> memref<8x4096xf32, #tpu.memory_space<hbm>>
          tpu.wait_dma2 semaphore(%arg8 : memref<!tpu.dma_semaphore, #tpu.memory_space<semaphore_mem>>) src(%dma_wait3A_402 : memref<8x4096xf32, #tpu.memory_space<hbm>>) dst(%arg5 : memref<8x4096xf32, #tpu.memory_space<vmem>>)
          %jit3A_403 = arith.constant 4 : i32
          %div3A_404 = arith.divsi %add3A_382, %jit3A_403 : i32
          %sign3A_405 = arith.constant 0 : i32
          %sign3A_406 = arith.cmpi sgt, %add3A_382, %sign3A_405 : i32
          %sign3A_407 = arith.extui %sign3A_406 : i1 to i32
          %sign3A_408 = arith.constant 0 : i32
          %sign3A_409 = arith.cmpi slt, %add3A_382, %sign3A_408 : i32
          %sign3A_410 = arith.extui %sign3A_409 : i1 to i32
          %sign3A_411 = arith.subi %sign3A_407, %sign3A_410 : i32
          %sign3A_412 = arith.constant 0 : i32
          %sign3A_413 = arith.cmpi sgt, %jit3A_403, %sign3A_412 : i32
          %sign3A_414 = arith.extui %sign3A_413 : i1 to i32
          %sign3A_415 = arith.constant 0 : i32
          %sign3A_416 = arith.cmpi slt, %jit3A_403, %sign3A_415 : i32
          %sign3A_417 = arith.extui %sign3A_416 : i1 to i32
          %sign3A_418 = arith.subi %sign3A_414, %sign3A_417 : i32
          %ne3A_419 = arith.cmpi ne, %sign3A_411, %sign3A_418 : i32
          %rem3A_420 = arith.remsi %add3A_382, %jit3A_403 : i32
          %ne3A_421 = arith.constant 0 : i32
          %ne3A_422 = arith.cmpi ne, %rem3A_420, %ne3A_421 : i32
          %and3A_423 = arith.andi %ne3A_419, %ne3A_422 : i1
          %sub3A_424 = arith.constant 1 : i32
          %sub3A_425 = arith.subi %div3A_404, %sub3A_424 : i32
          %select_n3A_426 = arith.select %and3A_423, %sub3A_425, %div3A_404 : i32
          %jit3A_427 = arith.constant 4 : i32
          %eq3A_428 = arith.constant 0 : i32
          %eq3A_429 = arith.cmpi eq, %jit3A_427, %eq3A_428 : i32
          %jit3A_430 = arith.constant 1 : i32
          %select_n3A_431 = arith.select %eq3A_429, %jit3A_430, %jit3A_427 : i32
          %rem3A_432 = arith.remsi %add3A_382, %select_n3A_431 : i32
          %ne3A_433 = arith.constant 0 : i32
          %ne3A_434 = arith.cmpi ne, %rem3A_432, %ne3A_433 : i32
          %lt3A_435 = arith.constant 0 : i32
          %lt3A_436 = arith.cmpi slt, %rem3A_432, %lt3A_435 : i32
          %lt3A_437 = arith.constant 0 : i32
          %lt3A_438 = arith.cmpi slt, %select_n3A_431, %lt3A_437 : i32
          %ne3A_439 = arith.xori %lt3A_436, %lt3A_438 : i1
          %and3A_440 = arith.andi %ne3A_439, %ne3A_434 : i1
          %add3A_441 = arith.addi %rem3A_432, %select_n3A_431 : i32
          %select_n3A_442 = arith.select %and3A_440, %add3A_441, %rem3A_432 : i32
          %mul3A_443 = arith.constant 8 : i32
          %mul3A_444 = arith.muli %select_n3A_442, %mul3A_443 : i32
          %multiple_of3A = tpu.assume_multiple %mul3A_444, 8 : i32
          %add3A_445 = arith.addi %add3A_15, %select_n3A_426 : i32
          %add3A_446 = arith.addi %select_n3A_73, %select_n3A_426 : i32
          %dma_start3A = arith.constant 0 : i32
          %dma_start3A_447 = tpu.memref_slice %arg3[%add3A_446, %multiple_of3A, %dma_start3A] : memref<721x32x4096xf32, #tpu.memory_space<hbm>> -> memref<1x8x4096xf32, #tpu.memory_space<hbm>>
          %dma_start3A_448 = tpu.memref_squeeze %dma_start3A_447 : memref<1x8x4096xf32, #tpu.memory_space<hbm>> -> memref<8x4096xf32, #tpu.memory_space<hbm>>
          %dma_start3A_449 = arith.constant 0 : i32
          %dma_start3A_450 = tpu.memref_slice %arg3[%add3A_446, %multiple_of3A, %dma_start3A_449] : memref<721x32x4096xf32, #tpu.memory_space<hbm>> -> memref<1x8x4096xf32, #tpu.memory_space<hbm>>
          %dma_start3A_451 = tpu.memref_squeeze %dma_start3A_450 : memref<1x8x4096xf32, #tpu.memory_space<hbm>> -> memref<8x4096xf32, #tpu.memory_space<hbm>>
          tpu.enqueue_dma source(%arg5 : memref<8x4096xf32, #tpu.memory_space<vmem>>) target(%dma_start3A_451 : memref<8x4096xf32, #tpu.memory_space<hbm>>) target_semaphore(%arg11 : memref<!tpu.dma_semaphore, #tpu.memory_space<semaphore_mem>>)
        } else {
        }
        %mul3A_387 = arith.constant 3 : i32
        %mul3A_388 = arith.muli %mul3A_387, %while3A_346 : i32
        %add3A_389 = arith.constant 2 : i32
        %add3A_390 = arith.addi %mul3A_388, %add3A_389 : i32
        %lt3A_391 = arith.cmpi slt, %add3A_390, %mul3A_128 : i32
        %convert_element_type3A_392 = arith.extui %lt3A_391 : i1 to i32
        %cond3A_393 = arith.constant 0 : i32
        %cond3A_394 = arith.cmpi ne, %convert_element_type3A_392, %cond3A_393 : i32
        scf.if %cond3A_394 {
          %dma_wait3A = arith.constant 0 : i32
          %dma_wait3A_395 = arith.constant 0 : i32
          %dma_wait3A_396 = arith.constant 0 : i32
          %dma_wait3A_397 = tpu.memref_slice %arg2[%dma_wait3A, %dma_wait3A_395, %dma_wait3A_396] : memref<961x32x4096xf32, #tpu.memory_space<hbm>> -> memref<1x8x4096xf32, #tpu.memory_space<hbm>>
          %dma_wait3A_398 = tpu.memref_squeeze %dma_wait3A_397 : memref<1x8x4096xf32, #tpu.memory_space<hbm>> -> memref<8x4096xf32, #tpu.memory_space<hbm>>
          %dma_wait3A_399 = arith.constant 0 : i32
          %dma_wait3A_400 = arith.constant 0 : i32
          %dma_wait3A_401 = tpu.memref_slice %arg2[%dma_wait3A, %dma_wait3A_399, %dma_wait3A_400] : memref<961x32x4096xf32, #tpu.memory_space<hbm>> -> memref<1x8x4096xf32, #tpu.memory_space<hbm>>
          %dma_wait3A_402 = tpu.memref_squeeze %dma_wait3A_401 : memref<1x8x4096xf32, #tpu.memory_space<hbm>> -> memref<8x4096xf32, #tpu.memory_space<hbm>>
          tpu.wait_dma2 semaphore(%arg9 : memref<!tpu.dma_semaphore, #tpu.memory_space<semaphore_mem>>) src(%dma_wait3A_402 : memref<8x4096xf32, #tpu.memory_space<hbm>>) dst(%arg6 : memref<8x4096xf32, #tpu.memory_space<vmem>>)
          %jit3A_403 = arith.constant 4 : i32
          %div3A_404 = arith.divsi %add3A_390, %jit3A_403 : i32
          %sign3A_405 = arith.constant 0 : i32
          %sign3A_406 = arith.cmpi sgt, %add3A_390, %sign3A_405 : i32
          %sign3A_407 = arith.extui %sign3A_406 : i1 to i32
          %sign3A_408 = arith.constant 0 : i32
          %sign3A_409 = arith.cmpi slt, %add3A_390, %sign3A_408 : i32
          %sign3A_410 = arith.extui %sign3A_409 : i1 to i32
          %sign3A_411 = arith.subi %sign3A_407, %sign3A_410 : i32
          %sign3A_412 = arith.constant 0 : i32
          %sign3A_413 = arith.cmpi sgt, %jit3A_403, %sign3A_412 : i32
          %sign3A_414 = arith.extui %sign3A_413 : i1 to i32
          %sign3A_415 = arith.constant 0 : i32
          %sign3A_416 = arith.cmpi slt, %jit3A_403, %sign3A_415 : i32
          %sign3A_417 = arith.extui %sign3A_416 : i1 to i32
          %sign3A_418 = arith.subi %sign3A_414, %sign3A_417 : i32
          %ne3A_419 = arith.cmpi ne, %sign3A_411, %sign3A_418 : i32
          %rem3A_420 = arith.remsi %add3A_390, %jit3A_403 : i32
          %ne3A_421 = arith.constant 0 : i32
          %ne3A_422 = arith.cmpi ne, %rem3A_420, %ne3A_421 : i32
          %and3A_423 = arith.andi %ne3A_419, %ne3A_422 : i1
          %sub3A_424 = arith.constant 1 : i32
          %sub3A_425 = arith.subi %div3A_404, %sub3A_424 : i32
          %select_n3A_426 = arith.select %and3A_423, %sub3A_425, %div3A_404 : i32
          %jit3A_427 = arith.constant 4 : i32
          %eq3A_428 = arith.constant 0 : i32
          %eq3A_429 = arith.cmpi eq, %jit3A_427, %eq3A_428 : i32
          %jit3A_430 = arith.constant 1 : i32
          %select_n3A_431 = arith.select %eq3A_429, %jit3A_430, %jit3A_427 : i32
          %rem3A_432 = arith.remsi %add3A_390, %select_n3A_431 : i32
          %ne3A_433 = arith.constant 0 : i32
          %ne3A_434 = arith.cmpi ne, %rem3A_432, %ne3A_433 : i32
          %lt3A_435 = arith.constant 0 : i32
          %lt3A_436 = arith.cmpi slt, %rem3A_432, %lt3A_435 : i32
          %lt3A_437 = arith.constant 0 : i32
          %lt3A_438 = arith.cmpi slt, %select_n3A_431, %lt3A_437 : i32
          %ne3A_439 = arith.xori %lt3A_436, %lt3A_438 : i1
          %and3A_440 = arith.andi %ne3A_439, %ne3A_434 : i1
          %add3A_441 = arith.addi %rem3A_432, %select_n3A_431 : i32
          %select_n3A_442 = arith.select %and3A_440, %add3A_441, %rem3A_432 : i32
          %mul3A_443 = arith.constant 8 : i32
          %mul3A_444 = arith.muli %select_n3A_442, %mul3A_443 : i32
          %multiple_of3A = tpu.assume_multiple %mul3A_444, 8 : i32
          %add3A_445 = arith.addi %add3A_15, %select_n3A_426 : i32
          %add3A_446 = arith.addi %select_n3A_73, %select_n3A_426 : i32
          %dma_start3A = arith.constant 0 : i32
          %dma_start3A_447 = tpu.memref_slice %arg3[%add3A_446, %multiple_of3A, %dma_start3A] : memref<721x32x4096xf32, #tpu.memory_space<hbm>> -> memref<1x8x4096xf32, #tpu.memory_space<hbm>>
          %dma_start3A_448 = tpu.memref_squeeze %dma_start3A_447 : memref<1x8x4096xf32, #tpu.memory_space<hbm>> -> memref<8x4096xf32, #tpu.memory_space<hbm>>
          %dma_start3A_449 = arith.constant 0 : i32
          %dma_start3A_450 = tpu.memref_slice %arg3[%add3A_446, %multiple_of3A, %dma_start3A_449] : memref<721x32x4096xf32, #tpu.memory_space<hbm>> -> memref<1x8x4096xf32, #tpu.memory_space<hbm>>
          %dma_start3A_451 = tpu.memref_squeeze %dma_start3A_450 : memref<1x8x4096xf32, #tpu.memory_space<hbm>> -> memref<8x4096xf32, #tpu.memory_space<hbm>>
          tpu.enqueue_dma source(%arg6 : memref<8x4096xf32, #tpu.memory_space<vmem>>) target(%dma_start3A_451 : memref<8x4096xf32, #tpu.memory_space<hbm>>) target_semaphore(%arg12 : memref<!tpu.dma_semaphore, #tpu.memory_space<semaphore_mem>>)
        } else {
        }
      }
      %while3A_165 = arith.constant 1 : i32
      scf.for %while3A_346 = %while3A_163 to %while3A_159 step %while3A_165  : i32 {
        %mul3A_347 = arith.constant 3 : i32
        %mul3A_348 = arith.muli %mul3A_347, %while3A_346 : i32
        %add3A_349 = arith.constant 0 : i32
        %add3A_350 = arith.addi %mul3A_348, %add3A_349 : i32
        %lt3A_351 = arith.cmpi slt, %add3A_350, %mul3A_128 : i32
        %convert_element_type3A_352 = arith.extui %lt3A_351 : i1 to i32
        %cond3A_353 = arith.constant 0 : i32
        %cond3A_354 = arith.cmpi ne, %convert_element_type3A_352, %cond3A_353 : i32
        scf.if %cond3A_354 {
          %gt3A_395 = arith.constant 0 : i32
          %gt3A_396 = arith.cmpi sgt, %while3A_346, %gt3A_395 : i32
          %convert_element_type3A_397 = arith.extui %gt3A_396 : i1 to i32
          %cond3A_398 = arith.constant 0 : i32
          %cond3A_399 = arith.cmpi ne, %convert_element_type3A_397, %cond3A_398 : i32
          scf.if %cond3A_399 {
            %dma_wait3A = arith.constant 0 : i32
            %dma_wait3A_449 = arith.constant 0 : i32
            %dma_wait3A_450 = arith.constant 0 : i32
            %dma_wait3A_451 = tpu.memref_slice %arg3[%dma_wait3A, %dma_wait3A_449, %dma_wait3A_450] : memref<721x32x4096xf32, #tpu.memory_space<hbm>> -> memref<1x8x4096xf32, #tpu.memory_space<hbm>>
            %dma_wait3A_452 = tpu.memref_squeeze %dma_wait3A_451 : memref<1x8x4096xf32, #tpu.memory_space<hbm>> -> memref<8x4096xf32, #tpu.memory_space<hbm>>
            %dma_wait3A_453 = arith.constant 0 : i32
            %dma_wait3A_454 = arith.constant 0 : i32
            %dma_wait3A_455 = tpu.memref_slice %arg3[%dma_wait3A, %dma_wait3A_453, %dma_wait3A_454] : memref<721x32x4096xf32, #tpu.memory_space<hbm>> -> memref<1x8x4096xf32, #tpu.memory_space<hbm>>
            %dma_wait3A_456 = tpu.memref_squeeze %dma_wait3A_455 : memref<1x8x4096xf32, #tpu.memory_space<hbm>> -> memref<8x4096xf32, #tpu.memory_space<hbm>>
            tpu.wait_dma2 semaphore(%arg10 : memref<!tpu.dma_semaphore, #tpu.memory_space<semaphore_mem>>) src(%arg4 : memref<8x4096xf32, #tpu.memory_space<vmem>>) dst(%dma_wait3A_456 : memref<8x4096xf32, #tpu.memory_space<hbm>>)
          } else {
          }
          %jit3A_400 = arith.constant 4 : i32
          %div3A_401 = arith.divsi %add3A_350, %jit3A_400 : i32
          %sign3A_402 = arith.constant 0 : i32
          %sign3A_403 = arith.cmpi sgt, %add3A_350, %sign3A_402 : i32
          %sign3A_404 = arith.extui %sign3A_403 : i1 to i32
          %sign3A_405 = arith.constant 0 : i32
          %sign3A_406 = arith.cmpi slt, %add3A_350, %sign3A_405 : i32
          %sign3A_407 = arith.extui %sign3A_406 : i1 to i32
          %sign3A_408 = arith.subi %sign3A_404, %sign3A_407 : i32
          %sign3A_409 = arith.constant 0 : i32
          %sign3A_410 = arith.cmpi sgt, %jit3A_400, %sign3A_409 : i32
          %sign3A_411 = arith.extui %sign3A_410 : i1 to i32
          %sign3A_412 = arith.constant 0 : i32
          %sign3A_413 = arith.cmpi slt, %jit3A_400, %sign3A_412 : i32
          %sign3A_414 = arith.extui %sign3A_413 : i1 to i32
          %sign3A_415 = arith.subi %sign3A_411, %sign3A_414 : i32
          %ne3A_416 = arith.cmpi ne, %sign3A_408, %sign3A_415 : i32
          %rem3A_417 = arith.remsi %add3A_350, %jit3A_400 : i32
          %ne3A_418 = arith.constant 0 : i32
          %ne3A_419 = arith.cmpi ne, %rem3A_417, %ne3A_418 : i32
          %and3A_420 = arith.andi %ne3A_416, %ne3A_419 : i1
          %sub3A_421 = arith.constant 1 : i32
          %sub3A_422 = arith.subi %div3A_401, %sub3A_421 : i32
          %select_n3A_423 = arith.select %and3A_420, %sub3A_422, %div3A_401 : i32
          %jit3A_424 = arith.constant 4 : i32
          %eq3A_425 = arith.constant 0 : i32
          %eq3A_426 = arith.cmpi eq, %jit3A_424, %eq3A_425 : i32
          %jit3A_427 = arith.constant 1 : i32
          %select_n3A_428 = arith.select %eq3A_426, %jit3A_427, %jit3A_424 : i32
          %rem3A_429 = arith.remsi %add3A_350, %select_n3A_428 : i32
          %ne3A_430 = arith.constant 0 : i32
          %ne3A_431 = arith.cmpi ne, %rem3A_429, %ne3A_430 : i32
          %lt3A_432 = arith.constant 0 : i32
          %lt3A_433 = arith.cmpi slt, %rem3A_429, %lt3A_432 : i32
          %lt3A_434 = arith.constant 0 : i32
          %lt3A_435 = arith.cmpi slt, %select_n3A_428, %lt3A_434 : i32
          %ne3A_436 = arith.xori %lt3A_433, %lt3A_435 : i1
          %and3A_437 = arith.andi %ne3A_436, %ne3A_431 : i1
          %add3A_438 = arith.addi %rem3A_429, %select_n3A_428 : i32
          %select_n3A_439 = arith.select %and3A_437, %add3A_438, %rem3A_429 : i32
          %mul3A_440 = arith.constant 8 : i32
          %mul3A_441 = arith.muli %select_n3A_439, %mul3A_440 : i32
          %multiple_of3A = tpu.assume_multiple %mul3A_441, 8 : i32
          %add3A_442 = arith.addi %add3A_15, %select_n3A_423 : i32
          %add3A_443 = arith.addi %select_n3A_73, %select_n3A_423 : i32
          %dma_start3A = arith.constant 0 : i32
          %dma_start3A_444 = tpu.memref_slice %arg2[%add3A_442, %multiple_of3A, %dma_start3A] : memref<961x32x4096xf32, #tpu.memory_space<hbm>> -> memref<1x8x4096xf32, #tpu.memory_space<hbm>>
          %dma_start3A_445 = tpu.memref_squeeze %dma_start3A_444 : memref<1x8x4096xf32, #tpu.memory_space<hbm>> -> memref<8x4096xf32, #tpu.memory_space<hbm>>
          %dma_start3A_446 = arith.constant 0 : i32
          %dma_start3A_447 = tpu.memref_slice %arg2[%add3A_442, %multiple_of3A, %dma_start3A_446] : memref<961x32x4096xf32, #tpu.memory_space<hbm>> -> memref<1x8x4096xf32, #tpu.memory_space<hbm>>
          %dma_start3A_448 = tpu.memref_squeeze %dma_start3A_447 : memref<1x8x4096xf32, #tpu.memory_space<hbm>> -> memref<8x4096xf32, #tpu.memory_space<hbm>>
          tpu.enqueue_dma source(%dma_start3A_448 : memref<8x4096xf32, #tpu.memory_space<hbm>>) target(%arg4 : memref<8x4096xf32, #tpu.memory_space<vmem>>) target_semaphore(%arg7 : memref<!tpu.dma_semaphore, #tpu.memory_space<semaphore_mem>>)
        } else {
        }
        %mul3A_355 = arith.constant 3 : i32
        %mul3A_356 = arith.muli %mul3A_355, %while3A_346 : i32
        %add3A_357 = arith.constant 1 : i32
        %add3A_358 = arith.addi %mul3A_356, %add3A_357 : i32
        %lt3A_359 = arith.cmpi slt, %add3A_358, %mul3A_128 : i32
        %convert_element_type3A_360 = arith.extui %lt3A_359 : i1 to i32
        %cond3A_361 = arith.constant 0 : i32
        %cond3A_362 = arith.cmpi ne, %convert_element_type3A_360, %cond3A_361 : i32
        scf.if %cond3A_362 {
          %gt3A_395 = arith.constant 0 : i32
          %gt3A_396 = arith.cmpi sgt, %while3A_346, %gt3A_395 : i32
          %convert_element_type3A_397 = arith.extui %gt3A_396 : i1 to i32
          %cond3A_398 = arith.constant 0 : i32
          %cond3A_399 = arith.cmpi ne, %convert_element_type3A_397, %cond3A_398 : i32
          scf.if %cond3A_399 {
            %dma_wait3A = arith.constant 0 : i32
            %dma_wait3A_449 = arith.constant 0 : i32
            %dma_wait3A_450 = arith.constant 0 : i32
            %dma_wait3A_451 = tpu.memref_slice %arg3[%dma_wait3A, %dma_wait3A_449, %dma_wait3A_450] : memref<721x32x4096xf32, #tpu.memory_space<hbm>> -> memref<1x8x4096xf32, #tpu.memory_space<hbm>>
            %dma_wait3A_452 = tpu.memref_squeeze %dma_wait3A_451 : memref<1x8x4096xf32, #tpu.memory_space<hbm>> -> memref<8x4096xf32, #tpu.memory_space<hbm>>
            %dma_wait3A_453 = arith.constant 0 : i32
            %dma_wait3A_454 = arith.constant 0 : i32
            %dma_wait3A_455 = tpu.memref_slice %arg3[%dma_wait3A, %dma_wait3A_453, %dma_wait3A_454] : memref<721x32x4096xf32, #tpu.memory_space<hbm>> -> memref<1x8x4096xf32, #tpu.memory_space<hbm>>
            %dma_wait3A_456 = tpu.memref_squeeze %dma_wait3A_455 : memref<1x8x4096xf32, #tpu.memory_space<hbm>> -> memref<8x4096xf32, #tpu.memory_space<hbm>>
            tpu.wait_dma2 semaphore(%arg11 : memref<!tpu.dma_semaphore, #tpu.memory_space<semaphore_mem>>) src(%arg5 : memref<8x4096xf32, #tpu.memory_space<vmem>>) dst(%dma_wait3A_456 : memref<8x4096xf32, #tpu.memory_space<hbm>>)
          } else {
          }
          %jit3A_400 = arith.constant 4 : i32
          %div3A_401 = arith.divsi %add3A_358, %jit3A_400 : i32
          %sign3A_402 = arith.constant 0 : i32
          %sign3A_403 = arith.cmpi sgt, %add3A_358, %sign3A_402 : i32
          %sign3A_404 = arith.extui %sign3A_403 : i1 to i32
          %sign3A_405 = arith.constant 0 : i32
          %sign3A_406 = arith.cmpi slt, %add3A_358, %sign3A_405 : i32
          %sign3A_407 = arith.extui %sign3A_406 : i1 to i32
          %sign3A_408 = arith.subi %sign3A_404, %sign3A_407 : i32
          %sign3A_409 = arith.constant 0 : i32
          %sign3A_410 = arith.cmpi sgt, %jit3A_400, %sign3A_409 : i32
          %sign3A_411 = arith.extui %sign3A_410 : i1 to i32
          %sign3A_412 = arith.constant 0 : i32
          %sign3A_413 = arith.cmpi slt, %jit3A_400, %sign3A_412 : i32
          %sign3A_414 = arith.extui %sign3A_413 : i1 to i32
          %sign3A_415 = arith.subi %sign3A_411, %sign3A_414 : i32
          %ne3A_416 = arith.cmpi ne, %sign3A_408, %sign3A_415 : i32
          %rem3A_417 = arith.remsi %add3A_358, %jit3A_400 : i32
          %ne3A_418 = arith.constant 0 : i32
          %ne3A_419 = arith.cmpi ne, %rem3A_417, %ne3A_418 : i32
          %and3A_420 = arith.andi %ne3A_416, %ne3A_419 : i1
          %sub3A_421 = arith.constant 1 : i32
          %sub3A_422 = arith.subi %div3A_401, %sub3A_421 : i32
          %select_n3A_423 = arith.select %and3A_420, %sub3A_422, %div3A_401 : i32
          %jit3A_424 = arith.constant 4 : i32
          %eq3A_425 = arith.constant 0 : i32
          %eq3A_426 = arith.cmpi eq, %jit3A_424, %eq3A_425 : i32
          %jit3A_427 = arith.constant 1 : i32
          %select_n3A_428 = arith.select %eq3A_426, %jit3A_427, %jit3A_424 : i32
          %rem3A_429 = arith.remsi %add3A_358, %select_n3A_428 : i32
          %ne3A_430 = arith.constant 0 : i32
          %ne3A_431 = arith.cmpi ne, %rem3A_429, %ne3A_430 : i32
          %lt3A_432 = arith.constant 0 : i32
          %lt3A_433 = arith.cmpi slt, %rem3A_429, %lt3A_432 : i32
          %lt3A_434 = arith.constant 0 : i32
          %lt3A_435 = arith.cmpi slt, %select_n3A_428, %lt3A_434 : i32
          %ne3A_436 = arith.xori %lt3A_433, %lt3A_435 : i1
          %and3A_437 = arith.andi %ne3A_436, %ne3A_431 : i1
          %add3A_438 = arith.addi %rem3A_429, %select_n3A_428 : i32
          %select_n3A_439 = arith.select %and3A_437, %add3A_438, %rem3A_429 : i32
          %mul3A_440 = arith.constant 8 : i32
          %mul3A_441 = arith.muli %select_n3A_439, %mul3A_440 : i32
          %multiple_of3A = tpu.assume_multiple %mul3A_441, 8 : i32
          %add3A_442 = arith.addi %add3A_15, %select_n3A_423 : i32
          %add3A_443 = arith.addi %select_n3A_73, %select_n3A_423 : i32
          %dma_start3A = arith.constant 0 : i32
          %dma_start3A_444 = tpu.memref_slice %arg2[%add3A_442, %multiple_of3A, %dma_start3A] : memref<961x32x4096xf32, #tpu.memory_space<hbm>> -> memref<1x8x4096xf32, #tpu.memory_space<hbm>>
          %dma_start3A_445 = tpu.memref_squeeze %dma_start3A_444 : memref<1x8x4096xf32, #tpu.memory_space<hbm>> -> memref<8x4096xf32, #tpu.memory_space<hbm>>
          %dma_start3A_446 = arith.constant 0 : i32
          %dma_start3A_447 = tpu.memref_slice %arg2[%add3A_442, %multiple_of3A, %dma_start3A_446] : memref<961x32x4096xf32, #tpu.memory_space<hbm>> -> memref<1x8x4096xf32, #tpu.memory_space<hbm>>
          %dma_start3A_448 = tpu.memref_squeeze %dma_start3A_447 : memref<1x8x4096xf32, #tpu.memory_space<hbm>> -> memref<8x4096xf32, #tpu.memory_space<hbm>>
          tpu.enqueue_dma source(%dma_start3A_448 : memref<8x4096xf32, #tpu.memory_space<hbm>>) target(%arg5 : memref<8x4096xf32, #tpu.memory_space<vmem>>) target_semaphore(%arg8 : memref<!tpu.dma_semaphore, #tpu.memory_space<semaphore_mem>>)
        } else {
        }
        %mul3A_363 = arith.constant 3 : i32
        %mul3A_364 = arith.muli %mul3A_363, %while3A_346 : i32
        %add3A_365 = arith.constant 2 : i32
        %add3A_366 = arith.addi %mul3A_364, %add3A_365 : i32
        %lt3A_367 = arith.cmpi slt, %add3A_366, %mul3A_128 : i32
        %convert_element_type3A_368 = arith.extui %lt3A_367 : i1 to i32
        %cond3A_369 = arith.constant 0 : i32
        %cond3A_370 = arith.cmpi ne, %convert_element_type3A_368, %cond3A_369 : i32
        scf.if %cond3A_370 {
          %gt3A_395 = arith.constant 0 : i32
          %gt3A_396 = arith.cmpi sgt, %while3A_346, %gt3A_395 : i32
          %convert_element_type3A_397 = arith.extui %gt3A_396 : i1 to i32
          %cond3A_398 = arith.constant 0 : i32
          %cond3A_399 = arith.cmpi ne, %convert_element_type3A_397, %cond3A_398 : i32
          scf.if %cond3A_399 {
            %dma_wait3A = arith.constant 0 : i32
            %dma_wait3A_449 = arith.constant 0 : i32
            %dma_wait3A_450 = arith.constant 0 : i32
            %dma_wait3A_451 = tpu.memref_slice %arg3[%dma_wait3A, %dma_wait3A_449, %dma_wait3A_450] : memref<721x32x4096xf32, #tpu.memory_space<hbm>> -> memref<1x8x4096xf32, #tpu.memory_space<hbm>>
            %dma_wait3A_452 = tpu.memref_squeeze %dma_wait3A_451 : memref<1x8x4096xf32, #tpu.memory_space<hbm>> -> memref<8x4096xf32, #tpu.memory_space<hbm>>
            %dma_wait3A_453 = arith.constant 0 : i32
            %dma_wait3A_454 = arith.constant 0 : i32
            %dma_wait3A_455 = tpu.memref_slice %arg3[%dma_wait3A, %dma_wait3A_453, %dma_wait3A_454] : memref<721x32x4096xf32, #tpu.memory_space<hbm>> -> memref<1x8x4096xf32, #tpu.memory_space<hbm>>
            %dma_wait3A_456 = tpu.memref_squeeze %dma_wait3A_455 : memref<1x8x4096xf32, #tpu.memory_space<hbm>> -> memref<8x4096xf32, #tpu.memory_space<hbm>>
            tpu.wait_dma2 semaphore(%arg12 : memref<!tpu.dma_semaphore, #tpu.memory_space<semaphore_mem>>) src(%arg6 : memref<8x4096xf32, #tpu.memory_space<vmem>>) dst(%dma_wait3A_456 : memref<8x4096xf32, #tpu.memory_space<hbm>>)
          } else {
          }
          %jit3A_400 = arith.constant 4 : i32
          %div3A_401 = arith.divsi %add3A_366, %jit3A_400 : i32
          %sign3A_402 = arith.constant 0 : i32
          %sign3A_403 = arith.cmpi sgt, %add3A_366, %sign3A_402 : i32
          %sign3A_404 = arith.extui %sign3A_403 : i1 to i32
          %sign3A_405 = arith.constant 0 : i32
          %sign3A_406 = arith.cmpi slt, %add3A_366, %sign3A_405 : i32
          %sign3A_407 = arith.extui %sign3A_406 : i1 to i32
          %sign3A_408 = arith.subi %sign3A_404, %sign3A_407 : i32
          %sign3A_409 = arith.constant 0 : i32
          %sign3A_410 = arith.cmpi sgt, %jit3A_400, %sign3A_409 : i32
          %sign3A_411 = arith.extui %sign3A_410 : i1 to i32
          %sign3A_412 = arith.constant 0 : i32
          %sign3A_413 = arith.cmpi slt, %jit3A_400, %sign3A_412 : i32
          %sign3A_414 = arith.extui %sign3A_413 : i1 to i32
          %sign3A_415 = arith.subi %sign3A_411, %sign3A_414 : i32
          %ne3A_416 = arith.cmpi ne, %sign3A_408, %sign3A_415 : i32
          %rem3A_417 = arith.remsi %add3A_366, %jit3A_400 : i32
          %ne3A_418 = arith.constant 0 : i32
          %ne3A_419 = arith.cmpi ne, %rem3A_417, %ne3A_418 : i32
          %and3A_420 = arith.andi %ne3A_416, %ne3A_419 : i1
          %sub3A_421 = arith.constant 1 : i32
          %sub3A_422 = arith.subi %div3A_401, %sub3A_421 : i32
          %select_n3A_423 = arith.select %and3A_420, %sub3A_422, %div3A_401 : i32
          %jit3A_424 = arith.constant 4 : i32
          %eq3A_425 = arith.constant 0 : i32
          %eq3A_426 = arith.cmpi eq, %jit3A_424, %eq3A_425 : i32
          %jit3A_427 = arith.constant 1 : i32
          %select_n3A_428 = arith.select %eq3A_426, %jit3A_427, %jit3A_424 : i32
          %rem3A_429 = arith.remsi %add3A_366, %select_n3A_428 : i32
          %ne3A_430 = arith.constant 0 : i32
          %ne3A_431 = arith.cmpi ne, %rem3A_429, %ne3A_430 : i32
          %lt3A_432 = arith.constant 0 : i32
          %lt3A_433 = arith.cmpi slt, %rem3A_429, %lt3A_432 : i32
          %lt3A_434 = arith.constant 0 : i32
          %lt3A_435 = arith.cmpi slt, %select_n3A_428, %lt3A_434 : i32
          %ne3A_436 = arith.xori %lt3A_433, %lt3A_435 : i1
          %and3A_437 = arith.andi %ne3A_436, %ne3A_431 : i1
          %add3A_438 = arith.addi %rem3A_429, %select_n3A_428 : i32
          %select_n3A_439 = arith.select %and3A_437, %add3A_438, %rem3A_429 : i32
          %mul3A_440 = arith.constant 8 : i32
          %mul3A_441 = arith.muli %select_n3A_439, %mul3A_440 : i32
          %multiple_of3A = tpu.assume_multiple %mul3A_441, 8 : i32
          %add3A_442 = arith.addi %add3A_15, %select_n3A_423 : i32
          %add3A_443 = arith.addi %select_n3A_73, %select_n3A_423 : i32
          %dma_start3A = arith.constant 0 : i32
          %dma_start3A_444 = tpu.memref_slice %arg2[%add3A_442, %multiple_of3A, %dma_start3A] : memref<961x32x4096xf32, #tpu.memory_space<hbm>> -> memref<1x8x4096xf32, #tpu.memory_space<hbm>>
          %dma_start3A_445 = tpu.memref_squeeze %dma_start3A_444 : memref<1x8x4096xf32, #tpu.memory_space<hbm>> -> memref<8x4096xf32, #tpu.memory_space<hbm>>
          %dma_start3A_446 = arith.constant 0 : i32
          %dma_start3A_447 = tpu.memref_slice %arg2[%add3A_442, %multiple_of3A, %dma_start3A_446] : memref<961x32x4096xf32, #tpu.memory_space<hbm>> -> memref<1x8x4096xf32, #tpu.memory_space<hbm>>
          %dma_start3A_448 = tpu.memref_squeeze %dma_start3A_447 : memref<1x8x4096xf32, #tpu.memory_space<hbm>> -> memref<8x4096xf32, #tpu.memory_space<hbm>>
          tpu.enqueue_dma source(%dma_start3A_448 : memref<8x4096xf32, #tpu.memory_space<hbm>>) target(%arg6 : memref<8x4096xf32, #tpu.memory_space<vmem>>) target_semaphore(%arg9 : memref<!tpu.dma_semaphore, #tpu.memory_space<semaphore_mem>>)
        } else {
        }
        %mul3A_371 = arith.constant 3 : i32
        %mul3A_372 = arith.muli %mul3A_371, %while3A_346 : i32
        %add3A_373 = arith.constant 0 : i32
        %add3A_374 = arith.addi %mul3A_372, %add3A_373 : i32
        %lt3A_375 = arith.cmpi slt, %add3A_374, %mul3A_128 : i32
        %convert_element_type3A_376 = arith.extui %lt3A_375 : i1 to i32
        %cond3A_377 = arith.constant 0 : i32
        %cond3A_378 = arith.cmpi ne, %convert_element_type3A_376, %cond3A_377 : i32
        scf.if %cond3A_378 {
          %dma_wait3A = arith.constant 0 : i32
          %dma_wait3A_395 = arith.constant 0 : i32
          %dma_wait3A_396 = arith.constant 0 : i32
          %dma_wait3A_397 = tpu.memref_slice %arg2[%dma_wait3A, %dma_wait3A_395, %dma_wait3A_396] : memref<961x32x4096xf32, #tpu.memory_space<hbm>> -> memref<1x8x4096xf32, #tpu.memory_space<hbm>>
          %dma_wait3A_398 = tpu.memref_squeeze %dma_wait3A_397 : memref<1x8x4096xf32, #tpu.memory_space<hbm>> -> memref<8x4096xf32, #tpu.memory_space<hbm>>
          %dma_wait3A_399 = arith.constant 0 : i32
          %dma_wait3A_400 = arith.constant 0 : i32
          %dma_wait3A_401 = tpu.memref_slice %arg2[%dma_wait3A, %dma_wait3A_399, %dma_wait3A_400] : memref<961x32x4096xf32, #tpu.memory_space<hbm>> -> memref<1x8x4096xf32, #tpu.memory_space<hbm>>
          %dma_wait3A_402 = tpu.memref_squeeze %dma_wait3A_401 : memref<1x8x4096xf32, #tpu.memory_space<hbm>> -> memref<8x4096xf32, #tpu.memory_space<hbm>>
          tpu.wait_dma2 semaphore(%arg7 : memref<!tpu.dma_semaphore, #tpu.memory_space<semaphore_mem>>) src(%dma_wait3A_402 : memref<8x4096xf32, #tpu.memory_space<hbm>>) dst(%arg4 : memref<8x4096xf32, #tpu.memory_space<vmem>>)
          %jit3A_403 = arith.constant 4 : i32
          %div3A_404 = arith.divsi %add3A_374, %jit3A_403 : i32
          %sign3A_405 = arith.constant 0 : i32
          %sign3A_406 = arith.cmpi sgt, %add3A_374, %sign3A_405 : i32
          %sign3A_407 = arith.extui %sign3A_406 : i1 to i32
          %sign3A_408 = arith.constant 0 : i32
          %sign3A_409 = arith.cmpi slt, %add3A_374, %sign3A_408 : i32
          %sign3A_410 = arith.extui %sign3A_409 : i1 to i32
          %sign3A_411 = arith.subi %sign3A_407, %sign3A_410 : i32
          %sign3A_412 = arith.constant 0 : i32
          %sign3A_413 = arith.cmpi sgt, %jit3A_403, %sign3A_412 : i32
          %sign3A_414 = arith.extui %sign3A_413 : i1 to i32
          %sign3A_415 = arith.constant 0 : i32
          %sign3A_416 = arith.cmpi slt, %jit3A_403, %sign3A_415 : i32
          %sign3A_417 = arith.extui %sign3A_416 : i1 to i32
          %sign3A_418 = arith.subi %sign3A_414, %sign3A_417 : i32
          %ne3A_419 = arith.cmpi ne, %sign3A_411, %sign3A_418 : i32
          %rem3A_420 = arith.remsi %add3A_374, %jit3A_403 : i32
          %ne3A_421 = arith.constant 0 : i32
          %ne3A_422 = arith.cmpi ne, %rem3A_420, %ne3A_421 : i32
          %and3A_423 = arith.andi %ne3A_419, %ne3A_422 : i1
          %sub3A_424 = arith.constant 1 : i32
          %sub3A_425 = arith.subi %div3A_404, %sub3A_424 : i32
          %select_n3A_426 = arith.select %and3A_423, %sub3A_425, %div3A_404 : i32
          %jit3A_427 = arith.constant 4 : i32
          %eq3A_428 = arith.constant 0 : i32
          %eq3A_429 = arith.cmpi eq, %jit3A_427, %eq3A_428 : i32
          %jit3A_430 = arith.constant 1 : i32
          %select_n3A_431 = arith.select %eq3A_429, %jit3A_430, %jit3A_427 : i32
          %rem3A_432 = arith.remsi %add3A_374, %select_n3A_431 : i32
          %ne3A_433 = arith.constant 0 : i32
          %ne3A_434 = arith.cmpi ne, %rem3A_432, %ne3A_433 : i32
          %lt3A_435 = arith.constant 0 : i32
          %lt3A_436 = arith.cmpi slt, %rem3A_432, %lt3A_435 : i32
          %lt3A_437 = arith.constant 0 : i32
          %lt3A_438 = arith.cmpi slt, %select_n3A_431, %lt3A_437 : i32
          %ne3A_439 = arith.xori %lt3A_436, %lt3A_438 : i1
          %and3A_440 = arith.andi %ne3A_439, %ne3A_434 : i1
          %add3A_441 = arith.addi %rem3A_432, %select_n3A_431 : i32
          %select_n3A_442 = arith.select %and3A_440, %add3A_441, %rem3A_432 : i32
          %mul3A_443 = arith.constant 8 : i32
          %mul3A_444 = arith.muli %select_n3A_442, %mul3A_443 : i32
          %multiple_of3A = tpu.assume_multiple %mul3A_444, 8 : i32
          %add3A_445 = arith.addi %add3A_15, %select_n3A_426 : i32
          %add3A_446 = arith.addi %select_n3A_73, %select_n3A_426 : i32
          %dma_start3A = arith.constant 0 : i32
          %dma_start3A_447 = tpu.memref_slice %arg3[%add3A_446, %multiple_of3A, %dma_start3A] : memref<721x32x4096xf32, #tpu.memory_space<hbm>> -> memref<1x8x4096xf32, #tpu.memory_space<hbm>>
          %dma_start3A_448 = tpu.memref_squeeze %dma_start3A_447 : memref<1x8x4096xf32, #tpu.memory_space<hbm>> -> memref<8x4096xf32, #tpu.memory_space<hbm>>
          %dma_start3A_449 = arith.constant 0 : i32
          %dma_start3A_450 = tpu.memref_slice %arg3[%add3A_446, %multiple_of3A, %dma_start3A_449] : memref<721x32x4096xf32, #tpu.memory_space<hbm>> -> memref<1x8x4096xf32, #tpu.memory_space<hbm>>
          %dma_start3A_451 = tpu.memref_squeeze %dma_start3A_450 : memref<1x8x4096xf32, #tpu.memory_space<hbm>> -> memref<8x4096xf32, #tpu.memory_space<hbm>>
          tpu.enqueue_dma source(%arg4 : memref<8x4096xf32, #tpu.memory_space<vmem>>) target(%dma_start3A_451 : memref<8x4096xf32, #tpu.memory_space<hbm>>) target_semaphore(%arg10 : memref<!tpu.dma_semaphore, #tpu.memory_space<semaphore_mem>>)
        } else {
        }
        %mul3A_379 = arith.constant 3 : i32
        %mul3A_380 = arith.muli %mul3A_379, %while3A_346 : i32
        %add3A_381 = arith.constant 1 : i32
        %add3A_382 = arith.addi %mul3A_380, %add3A_381 : i32
        %lt3A_383 = arith.cmpi slt, %add3A_382, %mul3A_128 : i32
        %convert_element_type3A_384 = arith.extui %lt3A_383 : i1 to i32
        %cond3A_385 = arith.constant 0 : i32
        %cond3A_386 = arith.cmpi ne, %convert_element_type3A_384, %cond3A_385 : i32
        scf.if %cond3A_386 {
          %dma_wait3A = arith.constant 0 : i32
          %dma_wait3A_395 = arith.constant 0 : i32
          %dma_wait3A_396 = arith.constant 0 : i32
          %dma_wait3A_397 = tpu.memref_slice %arg2[%dma_wait3A, %dma_wait3A_395, %dma_wait3A_396] : memref<961x32x4096xf32, #tpu.memory_space<hbm>> -> memref<1x8x4096xf32, #tpu.memory_space<hbm>>
          %dma_wait3A_398 = tpu.memref_squeeze %dma_wait3A_397 : memref<1x8x4096xf32, #tpu.memory_space<hbm>> -> memref<8x4096xf32, #tpu.memory_space<hbm>>
          %dma_wait3A_399 = arith.constant 0 : i32
          %dma_wait3A_400 = arith.constant 0 : i32
          %dma_wait3A_401 = tpu.memref_slice %arg2[%dma_wait3A, %dma_wait3A_399, %dma_wait3A_400] : memref<961x32x4096xf32, #tpu.memory_space<hbm>> -> memref<1x8x4096xf32, #tpu.memory_space<hbm>>
          %dma_wait3A_402 = tpu.memref_squeeze %dma_wait3A_401 : memref<1x8x4096xf32, #tpu.memory_space<hbm>> -> memref<8x4096xf32, #tpu.memory_space<hbm>>
          tpu.wait_dma2 semaphore(%arg8 : memref<!tpu.dma_semaphore, #tpu.memory_space<semaphore_mem>>) src(%dma_wait3A_402 : memref<8x4096xf32, #tpu.memory_space<hbm>>) dst(%arg5 : memref<8x4096xf32, #tpu.memory_space<vmem>>)
          %jit3A_403 = arith.constant 4 : i32
          %div3A_404 = arith.divsi %add3A_382, %jit3A_403 : i32
          %sign3A_405 = arith.constant 0 : i32
          %sign3A_406 = arith.cmpi sgt, %add3A_382, %sign3A_405 : i32
          %sign3A_407 = arith.extui %sign3A_406 : i1 to i32
          %sign3A_408 = arith.constant 0 : i32
          %sign3A_409 = arith.cmpi slt, %add3A_382, %sign3A_408 : i32
          %sign3A_410 = arith.extui %sign3A_409 : i1 to i32
          %sign3A_411 = arith.subi %sign3A_407, %sign3A_410 : i32
          %sign3A_412 = arith.constant 0 : i32
          %sign3A_413 = arith.cmpi sgt, %jit3A_403, %sign3A_412 : i32
          %sign3A_414 = arith.extui %sign3A_413 : i1 to i32
          %sign3A_415 = arith.constant 0 : i32
          %sign3A_416 = arith.cmpi slt, %jit3A_403, %sign3A_415 : i32
          %sign3A_417 = arith.extui %sign3A_416 : i1 to i32
          %sign3A_418 = arith.subi %sign3A_414, %sign3A_417 : i32
          %ne3A_419 = arith.cmpi ne, %sign3A_411, %sign3A_418 : i32
          %rem3A_420 = arith.remsi %add3A_382, %jit3A_403 : i32
          %ne3A_421 = arith.constant 0 : i32
          %ne3A_422 = arith.cmpi ne, %rem3A_420, %ne3A_421 : i32
          %and3A_423 = arith.andi %ne3A_419, %ne3A_422 : i1
          %sub3A_424 = arith.constant 1 : i32
          %sub3A_425 = arith.subi %div3A_404, %sub3A_424 : i32
          %select_n3A_426 = arith.select %and3A_423, %sub3A_425, %div3A_404 : i32
          %jit3A_427 = arith.constant 4 : i32
          %eq3A_428 = arith.constant 0 : i32
          %eq3A_429 = arith.cmpi eq, %jit3A_427, %eq3A_428 : i32
          %jit3A_430 = arith.constant 1 : i32
          %select_n3A_431 = arith.select %eq3A_429, %jit3A_430, %jit3A_427 : i32
          %rem3A_432 = arith.remsi %add3A_382, %select_n3A_431 : i32
          %ne3A_433 = arith.constant 0 : i32
          %ne3A_434 = arith.cmpi ne, %rem3A_432, %ne3A_433 : i32
          %lt3A_435 = arith.constant 0 : i32
          %lt3A_436 = arith.cmpi slt, %rem3A_432, %lt3A_435 : i32
          %lt3A_437 = arith.constant 0 : i32
          %lt3A_438 = arith.cmpi slt, %select_n3A_431, %lt3A_437 : i32
          %ne3A_439 = arith.xori %lt3A_436, %lt3A_438 : i1
          %and3A_440 = arith.andi %ne3A_439, %ne3A_434 : i1
          %add3A_441 = arith.addi %rem3A_432, %select_n3A_431 : i32
          %select_n3A_442 = arith.select %and3A_440, %add3A_441, %rem3A_432 : i32
          %mul3A_443 = arith.constant 8 : i32
          %mul3A_444 = arith.muli %select_n3A_442, %mul3A_443 : i32
          %multiple_of3A = tpu.assume_multiple %mul3A_444, 8 : i32
          %add3A_445 = arith.addi %add3A_15, %select_n3A_426 : i32
          %add3A_446 = arith.addi %select_n3A_73, %select_n3A_426 : i32
          %dma_start3A = arith.constant 0 : i32
          %dma_start3A_447 = tpu.memref_slice %arg3[%add3A_446, %multiple_of3A, %dma_start3A] : memref<721x32x4096xf32, #tpu.memory_space<hbm>> -> memref<1x8x4096xf32, #tpu.memory_space<hbm>>
          %dma_start3A_448 = tpu.memref_squeeze %dma_start3A_447 : memref<1x8x4096xf32, #tpu.memory_space<hbm>> -> memref<8x4096xf32, #tpu.memory_space<hbm>>
          %dma_start3A_449 = arith.constant 0 : i32
          %dma_start3A_450 = tpu.memref_slice %arg3[%add3A_446, %multiple_of3A, %dma_start3A_449] : memref<721x32x4096xf32, #tpu.memory_space<hbm>> -> memref<1x8x4096xf32, #tpu.memory_space<hbm>>
          %dma_start3A_451 = tpu.memref_squeeze %dma_start3A_450 : memref<1x8x4096xf32, #tpu.memory_space<hbm>> -> memref<8x4096xf32, #tpu.memory_space<hbm>>
          tpu.enqueue_dma source(%arg5 : memref<8x4096xf32, #tpu.memory_space<vmem>>) target(%dma_start3A_451 : memref<8x4096xf32, #tpu.memory_space<hbm>>) target_semaphore(%arg11 : memref<!tpu.dma_semaphore, #tpu.memory_space<semaphore_mem>>)
        } else {
        }
        %mul3A_387 = arith.constant 3 : i32
        %mul3A_388 = arith.muli %mul3A_387, %while3A_346 : i32
        %add3A_389 = arith.constant 2 : i32
        %add3A_390 = arith.addi %mul3A_388, %add3A_389 : i32
        %lt3A_391 = arith.cmpi slt, %add3A_390, %mul3A_128 : i32
        %convert_element_type3A_392 = arith.extui %lt3A_391 : i1 to i32
        %cond3A_393 = arith.constant 0 : i32
        %cond3A_394 = arith.cmpi ne, %convert_element_type3A_392, %cond3A_393 : i32
        scf.if %cond3A_394 {
          %dma_wait3A = arith.constant 0 : i32
          %dma_wait3A_395 = arith.constant 0 : i32
          %dma_wait3A_396 = arith.constant 0 : i32
          %dma_wait3A_397 = tpu.memref_slice %arg2[%dma_wait3A, %dma_wait3A_395, %dma_wait3A_396] : memref<961x32x4096xf32, #tpu.memory_space<hbm>> -> memref<1x8x4096xf32, #tpu.memory_space<hbm>>
          %dma_wait3A_398 = tpu.memref_squeeze %dma_wait3A_397 : memref<1x8x4096xf32, #tpu.memory_space<hbm>> -> memref<8x4096xf32, #tpu.memory_space<hbm>>
          %dma_wait3A_399 = arith.constant 0 : i32
          %dma_wait3A_400 = arith.constant 0 : i32
          %dma_wait3A_401 = tpu.memref_slice %arg2[%dma_wait3A, %dma_wait3A_399, %dma_wait3A_400] : memref<961x32x4096xf32, #tpu.memory_space<hbm>> -> memref<1x8x4096xf32, #tpu.memory_space<hbm>>
          %dma_wait3A_402 = tpu.memref_squeeze %dma_wait3A_401 : memref<1x8x4096xf32, #tpu.memory_space<hbm>> -> memref<8x4096xf32, #tpu.memory_space<hbm>>
          tpu.wait_dma2 semaphore(%arg9 : memref<!tpu.dma_semaphore, #tpu.memory_space<semaphore_mem>>) src(%dma_wait3A_402 : memref<8x4096xf32, #tpu.memory_space<hbm>>) dst(%arg6 : memref<8x4096xf32, #tpu.memory_space<vmem>>)
          %jit3A_403 = arith.constant 4 : i32
          %div3A_404 = arith.divsi %add3A_390, %jit3A_403 : i32
          %sign3A_405 = arith.constant 0 : i32
          %sign3A_406 = arith.cmpi sgt, %add3A_390, %sign3A_405 : i32
          %sign3A_407 = arith.extui %sign3A_406 : i1 to i32
          %sign3A_408 = arith.constant 0 : i32
          %sign3A_409 = arith.cmpi slt, %add3A_390, %sign3A_408 : i32
          %sign3A_410 = arith.extui %sign3A_409 : i1 to i32
          %sign3A_411 = arith.subi %sign3A_407, %sign3A_410 : i32
          %sign3A_412 = arith.constant 0 : i32
          %sign3A_413 = arith.cmpi sgt, %jit3A_403, %sign3A_412 : i32
          %sign3A_414 = arith.extui %sign3A_413 : i1 to i32
          %sign3A_415 = arith.constant 0 : i32
          %sign3A_416 = arith.cmpi slt, %jit3A_403, %sign3A_415 : i32
          %sign3A_417 = arith.extui %sign3A_416 : i1 to i32
          %sign3A_418 = arith.subi %sign3A_414, %sign3A_417 : i32
          %ne3A_419 = arith.cmpi ne, %sign3A_411, %sign3A_418 : i32
          %rem3A_420 = arith.remsi %add3A_390, %jit3A_403 : i32
          %ne3A_421 = arith.constant 0 : i32
          %ne3A_422 = arith.cmpi ne, %rem3A_420, %ne3A_421 : i32
          %and3A_423 = arith.andi %ne3A_419, %ne3A_422 : i1
          %sub3A_424 = arith.constant 1 : i32
          %sub3A_425 = arith.subi %div3A_404, %sub3A_424 : i32
          %select_n3A_426 = arith.select %and3A_423, %sub3A_425, %div3A_404 : i32
          %jit3A_427 = arith.constant 4 : i32
          %eq3A_428 = arith.constant 0 : i32
          %eq3A_429 = arith.cmpi eq, %jit3A_427, %eq3A_428 : i32
          %jit3A_430 = arith.constant 1 : i32
          %select_n3A_431 = arith.select %eq3A_429, %jit3A_430, %jit3A_427 : i32
          %rem3A_432 = arith.remsi %add3A_390, %select_n3A_431 : i32
          %ne3A_433 = arith.constant 0 : i32
          %ne3A_434 = arith.cmpi ne, %rem3A_432, %ne3A_433 : i32
          %lt3A_435 = arith.constant 0 : i32
          %lt3A_436 = arith.cmpi slt, %rem3A_432, %lt3A_435 : i32
          %lt3A_437 = arith.constant 0 : i32
          %lt3A_438 = arith.cmpi slt, %select_n3A_431, %lt3A_437 : i32
          %ne3A_439 = arith.xori %lt3A_436, %lt3A_438 : i1
          %and3A_440 = arith.andi %ne3A_439, %ne3A_434 : i1
          %add3A_441 = arith.addi %rem3A_432, %select_n3A_431 : i32
          %select_n3A_442 = arith.select %and3A_440, %add3A_441, %rem3A_432 : i32
          %mul3A_443 = arith.constant 8 : i32
          %mul3A_444 = arith.muli %select_n3A_442, %mul3A_443 : i32
          %multiple_of3A = tpu.assume_multiple %mul3A_444, 8 : i32
          %add3A_445 = arith.addi %add3A_15, %select_n3A_426 : i32
          %add3A_446 = arith.addi %select_n3A_73, %select_n3A_426 : i32
          %dma_start3A = arith.constant 0 : i32
          %dma_start3A_447 = tpu.memref_slice %arg3[%add3A_446, %multiple_of3A, %dma_start3A] : memref<721x32x4096xf32, #tpu.memory_space<hbm>> -> memref<1x8x4096xf32, #tpu.memory_space<hbm>>
          %dma_start3A_448 = tpu.memref_squeeze %dma_start3A_447 : memref<1x8x4096xf32, #tpu.memory_space<hbm>> -> memref<8x4096xf32, #tpu.memory_space<hbm>>
          %dma_start3A_449 = arith.constant 0 : i32
          %dma_start3A_450 = tpu.memref_slice %arg3[%add3A_446, %multiple_of3A, %dma_start3A_449] : memref<721x32x4096xf32, #tpu.memory_space<hbm>> -> memref<1x8x4096xf32, #tpu.memory_space<hbm>>
          %dma_start3A_451 = tpu.memref_squeeze %dma_start3A_450 : memref<1x8x4096xf32, #tpu.memory_space<hbm>> -> memref<8x4096xf32, #tpu.memory_space<hbm>>
          tpu.enqueue_dma source(%arg6 : memref<8x4096xf32, #tpu.memory_space<vmem>>) target(%dma_start3A_451 : memref<8x4096xf32, #tpu.memory_space<hbm>>) target_semaphore(%arg12 : memref<!tpu.dma_semaphore, #tpu.memory_space<semaphore_mem>>)
        } else {
        }
      }
      %gt3A = arith.constant 0 : i32
      %gt3A_166 = arith.cmpi sgt, %mul3A_128, %gt3A : i32
      %convert_element_type3A_167 = arith.extui %gt3A_166 : i1 to i32
      %cond3A_168 = arith.constant 0 : i32
      %cond3A_169 = arith.cmpi ne, %convert_element_type3A_167, %cond3A_168 : i32
      scf.if %cond3A_169 {
        %dma_wait3A = arith.constant 0 : i32
        %dma_wait3A_346 = arith.constant 0 : i32
        %dma_wait3A_347 = arith.constant 0 : i32
        %dma_wait3A_348 = tpu.memref_slice %arg3[%dma_wait3A, %dma_wait3A_346, %dma_wait3A_347] : memref<721x32x4096xf32, #tpu.memory_space<hbm>> -> memref<1x8x4096xf32, #tpu.memory_space<hbm>>
        %dma_wait3A_349 = tpu.memref_squeeze %dma_wait3A_348 : memref<1x8x4096xf32, #tpu.memory_space<hbm>> -> memref<8x4096xf32, #tpu.memory_space<hbm>>
        %dma_wait3A_350 = arith.constant 0 : i32
        %dma_wait3A_351 = arith.constant 0 : i32
        %dma_wait3A_352 = tpu.memref_slice %arg3[%dma_wait3A, %dma_wait3A_350, %dma_wait3A_351] : memref<721x32x4096xf32, #tpu.memory_space<hbm>> -> memref<1x8x4096xf32, #tpu.memory_space<hbm>>
        %dma_wait3A_353 = tpu.memref_squeeze %dma_wait3A_352 : memref<1x8x4096xf32, #tpu.memory_space<hbm>> -> memref<8x4096xf32, #tpu.memory_space<hbm>>
        tpu.wait_dma2 semaphore(%arg10 : memref<!tpu.dma_semaphore, #tpu.memory_space<semaphore_mem>>) src(%arg4 : memref<8x4096xf32, #tpu.memory_space<vmem>>) dst(%dma_wait3A_353 : memref<8x4096xf32, #tpu.memory_space<hbm>>)
      } else {
      }
      %gt3A_170 = arith.constant 1 : i32
      %gt3A_171 = arith.cmpi sgt, %mul3A_128, %gt3A_170 : i32
      %convert_element_type3A_172 = arith.extui %gt3A_171 : i1 to i32
      %cond3A_173 = arith.constant 0 : i32
      %cond3A_174 = arith.cmpi ne, %convert_element_type3A_172, %cond3A_173 : i32
      scf.if %cond3A_174 {
        %dma_wait3A = arith.constant 0 : i32
        %dma_wait3A_346 = arith.constant 0 : i32
        %dma_wait3A_347 = arith.constant 0 : i32
        %dma_wait3A_348 = tpu.memref_slice %arg3[%dma_wait3A, %dma_wait3A_346, %dma_wait3A_347] : memref<721x32x4096xf32, #tpu.memory_space<hbm>> -> memref<1x8x4096xf32, #tpu.memory_space<hbm>>
        %dma_wait3A_349 = tpu.memref_squeeze %dma_wait3A_348 : memref<1x8x4096xf32, #tpu.memory_space<hbm>> -> memref<8x4096xf32, #tpu.memory_space<hbm>>
        %dma_wait3A_350 = arith.constant 0 : i32
        %dma_wait3A_351 = arith.constant 0 : i32
        %dma_wait3A_352 = tpu.memref_slice %arg3[%dma_wait3A, %dma_wait3A_350, %dma_wait3A_351] : memref<721x32x4096xf32, #tpu.memory_space<hbm>> -> memref<1x8x4096xf32, #tpu.memory_space<hbm>>
        %dma_wait3A_353 = tpu.memref_squeeze %dma_wait3A_352 : memref<1x8x4096xf32, #tpu.memory_space<hbm>> -> memref<8x4096xf32, #tpu.memory_space<hbm>>
        tpu.wait_dma2 semaphore(%arg11 : memref<!tpu.dma_semaphore, #tpu.memory_space<semaphore_mem>>) src(%arg5 : memref<8x4096xf32, #tpu.memory_space<vmem>>) dst(%dma_wait3A_353 : memref<8x4096xf32, #tpu.memory_space<hbm>>)
      } else {
      }
      %gt3A_175 = arith.constant 2 : i32
      %gt3A_176 = arith.cmpi sgt, %mul3A_128, %gt3A_175 : i32
      %convert_element_type3A_177 = arith.extui %gt3A_176 : i1 to i32
      %cond3A_178 = arith.constant 0 : i32
      %cond3A_179 = arith.cmpi ne, %convert_element_type3A_177, %cond3A_178 : i32
      scf.if %cond3A_179 {
        %dma_wait3A = arith.constant 0 : i32
        %dma_wait3A_346 = arith.constant 0 : i32
        %dma_wait3A_347 = arith.constant 0 : i32
        %dma_wait3A_348 = tpu.memref_slice %arg3[%dma_wait3A, %dma_wait3A_346, %dma_wait3A_347] : memref<721x32x4096xf32, #tpu.memory_space<hbm>> -> memref<1x8x4096xf32, #tpu.memory_space<hbm>>
        %dma_wait3A_349 = tpu.memref_squeeze %dma_wait3A_348 : memref<1x8x4096xf32, #tpu.memory_space<hbm>> -> memref<8x4096xf32, #tpu.memory_space<hbm>>
        %dma_wait3A_350 = arith.constant 0 : i32
        %dma_wait3A_351 = arith.constant 0 : i32
        %dma_wait3A_352 = tpu.memref_slice %arg3[%dma_wait3A, %dma_wait3A_350, %dma_wait3A_351] : memref<721x32x4096xf32, #tpu.memory_space<hbm>> -> memref<1x8x4096xf32, #tpu.memory_space<hbm>>
        %dma_wait3A_353 = tpu.memref_squeeze %dma_wait3A_352 : memref<1x8x4096xf32, #tpu.memory_space<hbm>> -> memref<8x4096xf32, #tpu.memory_space<hbm>>
        tpu.wait_dma2 semaphore(%arg12 : memref<!tpu.dma_semaphore, #tpu.memory_space<semaphore_mem>>) src(%arg6 : memref<8x4096xf32, #tpu.memory_space<vmem>>) dst(%dma_wait3A_353 : memref<8x4096xf32, #tpu.memory_space<hbm>>)
      } else {
      }
      %add3A_180 = arith.constant 15 : i32
      %add3A_181 = arith.addi %add3A, %add3A_180 : i32
      %rem3A_182 = arith.constant 31 : i32
      %rem3A_183 = arith.remsi %add3A_181, %rem3A_182 : i32
      %sub3A_184 = arith.constant 15 : i32
      %sub3A_185 = arith.subi %sub3A_184, %rem3A_183 : i32
      %max3A_186 = arith.constant 0 : i32
      %max3A_187 = arith.maxsi %max3A_186, %sub3A_185 : i32
      %sub3A_188 = arith.constant 15 : i32
      %sub3A_189 = arith.subi %rem3A_183, %sub3A_188 : i32
      %abs3A_190 = math.absi %sub3A_189 : i32
      %sub3A_191 = arith.constant 31 : i32
      %sub3A_192 = arith.subi %sub3A_191, %abs3A_190 : i32
      %mul3A_193 = arith.constant 31 : i32
      %mul3A_194 = arith.muli %rem3A_183, %mul3A_193 : i32
      %add3A_195 = arith.addi %mul3A_194, %max3A_187 : i32
      %le3A_196 = arith.constant 15 : i32
      %le3A_197 = arith.cmpi sle, %rem3A_183, %le3A_196 : i32
      %mul3A_198 = arith.constant 16 : i32
      %mul3A_199 = arith.muli %mul3A_198, %rem3A_183 : i32
      %sub3A_200 = arith.constant 1 : i32
      %sub3A_201 = arith.subi %rem3A_183, %sub3A_200 : i32
      %mul3A_202 = arith.muli %rem3A_183, %sub3A_201 : i32
      %jit3A_203 = arith.constant 2 : i32
      %div3A_204 = arith.divsi %mul3A_202, %jit3A_203 : i32
      %sign3A_205 = arith.constant 0 : i32
      %sign3A_206 = arith.cmpi sgt, %mul3A_202, %sign3A_205 : i32
      %sign3A_207 = arith.extui %sign3A_206 : i1 to i32
      %sign3A_208 = arith.constant 0 : i32
      %sign3A_209 = arith.cmpi slt, %mul3A_202, %sign3A_208 : i32
      %sign3A_210 = arith.extui %sign3A_209 : i1 to i32
      %sign3A_211 = arith.subi %sign3A_207, %sign3A_210 : i32
      %sign3A_212 = arith.constant 0 : i32
      %sign3A_213 = arith.cmpi sgt, %jit3A_203, %sign3A_212 : i32
      %sign3A_214 = arith.extui %sign3A_213 : i1 to i32
      %sign3A_215 = arith.constant 0 : i32
      %sign3A_216 = arith.cmpi slt, %jit3A_203, %sign3A_215 : i32
      %sign3A_217 = arith.extui %sign3A_216 : i1 to i32
      %sign3A_218 = arith.subi %sign3A_214, %sign3A_217 : i32
      %ne3A_219 = arith.cmpi ne, %sign3A_211, %sign3A_218 : i32
      %rem3A_220 = arith.remsi %mul3A_202, %jit3A_203 : i32
      %ne3A_221 = arith.constant 0 : i32
      %ne3A_222 = arith.cmpi ne, %rem3A_220, %ne3A_221 : i32
      %and3A_223 = arith.andi %ne3A_219, %ne3A_222 : i1
      %sub3A_224 = arith.constant 1 : i32
      %sub3A_225 = arith.subi %div3A_204, %sub3A_224 : i32
      %select_n3A_226 = arith.select %and3A_223, %sub3A_225, %div3A_204 : i32
      %add3A_227 = arith.addi %mul3A_199, %select_n3A_226 : i32
      %sub3A_228 = arith.constant 46 : i32
      %sub3A_229 = arith.subi %sub3A_228, %rem3A_183 : i32
      %sub3A_230 = arith.constant 47 : i32
      %sub3A_231 = arith.subi %sub3A_230, %rem3A_183 : i32
      %mul3A_232 = arith.muli %sub3A_229, %sub3A_231 : i32
      %jit3A_233 = arith.constant 2 : i32
      %div3A_234 = arith.divsi %mul3A_232, %jit3A_233 : i32
      %sign3A_235 = arith.constant 0 : i32
      %sign3A_236 = arith.cmpi sgt, %mul3A_232, %sign3A_235 : i32
      %sign3A_237 = arith.extui %sign3A_236 : i1 to i32
      %sign3A_238 = arith.constant 0 : i32
      %sign3A_239 = arith.cmpi slt, %mul3A_232, %sign3A_238 : i32
      %sign3A_240 = arith.extui %sign3A_239 : i1 to i32
      %sign3A_241 = arith.subi %sign3A_237, %sign3A_240 : i32
      %sign3A_242 = arith.constant 0 : i32
      %sign3A_243 = arith.cmpi sgt, %jit3A_233, %sign3A_242 : i32
      %sign3A_244 = arith.extui %sign3A_243 : i1 to i32
      %sign3A_245 = arith.constant 0 : i32
      %sign3A_246 = arith.cmpi slt, %jit3A_233, %sign3A_245 : i32
      %sign3A_247 = arith.extui %sign3A_246 : i1 to i32
      %sign3A_248 = arith.subi %sign3A_244, %sign3A_247 : i32
      %ne3A_249 = arith.cmpi ne, %sign3A_241, %sign3A_248 : i32
      %rem3A_250 = arith.remsi %mul3A_232, %jit3A_233 : i32
      %ne3A_251 = arith.constant 0 : i32
      %ne3A_252 = arith.cmpi ne, %rem3A_250, %ne3A_251 : i32
      %and3A_253 = arith.andi %ne3A_249, %ne3A_252 : i1
      %sub3A_254 = arith.constant 1 : i32
      %sub3A_255 = arith.subi %div3A_234, %sub3A_254 : i32
      %select_n3A_256 = arith.select %and3A_253, %sub3A_255, %div3A_234 : i32
      %sub3A_257 = arith.constant 721 : i32
      %sub3A_258 = arith.subi %sub3A_257, %select_n3A_256 : i32
      %add3A_259 = arith.constant 120 : i32
      %add3A_260 = arith.addi %sub3A_258, %add3A_259 : i32
      %select_n3A_261 = arith.select %le3A_197, %add3A_227, %add3A_260 : i32
      %add3A_262 = arith.constant 1 : i32
      %add3A_263 = arith.addi %sub3A_192, %add3A_262 : i32
      %jit3A_264 = arith.constant 2 : i32
      %div3A_265 = arith.divsi %add3A_263, %jit3A_264 : i32
      %sign3A_266 = arith.constant 0 : i32
      %sign3A_267 = arith.cmpi sgt, %add3A_263, %sign3A_266 : i32
      %sign3A_268 = arith.extui %sign3A_267 : i1 to i32
      %sign3A_269 = arith.constant 0 : i32
      %sign3A_270 = arith.cmpi slt, %add3A_263, %sign3A_269 : i32
      %sign3A_271 = arith.extui %sign3A_270 : i1 to i32
      %sign3A_272 = arith.subi %sign3A_268, %sign3A_271 : i32
      %sign3A_273 = arith.constant 0 : i32
      %sign3A_274 = arith.cmpi sgt, %jit3A_264, %sign3A_273 : i32
      %sign3A_275 = arith.extui %sign3A_274 : i1 to i32
      %sign3A_276 = arith.constant 0 : i32
      %sign3A_277 = arith.cmpi slt, %jit3A_264, %sign3A_276 : i32
      %sign3A_278 = arith.extui %sign3A_277 : i1 to i32
      %sign3A_279 = arith.subi %sign3A_275, %sign3A_278 : i32
      %ne3A_280 = arith.cmpi ne, %sign3A_272, %sign3A_279 : i32
      %rem3A_281 = arith.remsi %add3A_263, %jit3A_264 : i32
      %ne3A_282 = arith.constant 0 : i32
      %ne3A_283 = arith.cmpi ne, %rem3A_281, %ne3A_282 : i32
      %and3A_284 = arith.andi %ne3A_280, %ne3A_283 : i1
      %sub3A_285 = arith.constant 1 : i32
      %sub3A_286 = arith.subi %div3A_265, %sub3A_285 : i32
      %select_n3A_287 = arith.select %and3A_284, %sub3A_286, %div3A_265 : i32
      %add3A_288 = arith.addi %add3A_195, %select_n3A_287 : i32
      %add3A_289 = arith.addi %select_n3A_261, %select_n3A_287 : i32
      %sub3A_290 = arith.subi %sub3A_192, %select_n3A_287 : i32
      %mul3A_291 = arith.constant 4 : i32
      %mul3A_292 = arith.muli %sub3A_290, %mul3A_291 : i32
      %add3A_293 = arith.constant 3 : i32
      %add3A_294 = arith.addi %mul3A_292, %add3A_293 : i32
      %sub3A_295 = arith.constant 1 : i32
      %sub3A_296 = arith.subi %add3A_294, %sub3A_295 : i32
      %jit3A_297 = arith.constant 3 : i32
      %div3A_298 = arith.divsi %sub3A_296, %jit3A_297 : i32
      %sign3A_299 = arith.constant 0 : i32
      %sign3A_300 = arith.cmpi sgt, %sub3A_296, %sign3A_299 : i32
      %sign3A_301 = arith.extui %sign3A_300 : i1 to i32
      %sign3A_302 = arith.constant 0 : i32
      %sign3A_303 = arith.cmpi slt, %sub3A_296, %sign3A_302 : i32
      %sign3A_304 = arith.extui %sign3A_303 : i1 to i32
      %sign3A_305 = arith.subi %sign3A_301, %sign3A_304 : i32
      %sign3A_306 = arith.constant 0 : i32
      %sign3A_307 = arith.cmpi sgt, %jit3A_297, %sign3A_306 : i32
      %sign3A_308 = arith.extui %sign3A_307 : i1 to i32
      %sign3A_309 = arith.constant 0 : i32
      %sign3A_310 = arith.cmpi slt, %jit3A_297, %sign3A_309 : i32
      %sign3A_311 = arith.extui %sign3A_310 : i1 to i32
      %sign3A_312 = arith.subi %sign3A_308, %sign3A_311 : i32
      %ne3A_313 = arith.cmpi ne, %sign3A_305, %sign3A_312 : i32
      %rem3A_314 = arith.remsi %sub3A_296, %jit3A_297 : i32
      %ne3A_315 = arith.constant 0 : i32
      %ne3A_316 = arith.cmpi ne, %rem3A_314, %ne3A_315 : i32
      %and3A_317 = arith.andi %ne3A_313, %ne3A_316 : i1
      %sub3A_318 = arith.constant 1 : i32
      %sub3A_319 = arith.subi %div3A_298, %sub3A_318 : i32
      %select_n3A_320 = arith.select %and3A_317, %sub3A_319, %div3A_298 : i32
      %while3A_321 = arith.constant 0 : i32
      %while3A_322 = arith.constant 0 : i32
      %while3A_323 = arith.subi %select_n3A_320, %while3A_322 : i32
      %while3A_324 = arith.addi %while3A_322, %while3A_323 : i32
      %while3A_325 = arith.constant 1 : i32
      %while3A_326 = arith.divsi %while3A_323, %while3A_325 : i32
      %while3A_327 = arith.muli %while3A_326, %while3A_325 : i32
      %while3A_328 = arith.addi %while3A_322, %while3A_327 : i32
      %while3A_329 = arith.constant 1 : i32
      scf.for %while3A_346 = %while3A_322 to %while3A_328 step %while3A_329  : i32 {
        %mul3A_347 = arith.constant 3 : i32
        %mul3A_348 = arith.muli %mul3A_347, %while3A_346 : i32
        %add3A_349 = arith.constant 0 : i32
        %add3A_350 = arith.addi %mul3A_348, %add3A_349 : i32
        %lt3A_351 = arith.cmpi slt, %add3A_350, %mul3A_292 : i32
        %convert_element_type3A_352 = arith.extui %lt3A_351 : i1 to i32
        %cond3A_353 = arith.constant 0 : i32
        %cond3A_354 = arith.cmpi ne, %convert_element_type3A_352, %cond3A_353 : i32
        scf.if %cond3A_354 {
          %gt3A_395 = arith.constant 0 : i32
          %gt3A_396 = arith.cmpi sgt, %while3A_346, %gt3A_395 : i32
          %convert_element_type3A_397 = arith.extui %gt3A_396 : i1 to i32
          %cond3A_398 = arith.constant 0 : i32
          %cond3A_399 = arith.cmpi ne, %convert_element_type3A_397, %cond3A_398 : i32
          scf.if %cond3A_399 {
            %dma_wait3A = arith.constant 0 : i32
            %dma_wait3A_449 = arith.constant 0 : i32
            %dma_wait3A_450 = arith.constant 0 : i32
            %dma_wait3A_451 = tpu.memref_slice %arg3[%dma_wait3A, %dma_wait3A_449, %dma_wait3A_450] : memref<721x32x4096xf32, #tpu.memory_space<hbm>> -> memref<1x8x4096xf32, #tpu.memory_space<hbm>>
            %dma_wait3A_452 = tpu.memref_squeeze %dma_wait3A_451 : memref<1x8x4096xf32, #tpu.memory_space<hbm>> -> memref<8x4096xf32, #tpu.memory_space<hbm>>
            %dma_wait3A_453 = arith.constant 0 : i32
            %dma_wait3A_454 = arith.constant 0 : i32
            %dma_wait3A_455 = tpu.memref_slice %arg3[%dma_wait3A, %dma_wait3A_453, %dma_wait3A_454] : memref<721x32x4096xf32, #tpu.memory_space<hbm>> -> memref<1x8x4096xf32, #tpu.memory_space<hbm>>
            %dma_wait3A_456 = tpu.memref_squeeze %dma_wait3A_455 : memref<1x8x4096xf32, #tpu.memory_space<hbm>> -> memref<8x4096xf32, #tpu.memory_space<hbm>>
            tpu.wait_dma2 semaphore(%arg10 : memref<!tpu.dma_semaphore, #tpu.memory_space<semaphore_mem>>) src(%arg4 : memref<8x4096xf32, #tpu.memory_space<vmem>>) dst(%dma_wait3A_456 : memref<8x4096xf32, #tpu.memory_space<hbm>>)
          } else {
          }
          %jit3A_400 = arith.constant 4 : i32
          %div3A_401 = arith.divsi %add3A_350, %jit3A_400 : i32
          %sign3A_402 = arith.constant 0 : i32
          %sign3A_403 = arith.cmpi sgt, %add3A_350, %sign3A_402 : i32
          %sign3A_404 = arith.extui %sign3A_403 : i1 to i32
          %sign3A_405 = arith.constant 0 : i32
          %sign3A_406 = arith.cmpi slt, %add3A_350, %sign3A_405 : i32
          %sign3A_407 = arith.extui %sign3A_406 : i1 to i32
          %sign3A_408 = arith.subi %sign3A_404, %sign3A_407 : i32
          %sign3A_409 = arith.constant 0 : i32
          %sign3A_410 = arith.cmpi sgt, %jit3A_400, %sign3A_409 : i32
          %sign3A_411 = arith.extui %sign3A_410 : i1 to i32
          %sign3A_412 = arith.constant 0 : i32
          %sign3A_413 = arith.cmpi slt, %jit3A_400, %sign3A_412 : i32
          %sign3A_414 = arith.extui %sign3A_413 : i1 to i32
          %sign3A_415 = arith.subi %sign3A_411, %sign3A_414 : i32
          %ne3A_416 = arith.cmpi ne, %sign3A_408, %sign3A_415 : i32
          %rem3A_417 = arith.remsi %add3A_350, %jit3A_400 : i32
          %ne3A_418 = arith.constant 0 : i32
          %ne3A_419 = arith.cmpi ne, %rem3A_417, %ne3A_418 : i32
          %and3A_420 = arith.andi %ne3A_416, %ne3A_419 : i1
          %sub3A_421 = arith.constant 1 : i32
          %sub3A_422 = arith.subi %div3A_401, %sub3A_421 : i32
          %select_n3A_423 = arith.select %and3A_420, %sub3A_422, %div3A_401 : i32
          %jit3A_424 = arith.constant 4 : i32
          %eq3A_425 = arith.constant 0 : i32
          %eq3A_426 = arith.cmpi eq, %jit3A_424, %eq3A_425 : i32
          %jit3A_427 = arith.constant 1 : i32
          %select_n3A_428 = arith.select %eq3A_426, %jit3A_427, %jit3A_424 : i32
          %rem3A_429 = arith.remsi %add3A_350, %select_n3A_428 : i32
          %ne3A_430 = arith.constant 0 : i32
          %ne3A_431 = arith.cmpi ne, %rem3A_429, %ne3A_430 : i32
          %lt3A_432 = arith.constant 0 : i32
          %lt3A_433 = arith.cmpi slt, %rem3A_429, %lt3A_432 : i32
          %lt3A_434 = arith.constant 0 : i32
          %lt3A_435 = arith.cmpi slt, %select_n3A_428, %lt3A_434 : i32
          %ne3A_436 = arith.xori %lt3A_433, %lt3A_435 : i1
          %and3A_437 = arith.andi %ne3A_436, %ne3A_431 : i1
          %add3A_438 = arith.addi %rem3A_429, %select_n3A_428 : i32
          %select_n3A_439 = arith.select %and3A_437, %add3A_438, %rem3A_429 : i32
          %mul3A_440 = arith.constant 8 : i32
          %mul3A_441 = arith.muli %select_n3A_439, %mul3A_440 : i32
          %multiple_of3A = tpu.assume_multiple %mul3A_441, 8 : i32
          %add3A_442 = arith.addi %add3A_288, %select_n3A_423 : i32
          %add3A_443 = arith.addi %add3A_289, %select_n3A_423 : i32
          %dma_start3A = arith.constant 0 : i32
          %dma_start3A_444 = tpu.memref_slice %arg2[%add3A_442, %multiple_of3A, %dma_start3A] : memref<961x32x4096xf32, #tpu.memory_space<hbm>> -> memref<1x8x4096xf32, #tpu.memory_space<hbm>>
          %dma_start3A_445 = tpu.memref_squeeze %dma_start3A_444 : memref<1x8x4096xf32, #tpu.memory_space<hbm>> -> memref<8x4096xf32, #tpu.memory_space<hbm>>
          %dma_start3A_446 = arith.constant 0 : i32
          %dma_start3A_447 = tpu.memref_slice %arg2[%add3A_442, %multiple_of3A, %dma_start3A_446] : memref<961x32x4096xf32, #tpu.memory_space<hbm>> -> memref<1x8x4096xf32, #tpu.memory_space<hbm>>
          %dma_start3A_448 = tpu.memref_squeeze %dma_start3A_447 : memref<1x8x4096xf32, #tpu.memory_space<hbm>> -> memref<8x4096xf32, #tpu.memory_space<hbm>>
          tpu.enqueue_dma source(%dma_start3A_448 : memref<8x4096xf32, #tpu.memory_space<hbm>>) target(%arg4 : memref<8x4096xf32, #tpu.memory_space<vmem>>) target_semaphore(%arg7 : memref<!tpu.dma_semaphore, #tpu.memory_space<semaphore_mem>>)
        } else {
        }
        %mul3A_355 = arith.constant 3 : i32
        %mul3A_356 = arith.muli %mul3A_355, %while3A_346 : i32
        %add3A_357 = arith.constant 1 : i32
        %add3A_358 = arith.addi %mul3A_356, %add3A_357 : i32
        %lt3A_359 = arith.cmpi slt, %add3A_358, %mul3A_292 : i32
        %convert_element_type3A_360 = arith.extui %lt3A_359 : i1 to i32
        %cond3A_361 = arith.constant 0 : i32
        %cond3A_362 = arith.cmpi ne, %convert_element_type3A_360, %cond3A_361 : i32
        scf.if %cond3A_362 {
          %gt3A_395 = arith.constant 0 : i32
          %gt3A_396 = arith.cmpi sgt, %while3A_346, %gt3A_395 : i32
          %convert_element_type3A_397 = arith.extui %gt3A_396 : i1 to i32
          %cond3A_398 = arith.constant 0 : i32
          %cond3A_399 = arith.cmpi ne, %convert_element_type3A_397, %cond3A_398 : i32
          scf.if %cond3A_399 {
            %dma_wait3A = arith.constant 0 : i32
            %dma_wait3A_449 = arith.constant 0 : i32
            %dma_wait3A_450 = arith.constant 0 : i32
            %dma_wait3A_451 = tpu.memref_slice %arg3[%dma_wait3A, %dma_wait3A_449, %dma_wait3A_450] : memref<721x32x4096xf32, #tpu.memory_space<hbm>> -> memref<1x8x4096xf32, #tpu.memory_space<hbm>>
            %dma_wait3A_452 = tpu.memref_squeeze %dma_wait3A_451 : memref<1x8x4096xf32, #tpu.memory_space<hbm>> -> memref<8x4096xf32, #tpu.memory_space<hbm>>
            %dma_wait3A_453 = arith.constant 0 : i32
            %dma_wait3A_454 = arith.constant 0 : i32
            %dma_wait3A_455 = tpu.memref_slice %arg3[%dma_wait3A, %dma_wait3A_453, %dma_wait3A_454] : memref<721x32x4096xf32, #tpu.memory_space<hbm>> -> memref<1x8x4096xf32, #tpu.memory_space<hbm>>
            %dma_wait3A_456 = tpu.memref_squeeze %dma_wait3A_455 : memref<1x8x4096xf32, #tpu.memory_space<hbm>> -> memref<8x4096xf32, #tpu.memory_space<hbm>>
            tpu.wait_dma2 semaphore(%arg11 : memref<!tpu.dma_semaphore, #tpu.memory_space<semaphore_mem>>) src(%arg5 : memref<8x4096xf32, #tpu.memory_space<vmem>>) dst(%dma_wait3A_456 : memref<8x4096xf32, #tpu.memory_space<hbm>>)
          } else {
          }
          %jit3A_400 = arith.constant 4 : i32
          %div3A_401 = arith.divsi %add3A_358, %jit3A_400 : i32
          %sign3A_402 = arith.constant 0 : i32
          %sign3A_403 = arith.cmpi sgt, %add3A_358, %sign3A_402 : i32
          %sign3A_404 = arith.extui %sign3A_403 : i1 to i32
          %sign3A_405 = arith.constant 0 : i32
          %sign3A_406 = arith.cmpi slt, %add3A_358, %sign3A_405 : i32
          %sign3A_407 = arith.extui %sign3A_406 : i1 to i32
          %sign3A_408 = arith.subi %sign3A_404, %sign3A_407 : i32
          %sign3A_409 = arith.constant 0 : i32
          %sign3A_410 = arith.cmpi sgt, %jit3A_400, %sign3A_409 : i32
          %sign3A_411 = arith.extui %sign3A_410 : i1 to i32
          %sign3A_412 = arith.constant 0 : i32
          %sign3A_413 = arith.cmpi slt, %jit3A_400, %sign3A_412 : i32
          %sign3A_414 = arith.extui %sign3A_413 : i1 to i32
          %sign3A_415 = arith.subi %sign3A_411, %sign3A_414 : i32
          %ne3A_416 = arith.cmpi ne, %sign3A_408, %sign3A_415 : i32
          %rem3A_417 = arith.remsi %add3A_358, %jit3A_400 : i32
          %ne3A_418 = arith.constant 0 : i32
          %ne3A_419 = arith.cmpi ne, %rem3A_417, %ne3A_418 : i32
          %and3A_420 = arith.andi %ne3A_416, %ne3A_419 : i1
          %sub3A_421 = arith.constant 1 : i32
          %sub3A_422 = arith.subi %div3A_401, %sub3A_421 : i32
          %select_n3A_423 = arith.select %and3A_420, %sub3A_422, %div3A_401 : i32
          %jit3A_424 = arith.constant 4 : i32
          %eq3A_425 = arith.constant 0 : i32
          %eq3A_426 = arith.cmpi eq, %jit3A_424, %eq3A_425 : i32
          %jit3A_427 = arith.constant 1 : i32
          %select_n3A_428 = arith.select %eq3A_426, %jit3A_427, %jit3A_424 : i32
          %rem3A_429 = arith.remsi %add3A_358, %select_n3A_428 : i32
          %ne3A_430 = arith.constant 0 : i32
          %ne3A_431 = arith.cmpi ne, %rem3A_429, %ne3A_430 : i32
          %lt3A_432 = arith.constant 0 : i32
          %lt3A_433 = arith.cmpi slt, %rem3A_429, %lt3A_432 : i32
          %lt3A_434 = arith.constant 0 : i32
          %lt3A_435 = arith.cmpi slt, %select_n3A_428, %lt3A_434 : i32
          %ne3A_436 = arith.xori %lt3A_433, %lt3A_435 : i1
          %and3A_437 = arith.andi %ne3A_436, %ne3A_431 : i1
          %add3A_438 = arith.addi %rem3A_429, %select_n3A_428 : i32
          %select_n3A_439 = arith.select %and3A_437, %add3A_438, %rem3A_429 : i32
          %mul3A_440 = arith.constant 8 : i32
          %mul3A_441 = arith.muli %select_n3A_439, %mul3A_440 : i32
          %multiple_of3A = tpu.assume_multiple %mul3A_441, 8 : i32
          %add3A_442 = arith.addi %add3A_288, %select_n3A_423 : i32
          %add3A_443 = arith.addi %add3A_289, %select_n3A_423 : i32
          %dma_start3A = arith.constant 0 : i32
          %dma_start3A_444 = tpu.memref_slice %arg2[%add3A_442, %multiple_of3A, %dma_start3A] : memref<961x32x4096xf32, #tpu.memory_space<hbm>> -> memref<1x8x4096xf32, #tpu.memory_space<hbm>>
          %dma_start3A_445 = tpu.memref_squeeze %dma_start3A_444 : memref<1x8x4096xf32, #tpu.memory_space<hbm>> -> memref<8x4096xf32, #tpu.memory_space<hbm>>
          %dma_start3A_446 = arith.constant 0 : i32
          %dma_start3A_447 = tpu.memref_slice %arg2[%add3A_442, %multiple_of3A, %dma_start3A_446] : memref<961x32x4096xf32, #tpu.memory_space<hbm>> -> memref<1x8x4096xf32, #tpu.memory_space<hbm>>
          %dma_start3A_448 = tpu.memref_squeeze %dma_start3A_447 : memref<1x8x4096xf32, #tpu.memory_space<hbm>> -> memref<8x4096xf32, #tpu.memory_space<hbm>>
          tpu.enqueue_dma source(%dma_start3A_448 : memref<8x4096xf32, #tpu.memory_space<hbm>>) target(%arg5 : memref<8x4096xf32, #tpu.memory_space<vmem>>) target_semaphore(%arg8 : memref<!tpu.dma_semaphore, #tpu.memory_space<semaphore_mem>>)
        } else {
        }
        %mul3A_363 = arith.constant 3 : i32
        %mul3A_364 = arith.muli %mul3A_363, %while3A_346 : i32
        %add3A_365 = arith.constant 2 : i32
        %add3A_366 = arith.addi %mul3A_364, %add3A_365 : i32
        %lt3A_367 = arith.cmpi slt, %add3A_366, %mul3A_292 : i32
        %convert_element_type3A_368 = arith.extui %lt3A_367 : i1 to i32
        %cond3A_369 = arith.constant 0 : i32
        %cond3A_370 = arith.cmpi ne, %convert_element_type3A_368, %cond3A_369 : i32
        scf.if %cond3A_370 {
          %gt3A_395 = arith.constant 0 : i32
          %gt3A_396 = arith.cmpi sgt, %while3A_346, %gt3A_395 : i32
          %convert_element_type3A_397 = arith.extui %gt3A_396 : i1 to i32
          %cond3A_398 = arith.constant 0 : i32
          %cond3A_399 = arith.cmpi ne, %convert_element_type3A_397, %cond3A_398 : i32
          scf.if %cond3A_399 {
            %dma_wait3A = arith.constant 0 : i32
            %dma_wait3A_449 = arith.constant 0 : i32
            %dma_wait3A_450 = arith.constant 0 : i32
            %dma_wait3A_451 = tpu.memref_slice %arg3[%dma_wait3A, %dma_wait3A_449, %dma_wait3A_450] : memref<721x32x4096xf32, #tpu.memory_space<hbm>> -> memref<1x8x4096xf32, #tpu.memory_space<hbm>>
            %dma_wait3A_452 = tpu.memref_squeeze %dma_wait3A_451 : memref<1x8x4096xf32, #tpu.memory_space<hbm>> -> memref<8x4096xf32, #tpu.memory_space<hbm>>
            %dma_wait3A_453 = arith.constant 0 : i32
            %dma_wait3A_454 = arith.constant 0 : i32
            %dma_wait3A_455 = tpu.memref_slice %arg3[%dma_wait3A, %dma_wait3A_453, %dma_wait3A_454] : memref<721x32x4096xf32, #tpu.memory_space<hbm>> -> memref<1x8x4096xf32, #tpu.memory_space<hbm>>
            %dma_wait3A_456 = tpu.memref_squeeze %dma_wait3A_455 : memref<1x8x4096xf32, #tpu.memory_space<hbm>> -> memref<8x4096xf32, #tpu.memory_space<hbm>>
            tpu.wait_dma2 semaphore(%arg12 : memref<!tpu.dma_semaphore, #tpu.memory_space<semaphore_mem>>) src(%arg6 : memref<8x4096xf32, #tpu.memory_space<vmem>>) dst(%dma_wait3A_456 : memref<8x4096xf32, #tpu.memory_space<hbm>>)
          } else {
          }
          %jit3A_400 = arith.constant 4 : i32
          %div3A_401 = arith.divsi %add3A_366, %jit3A_400 : i32
          %sign3A_402 = arith.constant 0 : i32
          %sign3A_403 = arith.cmpi sgt, %add3A_366, %sign3A_402 : i32
          %sign3A_404 = arith.extui %sign3A_403 : i1 to i32
          %sign3A_405 = arith.constant 0 : i32
          %sign3A_406 = arith.cmpi slt, %add3A_366, %sign3A_405 : i32
          %sign3A_407 = arith.extui %sign3A_406 : i1 to i32
          %sign3A_408 = arith.subi %sign3A_404, %sign3A_407 : i32
          %sign3A_409 = arith.constant 0 : i32
          %sign3A_410 = arith.cmpi sgt, %jit3A_400, %sign3A_409 : i32
          %sign3A_411 = arith.extui %sign3A_410 : i1 to i32
          %sign3A_412 = arith.constant 0 : i32
          %sign3A_413 = arith.cmpi slt, %jit3A_400, %sign3A_412 : i32
          %sign3A_414 = arith.extui %sign3A_413 : i1 to i32
          %sign3A_415 = arith.subi %sign3A_411, %sign3A_414 : i32
          %ne3A_416 = arith.cmpi ne, %sign3A_408, %sign3A_415 : i32
          %rem3A_417 = arith.remsi %add3A_366, %jit3A_400 : i32
          %ne3A_418 = arith.constant 0 : i32
          %ne3A_419 = arith.cmpi ne, %rem3A_417, %ne3A_418 : i32
          %and3A_420 = arith.andi %ne3A_416, %ne3A_419 : i1
          %sub3A_421 = arith.constant 1 : i32
          %sub3A_422 = arith.subi %div3A_401, %sub3A_421 : i32
          %select_n3A_423 = arith.select %and3A_420, %sub3A_422, %div3A_401 : i32
          %jit3A_424 = arith.constant 4 : i32
          %eq3A_425 = arith.constant 0 : i32
          %eq3A_426 = arith.cmpi eq, %jit3A_424, %eq3A_425 : i32
          %jit3A_427 = arith.constant 1 : i32
          %select_n3A_428 = arith.select %eq3A_426, %jit3A_427, %jit3A_424 : i32
          %rem3A_429 = arith.remsi %add3A_366, %select_n3A_428 : i32
          %ne3A_430 = arith.constant 0 : i32
          %ne3A_431 = arith.cmpi ne, %rem3A_429, %ne3A_430 : i32
          %lt3A_432 = arith.constant 0 : i32
          %lt3A_433 = arith.cmpi slt, %rem3A_429, %lt3A_432 : i32
          %lt3A_434 = arith.constant 0 : i32
          %lt3A_435 = arith.cmpi slt, %select_n3A_428, %lt3A_434 : i32
          %ne3A_436 = arith.xori %lt3A_433, %lt3A_435 : i1
          %and3A_437 = arith.andi %ne3A_436, %ne3A_431 : i1
          %add3A_438 = arith.addi %rem3A_429, %select_n3A_428 : i32
          %select_n3A_439 = arith.select %and3A_437, %add3A_438, %rem3A_429 : i32
          %mul3A_440 = arith.constant 8 : i32
          %mul3A_441 = arith.muli %select_n3A_439, %mul3A_440 : i32
          %multiple_of3A = tpu.assume_multiple %mul3A_441, 8 : i32
          %add3A_442 = arith.addi %add3A_288, %select_n3A_423 : i32
          %add3A_443 = arith.addi %add3A_289, %select_n3A_423 : i32
          %dma_start3A = arith.constant 0 : i32
          %dma_start3A_444 = tpu.memref_slice %arg2[%add3A_442, %multiple_of3A, %dma_start3A] : memref<961x32x4096xf32, #tpu.memory_space<hbm>> -> memref<1x8x4096xf32, #tpu.memory_space<hbm>>
          %dma_start3A_445 = tpu.memref_squeeze %dma_start3A_444 : memref<1x8x4096xf32, #tpu.memory_space<hbm>> -> memref<8x4096xf32, #tpu.memory_space<hbm>>
          %dma_start3A_446 = arith.constant 0 : i32
          %dma_start3A_447 = tpu.memref_slice %arg2[%add3A_442, %multiple_of3A, %dma_start3A_446] : memref<961x32x4096xf32, #tpu.memory_space<hbm>> -> memref<1x8x4096xf32, #tpu.memory_space<hbm>>
          %dma_start3A_448 = tpu.memref_squeeze %dma_start3A_447 : memref<1x8x4096xf32, #tpu.memory_space<hbm>> -> memref<8x4096xf32, #tpu.memory_space<hbm>>
          tpu.enqueue_dma source(%dma_start3A_448 : memref<8x4096xf32, #tpu.memory_space<hbm>>) target(%arg6 : memref<8x4096xf32, #tpu.memory_space<vmem>>) target_semaphore(%arg9 : memref<!tpu.dma_semaphore, #tpu.memory_space<semaphore_mem>>)
        } else {
        }
        %mul3A_371 = arith.constant 3 : i32
        %mul3A_372 = arith.muli %mul3A_371, %while3A_346 : i32
        %add3A_373 = arith.constant 0 : i32
        %add3A_374 = arith.addi %mul3A_372, %add3A_373 : i32
        %lt3A_375 = arith.cmpi slt, %add3A_374, %mul3A_292 : i32
        %convert_element_type3A_376 = arith.extui %lt3A_375 : i1 to i32
        %cond3A_377 = arith.constant 0 : i32
        %cond3A_378 = arith.cmpi ne, %convert_element_type3A_376, %cond3A_377 : i32
        scf.if %cond3A_378 {
          %dma_wait3A = arith.constant 0 : i32
          %dma_wait3A_395 = arith.constant 0 : i32
          %dma_wait3A_396 = arith.constant 0 : i32
          %dma_wait3A_397 = tpu.memref_slice %arg2[%dma_wait3A, %dma_wait3A_395, %dma_wait3A_396] : memref<961x32x4096xf32, #tpu.memory_space<hbm>> -> memref<1x8x4096xf32, #tpu.memory_space<hbm>>
          %dma_wait3A_398 = tpu.memref_squeeze %dma_wait3A_397 : memref<1x8x4096xf32, #tpu.memory_space<hbm>> -> memref<8x4096xf32, #tpu.memory_space<hbm>>
          %dma_wait3A_399 = arith.constant 0 : i32
          %dma_wait3A_400 = arith.constant 0 : i32
          %dma_wait3A_401 = tpu.memref_slice %arg2[%dma_wait3A, %dma_wait3A_399, %dma_wait3A_400] : memref<961x32x4096xf32, #tpu.memory_space<hbm>> -> memref<1x8x4096xf32, #tpu.memory_space<hbm>>
          %dma_wait3A_402 = tpu.memref_squeeze %dma_wait3A_401 : memref<1x8x4096xf32, #tpu.memory_space<hbm>> -> memref<8x4096xf32, #tpu.memory_space<hbm>>
          tpu.wait_dma2 semaphore(%arg7 : memref<!tpu.dma_semaphore, #tpu.memory_space<semaphore_mem>>) src(%dma_wait3A_402 : memref<8x4096xf32, #tpu.memory_space<hbm>>) dst(%arg4 : memref<8x4096xf32, #tpu.memory_space<vmem>>)
          %jit3A_403 = arith.constant 4 : i32
          %div3A_404 = arith.divsi %add3A_374, %jit3A_403 : i32
          %sign3A_405 = arith.constant 0 : i32
          %sign3A_406 = arith.cmpi sgt, %add3A_374, %sign3A_405 : i32
          %sign3A_407 = arith.extui %sign3A_406 : i1 to i32
          %sign3A_408 = arith.constant 0 : i32
          %sign3A_409 = arith.cmpi slt, %add3A_374, %sign3A_408 : i32
          %sign3A_410 = arith.extui %sign3A_409 : i1 to i32
          %sign3A_411 = arith.subi %sign3A_407, %sign3A_410 : i32
          %sign3A_412 = arith.constant 0 : i32
          %sign3A_413 = arith.cmpi sgt, %jit3A_403, %sign3A_412 : i32
          %sign3A_414 = arith.extui %sign3A_413 : i1 to i32
          %sign3A_415 = arith.constant 0 : i32
          %sign3A_416 = arith.cmpi slt, %jit3A_403, %sign3A_415 : i32
          %sign3A_417 = arith.extui %sign3A_416 : i1 to i32
          %sign3A_418 = arith.subi %sign3A_414, %sign3A_417 : i32
          %ne3A_419 = arith.cmpi ne, %sign3A_411, %sign3A_418 : i32
          %rem3A_420 = arith.remsi %add3A_374, %jit3A_403 : i32
          %ne3A_421 = arith.constant 0 : i32
          %ne3A_422 = arith.cmpi ne, %rem3A_420, %ne3A_421 : i32
          %and3A_423 = arith.andi %ne3A_419, %ne3A_422 : i1
          %sub3A_424 = arith.constant 1 : i32
          %sub3A_425 = arith.subi %div3A_404, %sub3A_424 : i32
          %select_n3A_426 = arith.select %and3A_423, %sub3A_425, %div3A_404 : i32
          %jit3A_427 = arith.constant 4 : i32
          %eq3A_428 = arith.constant 0 : i32
          %eq3A_429 = arith.cmpi eq, %jit3A_427, %eq3A_428 : i32
          %jit3A_430 = arith.constant 1 : i32
          %select_n3A_431 = arith.select %eq3A_429, %jit3A_430, %jit3A_427 : i32
          %rem3A_432 = arith.remsi %add3A_374, %select_n3A_431 : i32
          %ne3A_433 = arith.constant 0 : i32
          %ne3A_434 = arith.cmpi ne, %rem3A_432, %ne3A_433 : i32
          %lt3A_435 = arith.constant 0 : i32
          %lt3A_436 = arith.cmpi slt, %rem3A_432, %lt3A_435 : i32
          %lt3A_437 = arith.constant 0 : i32
          %lt3A_438 = arith.cmpi slt, %select_n3A_431, %lt3A_437 : i32
          %ne3A_439 = arith.xori %lt3A_436, %lt3A_438 : i1
          %and3A_440 = arith.andi %ne3A_439, %ne3A_434 : i1
          %add3A_441 = arith.addi %rem3A_432, %select_n3A_431 : i32
          %select_n3A_442 = arith.select %and3A_440, %add3A_441, %rem3A_432 : i32
          %mul3A_443 = arith.constant 8 : i32
          %mul3A_444 = arith.muli %select_n3A_442, %mul3A_443 : i32
          %multiple_of3A = tpu.assume_multiple %mul3A_444, 8 : i32
          %add3A_445 = arith.addi %add3A_288, %select_n3A_426 : i32
          %add3A_446 = arith.addi %add3A_289, %select_n3A_426 : i32
          %dma_start3A = arith.constant 0 : i32
          %dma_start3A_447 = tpu.memref_slice %arg3[%add3A_446, %multiple_of3A, %dma_start3A] : memref<721x32x4096xf32, #tpu.memory_space<hbm>> -> memref<1x8x4096xf32, #tpu.memory_space<hbm>>
          %dma_start3A_448 = tpu.memref_squeeze %dma_start3A_447 : memref<1x8x4096xf32, #tpu.memory_space<hbm>> -> memref<8x4096xf32, #tpu.memory_space<hbm>>
          %dma_start3A_449 = arith.constant 0 : i32
          %dma_start3A_450 = tpu.memref_slice %arg3[%add3A_446, %multiple_of3A, %dma_start3A_449] : memref<721x32x4096xf32, #tpu.memory_space<hbm>> -> memref<1x8x4096xf32, #tpu.memory_space<hbm>>
          %dma_start3A_451 = tpu.memref_squeeze %dma_start3A_450 : memref<1x8x4096xf32, #tpu.memory_space<hbm>> -> memref<8x4096xf32, #tpu.memory_space<hbm>>
          tpu.enqueue_dma source(%arg4 : memref<8x4096xf32, #tpu.memory_space<vmem>>) target(%dma_start3A_451 : memref<8x4096xf32, #tpu.memory_space<hbm>>) target_semaphore(%arg10 : memref<!tpu.dma_semaphore, #tpu.memory_space<semaphore_mem>>)
        } else {
        }
        %mul3A_379 = arith.constant 3 : i32
        %mul3A_380 = arith.muli %mul3A_379, %while3A_346 : i32
        %add3A_381 = arith.constant 1 : i32
        %add3A_382 = arith.addi %mul3A_380, %add3A_381 : i32
        %lt3A_383 = arith.cmpi slt, %add3A_382, %mul3A_292 : i32
        %convert_element_type3A_384 = arith.extui %lt3A_383 : i1 to i32
        %cond3A_385 = arith.constant 0 : i32
        %cond3A_386 = arith.cmpi ne, %convert_element_type3A_384, %cond3A_385 : i32
        scf.if %cond3A_386 {
          %dma_wait3A = arith.constant 0 : i32
          %dma_wait3A_395 = arith.constant 0 : i32
          %dma_wait3A_396 = arith.constant 0 : i32
          %dma_wait3A_397 = tpu.memref_slice %arg2[%dma_wait3A, %dma_wait3A_395, %dma_wait3A_396] : memref<961x32x4096xf32, #tpu.memory_space<hbm>> -> memref<1x8x4096xf32, #tpu.memory_space<hbm>>
          %dma_wait3A_398 = tpu.memref_squeeze %dma_wait3A_397 : memref<1x8x4096xf32, #tpu.memory_space<hbm>> -> memref<8x4096xf32, #tpu.memory_space<hbm>>
          %dma_wait3A_399 = arith.constant 0 : i32
          %dma_wait3A_400 = arith.constant 0 : i32
          %dma_wait3A_401 = tpu.memref_slice %arg2[%dma_wait3A, %dma_wait3A_399, %dma_wait3A_400] : memref<961x32x4096xf32, #tpu.memory_space<hbm>> -> memref<1x8x4096xf32, #tpu.memory_space<hbm>>
          %dma_wait3A_402 = tpu.memref_squeeze %dma_wait3A_401 : memref<1x8x4096xf32, #tpu.memory_space<hbm>> -> memref<8x4096xf32, #tpu.memory_space<hbm>>
          tpu.wait_dma2 semaphore(%arg8 : memref<!tpu.dma_semaphore, #tpu.memory_space<semaphore_mem>>) src(%dma_wait3A_402 : memref<8x4096xf32, #tpu.memory_space<hbm>>) dst(%arg5 : memref<8x4096xf32, #tpu.memory_space<vmem>>)
          %jit3A_403 = arith.constant 4 : i32
          %div3A_404 = arith.divsi %add3A_382, %jit3A_403 : i32
          %sign3A_405 = arith.constant 0 : i32
          %sign3A_406 = arith.cmpi sgt, %add3A_382, %sign3A_405 : i32
          %sign3A_407 = arith.extui %sign3A_406 : i1 to i32
          %sign3A_408 = arith.constant 0 : i32
          %sign3A_409 = arith.cmpi slt, %add3A_382, %sign3A_408 : i32
          %sign3A_410 = arith.extui %sign3A_409 : i1 to i32
          %sign3A_411 = arith.subi %sign3A_407, %sign3A_410 : i32
          %sign3A_412 = arith.constant 0 : i32
          %sign3A_413 = arith.cmpi sgt, %jit3A_403, %sign3A_412 : i32
          %sign3A_414 = arith.extui %sign3A_413 : i1 to i32
          %sign3A_415 = arith.constant 0 : i32
          %sign3A_416 = arith.cmpi slt, %jit3A_403, %sign3A_415 : i32
          %sign3A_417 = arith.extui %sign3A_416 : i1 to i32
          %sign3A_418 = arith.subi %sign3A_414, %sign3A_417 : i32
          %ne3A_419 = arith.cmpi ne, %sign3A_411, %sign3A_418 : i32
          %rem3A_420 = arith.remsi %add3A_382, %jit3A_403 : i32
          %ne3A_421 = arith.constant 0 : i32
          %ne3A_422 = arith.cmpi ne, %rem3A_420, %ne3A_421 : i32
          %and3A_423 = arith.andi %ne3A_419, %ne3A_422 : i1
          %sub3A_424 = arith.constant 1 : i32
          %sub3A_425 = arith.subi %div3A_404, %sub3A_424 : i32
          %select_n3A_426 = arith.select %and3A_423, %sub3A_425, %div3A_404 : i32
          %jit3A_427 = arith.constant 4 : i32
          %eq3A_428 = arith.constant 0 : i32
          %eq3A_429 = arith.cmpi eq, %jit3A_427, %eq3A_428 : i32
          %jit3A_430 = arith.constant 1 : i32
          %select_n3A_431 = arith.select %eq3A_429, %jit3A_430, %jit3A_427 : i32
          %rem3A_432 = arith.remsi %add3A_382, %select_n3A_431 : i32
          %ne3A_433 = arith.constant 0 : i32
          %ne3A_434 = arith.cmpi ne, %rem3A_432, %ne3A_433 : i32
          %lt3A_435 = arith.constant 0 : i32
          %lt3A_436 = arith.cmpi slt, %rem3A_432, %lt3A_435 : i32
          %lt3A_437 = arith.constant 0 : i32
          %lt3A_438 = arith.cmpi slt, %select_n3A_431, %lt3A_437 : i32
          %ne3A_439 = arith.xori %lt3A_436, %lt3A_438 : i1
          %and3A_440 = arith.andi %ne3A_439, %ne3A_434 : i1
          %add3A_441 = arith.addi %rem3A_432, %select_n3A_431 : i32
          %select_n3A_442 = arith.select %and3A_440, %add3A_441, %rem3A_432 : i32
          %mul3A_443 = arith.constant 8 : i32
          %mul3A_444 = arith.muli %select_n3A_442, %mul3A_443 : i32
          %multiple_of3A = tpu.assume_multiple %mul3A_444, 8 : i32
          %add3A_445 = arith.addi %add3A_288, %select_n3A_426 : i32
          %add3A_446 = arith.addi %add3A_289, %select_n3A_426 : i32
          %dma_start3A = arith.constant 0 : i32
          %dma_start3A_447 = tpu.memref_slice %arg3[%add3A_446, %multiple_of3A, %dma_start3A] : memref<721x32x4096xf32, #tpu.memory_space<hbm>> -> memref<1x8x4096xf32, #tpu.memory_space<hbm>>
          %dma_start3A_448 = tpu.memref_squeeze %dma_start3A_447 : memref<1x8x4096xf32, #tpu.memory_space<hbm>> -> memref<8x4096xf32, #tpu.memory_space<hbm>>
          %dma_start3A_449 = arith.constant 0 : i32
          %dma_start3A_450 = tpu.memref_slice %arg3[%add3A_446, %multiple_of3A, %dma_start3A_449] : memref<721x32x4096xf32, #tpu.memory_space<hbm>> -> memref<1x8x4096xf32, #tpu.memory_space<hbm>>
          %dma_start3A_451 = tpu.memref_squeeze %dma_start3A_450 : memref<1x8x4096xf32, #tpu.memory_space<hbm>> -> memref<8x4096xf32, #tpu.memory_space<hbm>>
          tpu.enqueue_dma source(%arg5 : memref<8x4096xf32, #tpu.memory_space<vmem>>) target(%dma_start3A_451 : memref<8x4096xf32, #tpu.memory_space<hbm>>) target_semaphore(%arg11 : memref<!tpu.dma_semaphore, #tpu.memory_space<semaphore_mem>>)
        } else {
        }
        %mul3A_387 = arith.constant 3 : i32
        %mul3A_388 = arith.muli %mul3A_387, %while3A_346 : i32
        %add3A_389 = arith.constant 2 : i32
        %add3A_390 = arith.addi %mul3A_388, %add3A_389 : i32
        %lt3A_391 = arith.cmpi slt, %add3A_390, %mul3A_292 : i32
        %convert_element_type3A_392 = arith.extui %lt3A_391 : i1 to i32
        %cond3A_393 = arith.constant 0 : i32
        %cond3A_394 = arith.cmpi ne, %convert_element_type3A_392, %cond3A_393 : i32
        scf.if %cond3A_394 {
          %dma_wait3A = arith.constant 0 : i32
          %dma_wait3A_395 = arith.constant 0 : i32
          %dma_wait3A_396 = arith.constant 0 : i32
          %dma_wait3A_397 = tpu.memref_slice %arg2[%dma_wait3A, %dma_wait3A_395, %dma_wait3A_396] : memref<961x32x4096xf32, #tpu.memory_space<hbm>> -> memref<1x8x4096xf32, #tpu.memory_space<hbm>>
          %dma_wait3A_398 = tpu.memref_squeeze %dma_wait3A_397 : memref<1x8x4096xf32, #tpu.memory_space<hbm>> -> memref<8x4096xf32, #tpu.memory_space<hbm>>
          %dma_wait3A_399 = arith.constant 0 : i32
          %dma_wait3A_400 = arith.constant 0 : i32
          %dma_wait3A_401 = tpu.memref_slice %arg2[%dma_wait3A, %dma_wait3A_399, %dma_wait3A_400] : memref<961x32x4096xf32, #tpu.memory_space<hbm>> -> memref<1x8x4096xf32, #tpu.memory_space<hbm>>
          %dma_wait3A_402 = tpu.memref_squeeze %dma_wait3A_401 : memref<1x8x4096xf32, #tpu.memory_space<hbm>> -> memref<8x4096xf32, #tpu.memory_space<hbm>>
          tpu.wait_dma2 semaphore(%arg9 : memref<!tpu.dma_semaphore, #tpu.memory_space<semaphore_mem>>) src(%dma_wait3A_402 : memref<8x4096xf32, #tpu.memory_space<hbm>>) dst(%arg6 : memref<8x4096xf32, #tpu.memory_space<vmem>>)
          %jit3A_403 = arith.constant 4 : i32
          %div3A_404 = arith.divsi %add3A_390, %jit3A_403 : i32
          %sign3A_405 = arith.constant 0 : i32
          %sign3A_406 = arith.cmpi sgt, %add3A_390, %sign3A_405 : i32
          %sign3A_407 = arith.extui %sign3A_406 : i1 to i32
          %sign3A_408 = arith.constant 0 : i32
          %sign3A_409 = arith.cmpi slt, %add3A_390, %sign3A_408 : i32
          %sign3A_410 = arith.extui %sign3A_409 : i1 to i32
          %sign3A_411 = arith.subi %sign3A_407, %sign3A_410 : i32
          %sign3A_412 = arith.constant 0 : i32
          %sign3A_413 = arith.cmpi sgt, %jit3A_403, %sign3A_412 : i32
          %sign3A_414 = arith.extui %sign3A_413 : i1 to i32
          %sign3A_415 = arith.constant 0 : i32
          %sign3A_416 = arith.cmpi slt, %jit3A_403, %sign3A_415 : i32
          %sign3A_417 = arith.extui %sign3A_416 : i1 to i32
          %sign3A_418 = arith.subi %sign3A_414, %sign3A_417 : i32
          %ne3A_419 = arith.cmpi ne, %sign3A_411, %sign3A_418 : i32
          %rem3A_420 = arith.remsi %add3A_390, %jit3A_403 : i32
          %ne3A_421 = arith.constant 0 : i32
          %ne3A_422 = arith.cmpi ne, %rem3A_420, %ne3A_421 : i32
          %and3A_423 = arith.andi %ne3A_419, %ne3A_422 : i1
          %sub3A_424 = arith.constant 1 : i32
          %sub3A_425 = arith.subi %div3A_404, %sub3A_424 : i32
          %select_n3A_426 = arith.select %and3A_423, %sub3A_425, %div3A_404 : i32
          %jit3A_427 = arith.constant 4 : i32
          %eq3A_428 = arith.constant 0 : i32
          %eq3A_429 = arith.cmpi eq, %jit3A_427, %eq3A_428 : i32
          %jit3A_430 = arith.constant 1 : i32
          %select_n3A_431 = arith.select %eq3A_429, %jit3A_430, %jit3A_427 : i32
          %rem3A_432 = arith.remsi %add3A_390, %select_n3A_431 : i32
          %ne3A_433 = arith.constant 0 : i32
          %ne3A_434 = arith.cmpi ne, %rem3A_432, %ne3A_433 : i32
          %lt3A_435 = arith.constant 0 : i32
          %lt3A_436 = arith.cmpi slt, %rem3A_432, %lt3A_435 : i32
          %lt3A_437 = arith.constant 0 : i32
          %lt3A_438 = arith.cmpi slt, %select_n3A_431, %lt3A_437 : i32
          %ne3A_439 = arith.xori %lt3A_436, %lt3A_438 : i1
          %and3A_440 = arith.andi %ne3A_439, %ne3A_434 : i1
          %add3A_441 = arith.addi %rem3A_432, %select_n3A_431 : i32
          %select_n3A_442 = arith.select %and3A_440, %add3A_441, %rem3A_432 : i32
          %mul3A_443 = arith.constant 8 : i32
          %mul3A_444 = arith.muli %select_n3A_442, %mul3A_443 : i32
          %multiple_of3A = tpu.assume_multiple %mul3A_444, 8 : i32
          %add3A_445 = arith.addi %add3A_288, %select_n3A_426 : i32
          %add3A_446 = arith.addi %add3A_289, %select_n3A_426 : i32
          %dma_start3A = arith.constant 0 : i32
          %dma_start3A_447 = tpu.memref_slice %arg3[%add3A_446, %multiple_of3A, %dma_start3A] : memref<721x32x4096xf32, #tpu.memory_space<hbm>> -> memref<1x8x4096xf32, #tpu.memory_space<hbm>>
          %dma_start3A_448 = tpu.memref_squeeze %dma_start3A_447 : memref<1x8x4096xf32, #tpu.memory_space<hbm>> -> memref<8x4096xf32, #tpu.memory_space<hbm>>
          %dma_start3A_449 = arith.constant 0 : i32
          %dma_start3A_450 = tpu.memref_slice %arg3[%add3A_446, %multiple_of3A, %dma_start3A_449] : memref<721x32x4096xf32, #tpu.memory_space<hbm>> -> memref<1x8x4096xf32, #tpu.memory_space<hbm>>
          %dma_start3A_451 = tpu.memref_squeeze %dma_start3A_450 : memref<1x8x4096xf32, #tpu.memory_space<hbm>> -> memref<8x4096xf32, #tpu.memory_space<hbm>>
          tpu.enqueue_dma source(%arg6 : memref<8x4096xf32, #tpu.memory_space<vmem>>) target(%dma_start3A_451 : memref<8x4096xf32, #tpu.memory_space<hbm>>) target_semaphore(%arg12 : memref<!tpu.dma_semaphore, #tpu.memory_space<semaphore_mem>>)
        } else {
        }
      }
      %while3A_330 = arith.constant 1 : i32
      scf.for %while3A_346 = %while3A_328 to %while3A_324 step %while3A_330  : i32 {
        %mul3A_347 = arith.constant 3 : i32
        %mul3A_348 = arith.muli %mul3A_347, %while3A_346 : i32
        %add3A_349 = arith.constant 0 : i32
        %add3A_350 = arith.addi %mul3A_348, %add3A_349 : i32
        %lt3A_351 = arith.cmpi slt, %add3A_350, %mul3A_292 : i32
        %convert_element_type3A_352 = arith.extui %lt3A_351 : i1 to i32
        %cond3A_353 = arith.constant 0 : i32
        %cond3A_354 = arith.cmpi ne, %convert_element_type3A_352, %cond3A_353 : i32
        scf.if %cond3A_354 {
          %gt3A_395 = arith.constant 0 : i32
          %gt3A_396 = arith.cmpi sgt, %while3A_346, %gt3A_395 : i32
          %convert_element_type3A_397 = arith.extui %gt3A_396 : i1 to i32
          %cond3A_398 = arith.constant 0 : i32
          %cond3A_399 = arith.cmpi ne, %convert_element_type3A_397, %cond3A_398 : i32
          scf.if %cond3A_399 {
            %dma_wait3A = arith.constant 0 : i32
            %dma_wait3A_449 = arith.constant 0 : i32
            %dma_wait3A_450 = arith.constant 0 : i32
            %dma_wait3A_451 = tpu.memref_slice %arg3[%dma_wait3A, %dma_wait3A_449, %dma_wait3A_450] : memref<721x32x4096xf32, #tpu.memory_space<hbm>> -> memref<1x8x4096xf32, #tpu.memory_space<hbm>>
            %dma_wait3A_452 = tpu.memref_squeeze %dma_wait3A_451 : memref<1x8x4096xf32, #tpu.memory_space<hbm>> -> memref<8x4096xf32, #tpu.memory_space<hbm>>
            %dma_wait3A_453 = arith.constant 0 : i32
            %dma_wait3A_454 = arith.constant 0 : i32
            %dma_wait3A_455 = tpu.memref_slice %arg3[%dma_wait3A, %dma_wait3A_453, %dma_wait3A_454] : memref<721x32x4096xf32, #tpu.memory_space<hbm>> -> memref<1x8x4096xf32, #tpu.memory_space<hbm>>
            %dma_wait3A_456 = tpu.memref_squeeze %dma_wait3A_455 : memref<1x8x4096xf32, #tpu.memory_space<hbm>> -> memref<8x4096xf32, #tpu.memory_space<hbm>>
            tpu.wait_dma2 semaphore(%arg10 : memref<!tpu.dma_semaphore, #tpu.memory_space<semaphore_mem>>) src(%arg4 : memref<8x4096xf32, #tpu.memory_space<vmem>>) dst(%dma_wait3A_456 : memref<8x4096xf32, #tpu.memory_space<hbm>>)
          } else {
          }
          %jit3A_400 = arith.constant 4 : i32
          %div3A_401 = arith.divsi %add3A_350, %jit3A_400 : i32
          %sign3A_402 = arith.constant 0 : i32
          %sign3A_403 = arith.cmpi sgt, %add3A_350, %sign3A_402 : i32
          %sign3A_404 = arith.extui %sign3A_403 : i1 to i32
          %sign3A_405 = arith.constant 0 : i32
          %sign3A_406 = arith.cmpi slt, %add3A_350, %sign3A_405 : i32
          %sign3A_407 = arith.extui %sign3A_406 : i1 to i32
          %sign3A_408 = arith.subi %sign3A_404, %sign3A_407 : i32
          %sign3A_409 = arith.constant 0 : i32
          %sign3A_410 = arith.cmpi sgt, %jit3A_400, %sign3A_409 : i32
          %sign3A_411 = arith.extui %sign3A_410 : i1 to i32
          %sign3A_412 = arith.constant 0 : i32
          %sign3A_413 = arith.cmpi slt, %jit3A_400, %sign3A_412 : i32
          %sign3A_414 = arith.extui %sign3A_413 : i1 to i32
          %sign3A_415 = arith.subi %sign3A_411, %sign3A_414 : i32
          %ne3A_416 = arith.cmpi ne, %sign3A_408, %sign3A_415 : i32
          %rem3A_417 = arith.remsi %add3A_350, %jit3A_400 : i32
          %ne3A_418 = arith.constant 0 : i32
          %ne3A_419 = arith.cmpi ne, %rem3A_417, %ne3A_418 : i32
          %and3A_420 = arith.andi %ne3A_416, %ne3A_419 : i1
          %sub3A_421 = arith.constant 1 : i32
          %sub3A_422 = arith.subi %div3A_401, %sub3A_421 : i32
          %select_n3A_423 = arith.select %and3A_420, %sub3A_422, %div3A_401 : i32
          %jit3A_424 = arith.constant 4 : i32
          %eq3A_425 = arith.constant 0 : i32
          %eq3A_426 = arith.cmpi eq, %jit3A_424, %eq3A_425 : i32
          %jit3A_427 = arith.constant 1 : i32
          %select_n3A_428 = arith.select %eq3A_426, %jit3A_427, %jit3A_424 : i32
          %rem3A_429 = arith.remsi %add3A_350, %select_n3A_428 : i32
          %ne3A_430 = arith.constant 0 : i32
          %ne3A_431 = arith.cmpi ne, %rem3A_429, %ne3A_430 : i32
          %lt3A_432 = arith.constant 0 : i32
          %lt3A_433 = arith.cmpi slt, %rem3A_429, %lt3A_432 : i32
          %lt3A_434 = arith.constant 0 : i32
          %lt3A_435 = arith.cmpi slt, %select_n3A_428, %lt3A_434 : i32
          %ne3A_436 = arith.xori %lt3A_433, %lt3A_435 : i1
          %and3A_437 = arith.andi %ne3A_436, %ne3A_431 : i1
          %add3A_438 = arith.addi %rem3A_429, %select_n3A_428 : i32
          %select_n3A_439 = arith.select %and3A_437, %add3A_438, %rem3A_429 : i32
          %mul3A_440 = arith.constant 8 : i32
          %mul3A_441 = arith.muli %select_n3A_439, %mul3A_440 : i32
          %multiple_of3A = tpu.assume_multiple %mul3A_441, 8 : i32
          %add3A_442 = arith.addi %add3A_288, %select_n3A_423 : i32
          %add3A_443 = arith.addi %add3A_289, %select_n3A_423 : i32
          %dma_start3A = arith.constant 0 : i32
          %dma_start3A_444 = tpu.memref_slice %arg2[%add3A_442, %multiple_of3A, %dma_start3A] : memref<961x32x4096xf32, #tpu.memory_space<hbm>> -> memref<1x8x4096xf32, #tpu.memory_space<hbm>>
          %dma_start3A_445 = tpu.memref_squeeze %dma_start3A_444 : memref<1x8x4096xf32, #tpu.memory_space<hbm>> -> memref<8x4096xf32, #tpu.memory_space<hbm>>
          %dma_start3A_446 = arith.constant 0 : i32
          %dma_start3A_447 = tpu.memref_slice %arg2[%add3A_442, %multiple_of3A, %dma_start3A_446] : memref<961x32x4096xf32, #tpu.memory_space<hbm>> -> memref<1x8x4096xf32, #tpu.memory_space<hbm>>
          %dma_start3A_448 = tpu.memref_squeeze %dma_start3A_447 : memref<1x8x4096xf32, #tpu.memory_space<hbm>> -> memref<8x4096xf32, #tpu.memory_space<hbm>>
          tpu.enqueue_dma source(%dma_start3A_448 : memref<8x4096xf32, #tpu.memory_space<hbm>>) target(%arg4 : memref<8x4096xf32, #tpu.memory_space<vmem>>) target_semaphore(%arg7 : memref<!tpu.dma_semaphore, #tpu.memory_space<semaphore_mem>>)
        } else {
        }
        %mul3A_355 = arith.constant 3 : i32
        %mul3A_356 = arith.muli %mul3A_355, %while3A_346 : i32
        %add3A_357 = arith.constant 1 : i32
        %add3A_358 = arith.addi %mul3A_356, %add3A_357 : i32
        %lt3A_359 = arith.cmpi slt, %add3A_358, %mul3A_292 : i32
        %convert_element_type3A_360 = arith.extui %lt3A_359 : i1 to i32
        %cond3A_361 = arith.constant 0 : i32
        %cond3A_362 = arith.cmpi ne, %convert_element_type3A_360, %cond3A_361 : i32
        scf.if %cond3A_362 {
          %gt3A_395 = arith.constant 0 : i32
          %gt3A_396 = arith.cmpi sgt, %while3A_346, %gt3A_395 : i32
          %convert_element_type3A_397 = arith.extui %gt3A_396 : i1 to i32
          %cond3A_398 = arith.constant 0 : i32
          %cond3A_399 = arith.cmpi ne, %convert_element_type3A_397, %cond3A_398 : i32
          scf.if %cond3A_399 {
            %dma_wait3A = arith.constant 0 : i32
            %dma_wait3A_449 = arith.constant 0 : i32
            %dma_wait3A_450 = arith.constant 0 : i32
            %dma_wait3A_451 = tpu.memref_slice %arg3[%dma_wait3A, %dma_wait3A_449, %dma_wait3A_450] : memref<721x32x4096xf32, #tpu.memory_space<hbm>> -> memref<1x8x4096xf32, #tpu.memory_space<hbm>>
            %dma_wait3A_452 = tpu.memref_squeeze %dma_wait3A_451 : memref<1x8x4096xf32, #tpu.memory_space<hbm>> -> memref<8x4096xf32, #tpu.memory_space<hbm>>
            %dma_wait3A_453 = arith.constant 0 : i32
            %dma_wait3A_454 = arith.constant 0 : i32
            %dma_wait3A_455 = tpu.memref_slice %arg3[%dma_wait3A, %dma_wait3A_453, %dma_wait3A_454] : memref<721x32x4096xf32, #tpu.memory_space<hbm>> -> memref<1x8x4096xf32, #tpu.memory_space<hbm>>
            %dma_wait3A_456 = tpu.memref_squeeze %dma_wait3A_455 : memref<1x8x4096xf32, #tpu.memory_space<hbm>> -> memref<8x4096xf32, #tpu.memory_space<hbm>>
            tpu.wait_dma2 semaphore(%arg11 : memref<!tpu.dma_semaphore, #tpu.memory_space<semaphore_mem>>) src(%arg5 : memref<8x4096xf32, #tpu.memory_space<vmem>>) dst(%dma_wait3A_456 : memref<8x4096xf32, #tpu.memory_space<hbm>>)
          } else {
          }
          %jit3A_400 = arith.constant 4 : i32
          %div3A_401 = arith.divsi %add3A_358, %jit3A_400 : i32
          %sign3A_402 = arith.constant 0 : i32
          %sign3A_403 = arith.cmpi sgt, %add3A_358, %sign3A_402 : i32
          %sign3A_404 = arith.extui %sign3A_403 : i1 to i32
          %sign3A_405 = arith.constant 0 : i32
          %sign3A_406 = arith.cmpi slt, %add3A_358, %sign3A_405 : i32
          %sign3A_407 = arith.extui %sign3A_406 : i1 to i32
          %sign3A_408 = arith.subi %sign3A_404, %sign3A_407 : i32
          %sign3A_409 = arith.constant 0 : i32
          %sign3A_410 = arith.cmpi sgt, %jit3A_400, %sign3A_409 : i32
          %sign3A_411 = arith.extui %sign3A_410 : i1 to i32
          %sign3A_412 = arith.constant 0 : i32
          %sign3A_413 = arith.cmpi slt, %jit3A_400, %sign3A_412 : i32
          %sign3A_414 = arith.extui %sign3A_413 : i1 to i32
          %sign3A_415 = arith.subi %sign3A_411, %sign3A_414 : i32
          %ne3A_416 = arith.cmpi ne, %sign3A_408, %sign3A_415 : i32
          %rem3A_417 = arith.remsi %add3A_358, %jit3A_400 : i32
          %ne3A_418 = arith.constant 0 : i32
          %ne3A_419 = arith.cmpi ne, %rem3A_417, %ne3A_418 : i32
          %and3A_420 = arith.andi %ne3A_416, %ne3A_419 : i1
          %sub3A_421 = arith.constant 1 : i32
          %sub3A_422 = arith.subi %div3A_401, %sub3A_421 : i32
          %select_n3A_423 = arith.select %and3A_420, %sub3A_422, %div3A_401 : i32
          %jit3A_424 = arith.constant 4 : i32
          %eq3A_425 = arith.constant 0 : i32
          %eq3A_426 = arith.cmpi eq, %jit3A_424, %eq3A_425 : i32
          %jit3A_427 = arith.constant 1 : i32
          %select_n3A_428 = arith.select %eq3A_426, %jit3A_427, %jit3A_424 : i32
          %rem3A_429 = arith.remsi %add3A_358, %select_n3A_428 : i32
          %ne3A_430 = arith.constant 0 : i32
          %ne3A_431 = arith.cmpi ne, %rem3A_429, %ne3A_430 : i32
          %lt3A_432 = arith.constant 0 : i32
          %lt3A_433 = arith.cmpi slt, %rem3A_429, %lt3A_432 : i32
          %lt3A_434 = arith.constant 0 : i32
          %lt3A_435 = arith.cmpi slt, %select_n3A_428, %lt3A_434 : i32
          %ne3A_436 = arith.xori %lt3A_433, %lt3A_435 : i1
          %and3A_437 = arith.andi %ne3A_436, %ne3A_431 : i1
          %add3A_438 = arith.addi %rem3A_429, %select_n3A_428 : i32
          %select_n3A_439 = arith.select %and3A_437, %add3A_438, %rem3A_429 : i32
          %mul3A_440 = arith.constant 8 : i32
          %mul3A_441 = arith.muli %select_n3A_439, %mul3A_440 : i32
          %multiple_of3A = tpu.assume_multiple %mul3A_441, 8 : i32
          %add3A_442 = arith.addi %add3A_288, %select_n3A_423 : i32
          %add3A_443 = arith.addi %add3A_289, %select_n3A_423 : i32
          %dma_start3A = arith.constant 0 : i32
          %dma_start3A_444 = tpu.memref_slice %arg2[%add3A_442, %multiple_of3A, %dma_start3A] : memref<961x32x4096xf32, #tpu.memory_space<hbm>> -> memref<1x8x4096xf32, #tpu.memory_space<hbm>>
          %dma_start3A_445 = tpu.memref_squeeze %dma_start3A_444 : memref<1x8x4096xf32, #tpu.memory_space<hbm>> -> memref<8x4096xf32, #tpu.memory_space<hbm>>
          %dma_start3A_446 = arith.constant 0 : i32
          %dma_start3A_447 = tpu.memref_slice %arg2[%add3A_442, %multiple_of3A, %dma_start3A_446] : memref<961x32x4096xf32, #tpu.memory_space<hbm>> -> memref<1x8x4096xf32, #tpu.memory_space<hbm>>
          %dma_start3A_448 = tpu.memref_squeeze %dma_start3A_447 : memref<1x8x4096xf32, #tpu.memory_space<hbm>> -> memref<8x4096xf32, #tpu.memory_space<hbm>>
          tpu.enqueue_dma source(%dma_start3A_448 : memref<8x4096xf32, #tpu.memory_space<hbm>>) target(%arg5 : memref<8x4096xf32, #tpu.memory_space<vmem>>) target_semaphore(%arg8 : memref<!tpu.dma_semaphore, #tpu.memory_space<semaphore_mem>>)
        } else {
        }
        %mul3A_363 = arith.constant 3 : i32
        %mul3A_364 = arith.muli %mul3A_363, %while3A_346 : i32
        %add3A_365 = arith.constant 2 : i32
        %add3A_366 = arith.addi %mul3A_364, %add3A_365 : i32
        %lt3A_367 = arith.cmpi slt, %add3A_366, %mul3A_292 : i32
        %convert_element_type3A_368 = arith.extui %lt3A_367 : i1 to i32
        %cond3A_369 = arith.constant 0 : i32
        %cond3A_370 = arith.cmpi ne, %convert_element_type3A_368, %cond3A_369 : i32
        scf.if %cond3A_370 {
          %gt3A_395 = arith.constant 0 : i32
          %gt3A_396 = arith.cmpi sgt, %while3A_346, %gt3A_395 : i32
          %convert_element_type3A_397 = arith.extui %gt3A_396 : i1 to i32
          %cond3A_398 = arith.constant 0 : i32
          %cond3A_399 = arith.cmpi ne, %convert_element_type3A_397, %cond3A_398 : i32
          scf.if %cond3A_399 {
            %dma_wait3A = arith.constant 0 : i32
            %dma_wait3A_449 = arith.constant 0 : i32
            %dma_wait3A_450 = arith.constant 0 : i32
            %dma_wait3A_451 = tpu.memref_slice %arg3[%dma_wait3A, %dma_wait3A_449, %dma_wait3A_450] : memref<721x32x4096xf32, #tpu.memory_space<hbm>> -> memref<1x8x4096xf32, #tpu.memory_space<hbm>>
            %dma_wait3A_452 = tpu.memref_squeeze %dma_wait3A_451 : memref<1x8x4096xf32, #tpu.memory_space<hbm>> -> memref<8x4096xf32, #tpu.memory_space<hbm>>
            %dma_wait3A_453 = arith.constant 0 : i32
            %dma_wait3A_454 = arith.constant 0 : i32
            %dma_wait3A_455 = tpu.memref_slice %arg3[%dma_wait3A, %dma_wait3A_453, %dma_wait3A_454] : memref<721x32x4096xf32, #tpu.memory_space<hbm>> -> memref<1x8x4096xf32, #tpu.memory_space<hbm>>
            %dma_wait3A_456 = tpu.memref_squeeze %dma_wait3A_455 : memref<1x8x4096xf32, #tpu.memory_space<hbm>> -> memref<8x4096xf32, #tpu.memory_space<hbm>>
            tpu.wait_dma2 semaphore(%arg12 : memref<!tpu.dma_semaphore, #tpu.memory_space<semaphore_mem>>) src(%arg6 : memref<8x4096xf32, #tpu.memory_space<vmem>>) dst(%dma_wait3A_456 : memref<8x4096xf32, #tpu.memory_space<hbm>>)
          } else {
          }
          %jit3A_400 = arith.constant 4 : i32
          %div3A_401 = arith.divsi %add3A_366, %jit3A_400 : i32
          %sign3A_402 = arith.constant 0 : i32
          %sign3A_403 = arith.cmpi sgt, %add3A_366, %sign3A_402 : i32
          %sign3A_404 = arith.extui %sign3A_403 : i1 to i32
          %sign3A_405 = arith.constant 0 : i32
          %sign3A_406 = arith.cmpi slt, %add3A_366, %sign3A_405 : i32
          %sign3A_407 = arith.extui %sign3A_406 : i1 to i32
          %sign3A_408 = arith.subi %sign3A_404, %sign3A_407 : i32
          %sign3A_409 = arith.constant 0 : i32
          %sign3A_410 = arith.cmpi sgt, %jit3A_400, %sign3A_409 : i32
          %sign3A_411 = arith.extui %sign3A_410 : i1 to i32
          %sign3A_412 = arith.constant 0 : i32
          %sign3A_413 = arith.cmpi slt, %jit3A_400, %sign3A_412 : i32
          %sign3A_414 = arith.extui %sign3A_413 : i1 to i32
          %sign3A_415 = arith.subi %sign3A_411, %sign3A_414 : i32
          %ne3A_416 = arith.cmpi ne, %sign3A_408, %sign3A_415 : i32
          %rem3A_417 = arith.remsi %add3A_366, %jit3A_400 : i32
          %ne3A_418 = arith.constant 0 : i32
          %ne3A_419 = arith.cmpi ne, %rem3A_417, %ne3A_418 : i32
          %and3A_420 = arith.andi %ne3A_416, %ne3A_419 : i1
          %sub3A_421 = arith.constant 1 : i32
          %sub3A_422 = arith.subi %div3A_401, %sub3A_421 : i32
          %select_n3A_423 = arith.select %and3A_420, %sub3A_422, %div3A_401 : i32
          %jit3A_424 = arith.constant 4 : i32
          %eq3A_425 = arith.constant 0 : i32
          %eq3A_426 = arith.cmpi eq, %jit3A_424, %eq3A_425 : i32
          %jit3A_427 = arith.constant 1 : i32
          %select_n3A_428 = arith.select %eq3A_426, %jit3A_427, %jit3A_424 : i32
          %rem3A_429 = arith.remsi %add3A_366, %select_n3A_428 : i32
          %ne3A_430 = arith.constant 0 : i32
          %ne3A_431 = arith.cmpi ne, %rem3A_429, %ne3A_430 : i32
          %lt3A_432 = arith.constant 0 : i32
          %lt3A_433 = arith.cmpi slt, %rem3A_429, %lt3A_432 : i32
          %lt3A_434 = arith.constant 0 : i32
          %lt3A_435 = arith.cmpi slt, %select_n3A_428, %lt3A_434 : i32
          %ne3A_436 = arith.xori %lt3A_433, %lt3A_435 : i1
          %and3A_437 = arith.andi %ne3A_436, %ne3A_431 : i1
          %add3A_438 = arith.addi %rem3A_429, %select_n3A_428 : i32
          %select_n3A_439 = arith.select %and3A_437, %add3A_438, %rem3A_429 : i32
          %mul3A_440 = arith.constant 8 : i32
          %mul3A_441 = arith.muli %select_n3A_439, %mul3A_440 : i32
          %multiple_of3A = tpu.assume_multiple %mul3A_441, 8 : i32
          %add3A_442 = arith.addi %add3A_288, %select_n3A_423 : i32
          %add3A_443 = arith.addi %add3A_289, %select_n3A_423 : i32
          %dma_start3A = arith.constant 0 : i32
          %dma_start3A_444 = tpu.memref_slice %arg2[%add3A_442, %multiple_of3A, %dma_start3A] : memref<961x32x4096xf32, #tpu.memory_space<hbm>> -> memref<1x8x4096xf32, #tpu.memory_space<hbm>>
          %dma_start3A_445 = tpu.memref_squeeze %dma_start3A_444 : memref<1x8x4096xf32, #tpu.memory_space<hbm>> -> memref<8x4096xf32, #tpu.memory_space<hbm>>
          %dma_start3A_446 = arith.constant 0 : i32
          %dma_start3A_447 = tpu.memref_slice %arg2[%add3A_442, %multiple_of3A, %dma_start3A_446] : memref<961x32x4096xf32, #tpu.memory_space<hbm>> -> memref<1x8x4096xf32, #tpu.memory_space<hbm>>
          %dma_start3A_448 = tpu.memref_squeeze %dma_start3A_447 : memref<1x8x4096xf32, #tpu.memory_space<hbm>> -> memref<8x4096xf32, #tpu.memory_space<hbm>>
          tpu.enqueue_dma source(%dma_start3A_448 : memref<8x4096xf32, #tpu.memory_space<hbm>>) target(%arg6 : memref<8x4096xf32, #tpu.memory_space<vmem>>) target_semaphore(%arg9 : memref<!tpu.dma_semaphore, #tpu.memory_space<semaphore_mem>>)
        } else {
        }
        %mul3A_371 = arith.constant 3 : i32
        %mul3A_372 = arith.muli %mul3A_371, %while3A_346 : i32
        %add3A_373 = arith.constant 0 : i32
        %add3A_374 = arith.addi %mul3A_372, %add3A_373 : i32
        %lt3A_375 = arith.cmpi slt, %add3A_374, %mul3A_292 : i32
        %convert_element_type3A_376 = arith.extui %lt3A_375 : i1 to i32
        %cond3A_377 = arith.constant 0 : i32
        %cond3A_378 = arith.cmpi ne, %convert_element_type3A_376, %cond3A_377 : i32
        scf.if %cond3A_378 {
          %dma_wait3A = arith.constant 0 : i32
          %dma_wait3A_395 = arith.constant 0 : i32
          %dma_wait3A_396 = arith.constant 0 : i32
          %dma_wait3A_397 = tpu.memref_slice %arg2[%dma_wait3A, %dma_wait3A_395, %dma_wait3A_396] : memref<961x32x4096xf32, #tpu.memory_space<hbm>> -> memref<1x8x4096xf32, #tpu.memory_space<hbm>>
          %dma_wait3A_398 = tpu.memref_squeeze %dma_wait3A_397 : memref<1x8x4096xf32, #tpu.memory_space<hbm>> -> memref<8x4096xf32, #tpu.memory_space<hbm>>
          %dma_wait3A_399 = arith.constant 0 : i32
          %dma_wait3A_400 = arith.constant 0 : i32
          %dma_wait3A_401 = tpu.memref_slice %arg2[%dma_wait3A, %dma_wait3A_399, %dma_wait3A_400] : memref<961x32x4096xf32, #tpu.memory_space<hbm>> -> memref<1x8x4096xf32, #tpu.memory_space<hbm>>
          %dma_wait3A_402 = tpu.memref_squeeze %dma_wait3A_401 : memref<1x8x4096xf32, #tpu.memory_space<hbm>> -> memref<8x4096xf32, #tpu.memory_space<hbm>>
          tpu.wait_dma2 semaphore(%arg7 : memref<!tpu.dma_semaphore, #tpu.memory_space<semaphore_mem>>) src(%dma_wait3A_402 : memref<8x4096xf32, #tpu.memory_space<hbm>>) dst(%arg4 : memref<8x4096xf32, #tpu.memory_space<vmem>>)
          %jit3A_403 = arith.constant 4 : i32
          %div3A_404 = arith.divsi %add3A_374, %jit3A_403 : i32
          %sign3A_405 = arith.constant 0 : i32
          %sign3A_406 = arith.cmpi sgt, %add3A_374, %sign3A_405 : i32
          %sign3A_407 = arith.extui %sign3A_406 : i1 to i32
          %sign3A_408 = arith.constant 0 : i32
          %sign3A_409 = arith.cmpi slt, %add3A_374, %sign3A_408 : i32
          %sign3A_410 = arith.extui %sign3A_409 : i1 to i32
          %sign3A_411 = arith.subi %sign3A_407, %sign3A_410 : i32
          %sign3A_412 = arith.constant 0 : i32
          %sign3A_413 = arith.cmpi sgt, %jit3A_403, %sign3A_412 : i32
          %sign3A_414 = arith.extui %sign3A_413 : i1 to i32
          %sign3A_415 = arith.constant 0 : i32
          %sign3A_416 = arith.cmpi slt, %jit3A_403, %sign3A_415 : i32
          %sign3A_417 = arith.extui %sign3A_416 : i1 to i32
          %sign3A_418 = arith.subi %sign3A_414, %sign3A_417 : i32
          %ne3A_419 = arith.cmpi ne, %sign3A_411, %sign3A_418 : i32
          %rem3A_420 = arith.remsi %add3A_374, %jit3A_403 : i32
          %ne3A_421 = arith.constant 0 : i32
          %ne3A_422 = arith.cmpi ne, %rem3A_420, %ne3A_421 : i32
          %and3A_423 = arith.andi %ne3A_419, %ne3A_422 : i1
          %sub3A_424 = arith.constant 1 : i32
          %sub3A_425 = arith.subi %div3A_404, %sub3A_424 : i32
          %select_n3A_426 = arith.select %and3A_423, %sub3A_425, %div3A_404 : i32
          %jit3A_427 = arith.constant 4 : i32
          %eq3A_428 = arith.constant 0 : i32
          %eq3A_429 = arith.cmpi eq, %jit3A_427, %eq3A_428 : i32
          %jit3A_430 = arith.constant 1 : i32
          %select_n3A_431 = arith.select %eq3A_429, %jit3A_430, %jit3A_427 : i32
          %rem3A_432 = arith.remsi %add3A_374, %select_n3A_431 : i32
          %ne3A_433 = arith.constant 0 : i32
          %ne3A_434 = arith.cmpi ne, %rem3A_432, %ne3A_433 : i32
          %lt3A_435 = arith.constant 0 : i32
          %lt3A_436 = arith.cmpi slt, %rem3A_432, %lt3A_435 : i32
          %lt3A_437 = arith.constant 0 : i32
          %lt3A_438 = arith.cmpi slt, %select_n3A_431, %lt3A_437 : i32
          %ne3A_439 = arith.xori %lt3A_436, %lt3A_438 : i1
          %and3A_440 = arith.andi %ne3A_439, %ne3A_434 : i1
          %add3A_441 = arith.addi %rem3A_432, %select_n3A_431 : i32
          %select_n3A_442 = arith.select %and3A_440, %add3A_441, %rem3A_432 : i32
          %mul3A_443 = arith.constant 8 : i32
          %mul3A_444 = arith.muli %select_n3A_442, %mul3A_443 : i32
          %multiple_of3A = tpu.assume_multiple %mul3A_444, 8 : i32
          %add3A_445 = arith.addi %add3A_288, %select_n3A_426 : i32
          %add3A_446 = arith.addi %add3A_289, %select_n3A_426 : i32
          %dma_start3A = arith.constant 0 : i32
          %dma_start3A_447 = tpu.memref_slice %arg3[%add3A_446, %multiple_of3A, %dma_start3A] : memref<721x32x4096xf32, #tpu.memory_space<hbm>> -> memref<1x8x4096xf32, #tpu.memory_space<hbm>>
          %dma_start3A_448 = tpu.memref_squeeze %dma_start3A_447 : memref<1x8x4096xf32, #tpu.memory_space<hbm>> -> memref<8x4096xf32, #tpu.memory_space<hbm>>
          %dma_start3A_449 = arith.constant 0 : i32
          %dma_start3A_450 = tpu.memref_slice %arg3[%add3A_446, %multiple_of3A, %dma_start3A_449] : memref<721x32x4096xf32, #tpu.memory_space<hbm>> -> memref<1x8x4096xf32, #tpu.memory_space<hbm>>
          %dma_start3A_451 = tpu.memref_squeeze %dma_start3A_450 : memref<1x8x4096xf32, #tpu.memory_space<hbm>> -> memref<8x4096xf32, #tpu.memory_space<hbm>>
          tpu.enqueue_dma source(%arg4 : memref<8x4096xf32, #tpu.memory_space<vmem>>) target(%dma_start3A_451 : memref<8x4096xf32, #tpu.memory_space<hbm>>) target_semaphore(%arg10 : memref<!tpu.dma_semaphore, #tpu.memory_space<semaphore_mem>>)
        } else {
        }
        %mul3A_379 = arith.constant 3 : i32
        %mul3A_380 = arith.muli %mul3A_379, %while3A_346 : i32
        %add3A_381 = arith.constant 1 : i32
        %add3A_382 = arith.addi %mul3A_380, %add3A_381 : i32
        %lt3A_383 = arith.cmpi slt, %add3A_382, %mul3A_292 : i32
        %convert_element_type3A_384 = arith.extui %lt3A_383 : i1 to i32
        %cond3A_385 = arith.constant 0 : i32
        %cond3A_386 = arith.cmpi ne, %convert_element_type3A_384, %cond3A_385 : i32
        scf.if %cond3A_386 {
          %dma_wait3A = arith.constant 0 : i32
          %dma_wait3A_395 = arith.constant 0 : i32
          %dma_wait3A_396 = arith.constant 0 : i32
          %dma_wait3A_397 = tpu.memref_slice %arg2[%dma_wait3A, %dma_wait3A_395, %dma_wait3A_396] : memref<961x32x4096xf32, #tpu.memory_space<hbm>> -> memref<1x8x4096xf32, #tpu.memory_space<hbm>>
          %dma_wait3A_398 = tpu.memref_squeeze %dma_wait3A_397 : memref<1x8x4096xf32, #tpu.memory_space<hbm>> -> memref<8x4096xf32, #tpu.memory_space<hbm>>
          %dma_wait3A_399 = arith.constant 0 : i32
          %dma_wait3A_400 = arith.constant 0 : i32
          %dma_wait3A_401 = tpu.memref_slice %arg2[%dma_wait3A, %dma_wait3A_399, %dma_wait3A_400] : memref<961x32x4096xf32, #tpu.memory_space<hbm>> -> memref<1x8x4096xf32, #tpu.memory_space<hbm>>
          %dma_wait3A_402 = tpu.memref_squeeze %dma_wait3A_401 : memref<1x8x4096xf32, #tpu.memory_space<hbm>> -> memref<8x4096xf32, #tpu.memory_space<hbm>>
          tpu.wait_dma2 semaphore(%arg8 : memref<!tpu.dma_semaphore, #tpu.memory_space<semaphore_mem>>) src(%dma_wait3A_402 : memref<8x4096xf32, #tpu.memory_space<hbm>>) dst(%arg5 : memref<8x4096xf32, #tpu.memory_space<vmem>>)
          %jit3A_403 = arith.constant 4 : i32
          %div3A_404 = arith.divsi %add3A_382, %jit3A_403 : i32
          %sign3A_405 = arith.constant 0 : i32
          %sign3A_406 = arith.cmpi sgt, %add3A_382, %sign3A_405 : i32
          %sign3A_407 = arith.extui %sign3A_406 : i1 to i32
          %sign3A_408 = arith.constant 0 : i32
          %sign3A_409 = arith.cmpi slt, %add3A_382, %sign3A_408 : i32
          %sign3A_410 = arith.extui %sign3A_409 : i1 to i32
          %sign3A_411 = arith.subi %sign3A_407, %sign3A_410 : i32
          %sign3A_412 = arith.constant 0 : i32
          %sign3A_413 = arith.cmpi sgt, %jit3A_403, %sign3A_412 : i32
          %sign3A_414 = arith.extui %sign3A_413 : i1 to i32
          %sign3A_415 = arith.constant 0 : i32
          %sign3A_416 = arith.cmpi slt, %jit3A_403, %sign3A_415 : i32
          %sign3A_417 = arith.extui %sign3A_416 : i1 to i32
          %sign3A_418 = arith.subi %sign3A_414, %sign3A_417 : i32
          %ne3A_419 = arith.cmpi ne, %sign3A_411, %sign3A_418 : i32
          %rem3A_420 = arith.remsi %add3A_382, %jit3A_403 : i32
          %ne3A_421 = arith.constant 0 : i32
          %ne3A_422 = arith.cmpi ne, %rem3A_420, %ne3A_421 : i32
          %and3A_423 = arith.andi %ne3A_419, %ne3A_422 : i1
          %sub3A_424 = arith.constant 1 : i32
          %sub3A_425 = arith.subi %div3A_404, %sub3A_424 : i32
          %select_n3A_426 = arith.select %and3A_423, %sub3A_425, %div3A_404 : i32
          %jit3A_427 = arith.constant 4 : i32
          %eq3A_428 = arith.constant 0 : i32
          %eq3A_429 = arith.cmpi eq, %jit3A_427, %eq3A_428 : i32
          %jit3A_430 = arith.constant 1 : i32
          %select_n3A_431 = arith.select %eq3A_429, %jit3A_430, %jit3A_427 : i32
          %rem3A_432 = arith.remsi %add3A_382, %select_n3A_431 : i32
          %ne3A_433 = arith.constant 0 : i32
          %ne3A_434 = arith.cmpi ne, %rem3A_432, %ne3A_433 : i32
          %lt3A_435 = arith.constant 0 : i32
          %lt3A_436 = arith.cmpi slt, %rem3A_432, %lt3A_435 : i32
          %lt3A_437 = arith.constant 0 : i32
          %lt3A_438 = arith.cmpi slt, %select_n3A_431, %lt3A_437 : i32
          %ne3A_439 = arith.xori %lt3A_436, %lt3A_438 : i1
          %and3A_440 = arith.andi %ne3A_439, %ne3A_434 : i1
          %add3A_441 = arith.addi %rem3A_432, %select_n3A_431 : i32
          %select_n3A_442 = arith.select %and3A_440, %add3A_441, %rem3A_432 : i32
          %mul3A_443 = arith.constant 8 : i32
          %mul3A_444 = arith.muli %select_n3A_442, %mul3A_443 : i32
          %multiple_of3A = tpu.assume_multiple %mul3A_444, 8 : i32
          %add3A_445 = arith.addi %add3A_288, %select_n3A_426 : i32
          %add3A_446 = arith.addi %add3A_289, %select_n3A_426 : i32
          %dma_start3A = arith.constant 0 : i32
          %dma_start3A_447 = tpu.memref_slice %arg3[%add3A_446, %multiple_of3A, %dma_start3A] : memref<721x32x4096xf32, #tpu.memory_space<hbm>> -> memref<1x8x4096xf32, #tpu.memory_space<hbm>>
          %dma_start3A_448 = tpu.memref_squeeze %dma_start3A_447 : memref<1x8x4096xf32, #tpu.memory_space<hbm>> -> memref<8x4096xf32, #tpu.memory_space<hbm>>
          %dma_start3A_449 = arith.constant 0 : i32
          %dma_start3A_450 = tpu.memref_slice %arg3[%add3A_446, %multiple_of3A, %dma_start3A_449] : memref<721x32x4096xf32, #tpu.memory_space<hbm>> -> memref<1x8x4096xf32, #tpu.memory_space<hbm>>
          %dma_start3A_451 = tpu.memref_squeeze %dma_start3A_450 : memref<1x8x4096xf32, #tpu.memory_space<hbm>> -> memref<8x4096xf32, #tpu.memory_space<hbm>>
          tpu.enqueue_dma source(%arg5 : memref<8x4096xf32, #tpu.memory_space<vmem>>) target(%dma_start3A_451 : memref<8x4096xf32, #tpu.memory_space<hbm>>) target_semaphore(%arg11 : memref<!tpu.dma_semaphore, #tpu.memory_space<semaphore_mem>>)
        } else {
        }
        %mul3A_387 = arith.constant 3 : i32
        %mul3A_388 = arith.muli %mul3A_387, %while3A_346 : i32
        %add3A_389 = arith.constant 2 : i32
        %add3A_390 = arith.addi %mul3A_388, %add3A_389 : i32
        %lt3A_391 = arith.cmpi slt, %add3A_390, %mul3A_292 : i32
        %convert_element_type3A_392 = arith.extui %lt3A_391 : i1 to i32
        %cond3A_393 = arith.constant 0 : i32
        %cond3A_394 = arith.cmpi ne, %convert_element_type3A_392, %cond3A_393 : i32
        scf.if %cond3A_394 {
          %dma_wait3A = arith.constant 0 : i32
          %dma_wait3A_395 = arith.constant 0 : i32
          %dma_wait3A_396 = arith.constant 0 : i32
          %dma_wait3A_397 = tpu.memref_slice %arg2[%dma_wait3A, %dma_wait3A_395, %dma_wait3A_396] : memref<961x32x4096xf32, #tpu.memory_space<hbm>> -> memref<1x8x4096xf32, #tpu.memory_space<hbm>>
          %dma_wait3A_398 = tpu.memref_squeeze %dma_wait3A_397 : memref<1x8x4096xf32, #tpu.memory_space<hbm>> -> memref<8x4096xf32, #tpu.memory_space<hbm>>
          %dma_wait3A_399 = arith.constant 0 : i32
          %dma_wait3A_400 = arith.constant 0 : i32
          %dma_wait3A_401 = tpu.memref_slice %arg2[%dma_wait3A, %dma_wait3A_399, %dma_wait3A_400] : memref<961x32x4096xf32, #tpu.memory_space<hbm>> -> memref<1x8x4096xf32, #tpu.memory_space<hbm>>
          %dma_wait3A_402 = tpu.memref_squeeze %dma_wait3A_401 : memref<1x8x4096xf32, #tpu.memory_space<hbm>> -> memref<8x4096xf32, #tpu.memory_space<hbm>>
          tpu.wait_dma2 semaphore(%arg9 : memref<!tpu.dma_semaphore, #tpu.memory_space<semaphore_mem>>) src(%dma_wait3A_402 : memref<8x4096xf32, #tpu.memory_space<hbm>>) dst(%arg6 : memref<8x4096xf32, #tpu.memory_space<vmem>>)
          %jit3A_403 = arith.constant 4 : i32
          %div3A_404 = arith.divsi %add3A_390, %jit3A_403 : i32
          %sign3A_405 = arith.constant 0 : i32
          %sign3A_406 = arith.cmpi sgt, %add3A_390, %sign3A_405 : i32
          %sign3A_407 = arith.extui %sign3A_406 : i1 to i32
          %sign3A_408 = arith.constant 0 : i32
          %sign3A_409 = arith.cmpi slt, %add3A_390, %sign3A_408 : i32
          %sign3A_410 = arith.extui %sign3A_409 : i1 to i32
          %sign3A_411 = arith.subi %sign3A_407, %sign3A_410 : i32
          %sign3A_412 = arith.constant 0 : i32
          %sign3A_413 = arith.cmpi sgt, %jit3A_403, %sign3A_412 : i32
          %sign3A_414 = arith.extui %sign3A_413 : i1 to i32
          %sign3A_415 = arith.constant 0 : i32
          %sign3A_416 = arith.cmpi slt, %jit3A_403, %sign3A_415 : i32
          %sign3A_417 = arith.extui %sign3A_416 : i1 to i32
          %sign3A_418 = arith.subi %sign3A_414, %sign3A_417 : i32
          %ne3A_419 = arith.cmpi ne, %sign3A_411, %sign3A_418 : i32
          %rem3A_420 = arith.remsi %add3A_390, %jit3A_403 : i32
          %ne3A_421 = arith.constant 0 : i32
          %ne3A_422 = arith.cmpi ne, %rem3A_420, %ne3A_421 : i32
          %and3A_423 = arith.andi %ne3A_419, %ne3A_422 : i1
          %sub3A_424 = arith.constant 1 : i32
          %sub3A_425 = arith.subi %div3A_404, %sub3A_424 : i32
          %select_n3A_426 = arith.select %and3A_423, %sub3A_425, %div3A_404 : i32
          %jit3A_427 = arith.constant 4 : i32
          %eq3A_428 = arith.constant 0 : i32
          %eq3A_429 = arith.cmpi eq, %jit3A_427, %eq3A_428 : i32
          %jit3A_430 = arith.constant 1 : i32
          %select_n3A_431 = arith.select %eq3A_429, %jit3A_430, %jit3A_427 : i32
          %rem3A_432 = arith.remsi %add3A_390, %select_n3A_431 : i32
          %ne3A_433 = arith.constant 0 : i32
          %ne3A_434 = arith.cmpi ne, %rem3A_432, %ne3A_433 : i32
          %lt3A_435 = arith.constant 0 : i32
          %lt3A_436 = arith.cmpi slt, %rem3A_432, %lt3A_435 : i32
          %lt3A_437 = arith.constant 0 : i32
          %lt3A_438 = arith.cmpi slt, %select_n3A_431, %lt3A_437 : i32
          %ne3A_439 = arith.xori %lt3A_436, %lt3A_438 : i1
          %and3A_440 = arith.andi %ne3A_439, %ne3A_434 : i1
          %add3A_441 = arith.addi %rem3A_432, %select_n3A_431 : i32
          %select_n3A_442 = arith.select %and3A_440, %add3A_441, %rem3A_432 : i32
          %mul3A_443 = arith.constant 8 : i32
          %mul3A_444 = arith.muli %select_n3A_442, %mul3A_443 : i32
          %multiple_of3A = tpu.assume_multiple %mul3A_444, 8 : i32
          %add3A_445 = arith.addi %add3A_288, %select_n3A_426 : i32
          %add3A_446 = arith.addi %add3A_289, %select_n3A_426 : i32
          %dma_start3A = arith.constant 0 : i32
          %dma_start3A_447 = tpu.memref_slice %arg3[%add3A_446, %multiple_of3A, %dma_start3A] : memref<721x32x4096xf32, #tpu.memory_space<hbm>> -> memref<1x8x4096xf32, #tpu.memory_space<hbm>>
          %dma_start3A_448 = tpu.memref_squeeze %dma_start3A_447 : memref<1x8x4096xf32, #tpu.memory_space<hbm>> -> memref<8x4096xf32, #tpu.memory_space<hbm>>
          %dma_start3A_449 = arith.constant 0 : i32
          %dma_start3A_450 = tpu.memref_slice %arg3[%add3A_446, %multiple_of3A, %dma_start3A_449] : memref<721x32x4096xf32, #tpu.memory_space<hbm>> -> memref<1x8x4096xf32, #tpu.memory_space<hbm>>
          %dma_start3A_451 = tpu.memref_squeeze %dma_start3A_450 : memref<1x8x4096xf32, #tpu.memory_space<hbm>> -> memref<8x4096xf32, #tpu.memory_space<hbm>>
          tpu.enqueue_dma source(%arg6 : memref<8x4096xf32, #tpu.memory_space<vmem>>) target(%dma_start3A_451 : memref<8x4096xf32, #tpu.memory_space<hbm>>) target_semaphore(%arg12 : memref<!tpu.dma_semaphore, #tpu.memory_space<semaphore_mem>>)
        } else {
        }
      }
      %gt3A_331 = arith.constant 0 : i32
      %gt3A_332 = arith.cmpi sgt, %mul3A_292, %gt3A_331 : i32
      %convert_element_type3A_333 = arith.extui %gt3A_332 : i1 to i32
      %cond3A_334 = arith.constant 0 : i32
      %cond3A_335 = arith.cmpi ne, %convert_element_type3A_333, %cond3A_334 : i32
      scf.if %cond3A_335 {
        %dma_wait3A = arith.constant 0 : i32
        %dma_wait3A_346 = arith.constant 0 : i32
        %dma_wait3A_347 = arith.constant 0 : i32
        %dma_wait3A_348 = tpu.memref_slice %arg3[%dma_wait3A, %dma_wait3A_346, %dma_wait3A_347] : memref<721x32x4096xf32, #tpu.memory_space<hbm>> -> memref<1x8x4096xf32, #tpu.memory_space<hbm>>
        %dma_wait3A_349 = tpu.memref_squeeze %dma_wait3A_348 : memref<1x8x4096xf32, #tpu.memory_space<hbm>> -> memref<8x4096xf32, #tpu.memory_space<hbm>>
        %dma_wait3A_350 = arith.constant 0 : i32
        %dma_wait3A_351 = arith.constant 0 : i32
        %dma_wait3A_352 = tpu.memref_slice %arg3[%dma_wait3A, %dma_wait3A_350, %dma_wait3A_351] : memref<721x32x4096xf32, #tpu.memory_space<hbm>> -> memref<1x8x4096xf32, #tpu.memory_space<hbm>>
        %dma_wait3A_353 = tpu.memref_squeeze %dma_wait3A_352 : memref<1x8x4096xf32, #tpu.memory_space<hbm>> -> memref<8x4096xf32, #tpu.memory_space<hbm>>
        tpu.wait_dma2 semaphore(%arg10 : memref<!tpu.dma_semaphore, #tpu.memory_space<semaphore_mem>>) src(%arg4 : memref<8x4096xf32, #tpu.memory_space<vmem>>) dst(%dma_wait3A_353 : memref<8x4096xf32, #tpu.memory_space<hbm>>)
      } else {
      }
      %gt3A_336 = arith.constant 1 : i32
      %gt3A_337 = arith.cmpi sgt, %mul3A_292, %gt3A_336 : i32
      %convert_element_type3A_338 = arith.extui %gt3A_337 : i1 to i32
      %cond3A_339 = arith.constant 0 : i32
      %cond3A_340 = arith.cmpi ne, %convert_element_type3A_338, %cond3A_339 : i32
      scf.if %cond3A_340 {
        %dma_wait3A = arith.constant 0 : i32
        %dma_wait3A_346 = arith.constant 0 : i32
        %dma_wait3A_347 = arith.constant 0 : i32
        %dma_wait3A_348 = tpu.memref_slice %arg3[%dma_wait3A, %dma_wait3A_346, %dma_wait3A_347] : memref<721x32x4096xf32, #tpu.memory_space<hbm>> -> memref<1x8x4096xf32, #tpu.memory_space<hbm>>
        %dma_wait3A_349 = tpu.memref_squeeze %dma_wait3A_348 : memref<1x8x4096xf32, #tpu.memory_space<hbm>> -> memref<8x4096xf32, #tpu.memory_space<hbm>>
        %dma_wait3A_350 = arith.constant 0 : i32
        %dma_wait3A_351 = arith.constant 0 : i32
        %dma_wait3A_352 = tpu.memref_slice %arg3[%dma_wait3A, %dma_wait3A_350, %dma_wait3A_351] : memref<721x32x4096xf32, #tpu.memory_space<hbm>> -> memref<1x8x4096xf32, #tpu.memory_space<hbm>>
        %dma_wait3A_353 = tpu.memref_squeeze %dma_wait3A_352 : memref<1x8x4096xf32, #tpu.memory_space<hbm>> -> memref<8x4096xf32, #tpu.memory_space<hbm>>
        tpu.wait_dma2 semaphore(%arg11 : memref<!tpu.dma_semaphore, #tpu.memory_space<semaphore_mem>>) src(%arg5 : memref<8x4096xf32, #tpu.memory_space<vmem>>) dst(%dma_wait3A_353 : memref<8x4096xf32, #tpu.memory_space<hbm>>)
      } else {
      }
      %gt3A_341 = arith.constant 2 : i32
      %gt3A_342 = arith.cmpi sgt, %mul3A_292, %gt3A_341 : i32
      %convert_element_type3A_343 = arith.extui %gt3A_342 : i1 to i32
      %cond3A_344 = arith.constant 0 : i32
      %cond3A_345 = arith.cmpi ne, %convert_element_type3A_343, %cond3A_344 : i32
      scf.if %cond3A_345 {
        %dma_wait3A = arith.constant 0 : i32
        %dma_wait3A_346 = arith.constant 0 : i32
        %dma_wait3A_347 = arith.constant 0 : i32
        %dma_wait3A_348 = tpu.memref_slice %arg3[%dma_wait3A, %dma_wait3A_346, %dma_wait3A_347] : memref<721x32x4096xf32, #tpu.memory_space<hbm>> -> memref<1x8x4096xf32, #tpu.memory_space<hbm>>
        %dma_wait3A_349 = tpu.memref_squeeze %dma_wait3A_348 : memref<1x8x4096xf32, #tpu.memory_space<hbm>> -> memref<8x4096xf32, #tpu.memory_space<hbm>>
        %dma_wait3A_350 = arith.constant 0 : i32
        %dma_wait3A_351 = arith.constant 0 : i32
        %dma_wait3A_352 = tpu.memref_slice %arg3[%dma_wait3A, %dma_wait3A_350, %dma_wait3A_351] : memref<721x32x4096xf32, #tpu.memory_space<hbm>> -> memref<1x8x4096xf32, #tpu.memory_space<hbm>>
        %dma_wait3A_353 = tpu.memref_squeeze %dma_wait3A_352 : memref<1x8x4096xf32, #tpu.memory_space<hbm>> -> memref<8x4096xf32, #tpu.memory_space<hbm>>
        tpu.wait_dma2 semaphore(%arg12 : memref<!tpu.dma_semaphore, #tpu.memory_space<semaphore_mem>>) src(%arg6 : memref<8x4096xf32, #tpu.memory_space<vmem>>) dst(%dma_wait3A_353 : memref<8x4096xf32, #tpu.memory_space<hbm>>)
      } else {
      }
    } else {
    }
    %eq3A = arith.constant 31 : i32
    %eq3A_3 = arith.cmpi eq, %add3A, %eq3A : i32
    %convert_element_type3A_4 = arith.extui %eq3A_3 : i1 to i32
    %cond3A_5 = arith.constant 0 : i32
    %cond3A_6 = arith.cmpi ne, %convert_element_type3A_4, %cond3A_5 : i32
    scf.if %cond3A_6 {
      %max3A = arith.constant 0 : i32
      %max3A_7 = arith.constant 0 : i32
      %max3A_8 = arith.maxsi %max3A, %max3A_7 : i32
      %abs3A = arith.constant 0 : i32
      %abs3A_9 = math.absi %abs3A : i32
      %sub3A = arith.constant 31 : i32
      %sub3A_10 = arith.subi %sub3A, %abs3A_9 : i32
      %add3A_11 = arith.constant 465 : i32
      %add3A_12 = arith.addi %add3A_11, %max3A_8 : i32
      %jit3A = arith.constant true
      %jit3A_13 = arith.constant 345 : i32
      %jit3A_14 = arith.constant 345 : i32
      %select_n3A = arith.select %jit3A, %jit3A_13, %jit3A_14 : i32
      %add3A_15 = arith.constant 1 : i32
      %add3A_16 = arith.addi %sub3A_10, %add3A_15 : i32
      %jit3A_17 = arith.constant 2 : i32
      %div3A = arith.divsi %add3A_16, %jit3A_17 : i32
      %sign3A = arith.constant 0 : i32
      %sign3A_18 = arith.cmpi sgt, %add3A_16, %sign3A : i32
      %sign3A_19 = arith.extui %sign3A_18 : i1 to i32
      %sign3A_20 = arith.constant 0 : i32
      %sign3A_21 = arith.cmpi slt, %add3A_16, %sign3A_20 : i32
      %sign3A_22 = arith.extui %sign3A_21 : i1 to i32
      %sign3A_23 = arith.subi %sign3A_19, %sign3A_22 : i32
      %sign3A_24 = arith.constant 0 : i32
      %sign3A_25 = arith.cmpi sgt, %jit3A_17, %sign3A_24 : i32
      %sign3A_26 = arith.extui %sign3A_25 : i1 to i32
      %sign3A_27 = arith.constant 0 : i32
      %sign3A_28 = arith.cmpi slt, %jit3A_17, %sign3A_27 : i32
      %sign3A_29 = arith.extui %sign3A_28 : i1 to i32
      %sign3A_30 = arith.subi %sign3A_26, %sign3A_29 : i32
      %ne3A = arith.cmpi ne, %sign3A_23, %sign3A_30 : i32
      %rem3A = arith.remsi %add3A_16, %jit3A_17 : i32
      %ne3A_31 = arith.constant 0 : i32
      %ne3A_32 = arith.cmpi ne, %rem3A, %ne3A_31 : i32
      %and3A = arith.andi %ne3A, %ne3A_32 : i1
      %sub3A_33 = arith.constant 1 : i32
      %sub3A_34 = arith.subi %div3A, %sub3A_33 : i32
      %select_n3A_35 = arith.select %and3A, %sub3A_34, %div3A : i32
      %jit3A_36 = arith.constant 2 : i32
      %div3A_37 = arith.divsi %select_n3A_35, %jit3A_36 : i32
      %sign3A_38 = arith.constant 0 : i32
      %sign3A_39 = arith.cmpi sgt, %select_n3A_35, %sign3A_38 : i32
      %sign3A_40 = arith.extui %sign3A_39 : i1 to i32
      %sign3A_41 = arith.constant 0 : i32
      %sign3A_42 = arith.cmpi slt, %select_n3A_35, %sign3A_41 : i32
      %sign3A_43 = arith.extui %sign3A_42 : i1 to i32
      %sign3A_44 = arith.subi %sign3A_40, %sign3A_43 : i32
      %sign3A_45 = arith.constant 0 : i32
      %sign3A_46 = arith.cmpi sgt, %jit3A_36, %sign3A_45 : i32
      %sign3A_47 = arith.extui %sign3A_46 : i1 to i32
      %sign3A_48 = arith.constant 0 : i32
      %sign3A_49 = arith.cmpi slt, %jit3A_36, %sign3A_48 : i32
      %sign3A_50 = arith.extui %sign3A_49 : i1 to i32
      %sign3A_51 = arith.subi %sign3A_47, %sign3A_50 : i32
      %ne3A_52 = arith.cmpi ne, %sign3A_44, %sign3A_51 : i32
      %rem3A_53 = arith.remsi %select_n3A_35, %jit3A_36 : i32
      %ne3A_54 = arith.constant 0 : i32
      %ne3A_55 = arith.cmpi ne, %rem3A_53, %ne3A_54 : i32
      %and3A_56 = arith.andi %ne3A_52, %ne3A_55 : i1
      %sub3A_57 = arith.constant 1 : i32
      %sub3A_58 = arith.subi %div3A_37, %sub3A_57 : i32
      %select_n3A_59 = arith.select %and3A_56, %sub3A_58, %div3A_37 : i32
      %add3A_60 = arith.addi %add3A_12, %select_n3A_59 : i32
      %add3A_61 = arith.addi %select_n3A, %select_n3A_59 : i32
      %sub3A_62 = arith.subi %select_n3A_35, %select_n3A_59 : i32
      %mul3A_63 = arith.constant 4 : i32
      %mul3A_64 = arith.muli %sub3A_62, %mul3A_63 : i32
      %add3A_65 = arith.constant 3 : i32
      %add3A_66 = arith.addi %mul3A_64, %add3A_65 : i32
      %sub3A_67 = arith.constant 1 : i32
      %sub3A_68 = arith.subi %add3A_66, %sub3A_67 : i32
      %jit3A_69 = arith.constant 3 : i32
      %div3A_70 = arith.divsi %sub3A_68, %jit3A_69 : i32
      %sign3A_71 = arith.constant 0 : i32
      %sign3A_72 = arith.cmpi sgt, %sub3A_68, %sign3A_71 : i32
      %sign3A_73 = arith.extui %sign3A_72 : i1 to i32
      %sign3A_74 = arith.constant 0 : i32
      %sign3A_75 = arith.cmpi slt, %sub3A_68, %sign3A_74 : i32
      %sign3A_76 = arith.extui %sign3A_75 : i1 to i32
      %sign3A_77 = arith.subi %sign3A_73, %sign3A_76 : i32
      %sign3A_78 = arith.constant 0 : i32
      %sign3A_79 = arith.cmpi sgt, %jit3A_69, %sign3A_78 : i32
      %sign3A_80 = arith.extui %sign3A_79 : i1 to i32
      %sign3A_81 = arith.constant 0 : i32
      %sign3A_82 = arith.cmpi slt, %jit3A_69, %sign3A_81 : i32
      %sign3A_83 = arith.extui %sign3A_82 : i1 to i32
      %sign3A_84 = arith.subi %sign3A_80, %sign3A_83 : i32
      %ne3A_85 = arith.cmpi ne, %sign3A_77, %sign3A_84 : i32
      %rem3A_86 = arith.remsi %sub3A_68, %jit3A_69 : i32
      %ne3A_87 = arith.constant 0 : i32
      %ne3A_88 = arith.cmpi ne, %rem3A_86, %ne3A_87 : i32
      %and3A_89 = arith.andi %ne3A_85, %ne3A_88 : i1
      %sub3A_90 = arith.constant 1 : i32
      %sub3A_91 = arith.subi %div3A_70, %sub3A_90 : i32
      %select_n3A_92 = arith.select %and3A_89, %sub3A_91, %div3A_70 : i32
      %while3A = arith.constant 0 : i32
      %while3A_93 = arith.constant 0 : i32
      %while3A_94 = arith.subi %select_n3A_92, %while3A_93 : i32
      %while3A_95 = arith.addi %while3A_93, %while3A_94 : i32
      %while3A_96 = arith.constant 1 : i32
      %while3A_97 = arith.divsi %while3A_94, %while3A_96 : i32
      %while3A_98 = arith.muli %while3A_97, %while3A_96 : i32
      %while3A_99 = arith.addi %while3A_93, %while3A_98 : i32
      %while3A_100 = arith.constant 1 : i32
      scf.for %while3A_116 = %while3A_93 to %while3A_99 step %while3A_100  : i32 {
        %mul3A_117 = arith.constant 3 : i32
        %mul3A_118 = arith.muli %mul3A_117, %while3A_116 : i32
        %add3A_119 = arith.constant 0 : i32
        %add3A_120 = arith.addi %mul3A_118, %add3A_119 : i32
        %lt3A_121 = arith.cmpi slt, %add3A_120, %mul3A_64 : i32
        %convert_element_type3A_122 = arith.extui %lt3A_121 : i1 to i32
        %cond3A_123 = arith.constant 0 : i32
        %cond3A_124 = arith.cmpi ne, %convert_element_type3A_122, %cond3A_123 : i32
        scf.if %cond3A_124 {
          %gt3A_165 = arith.constant 0 : i32
          %gt3A_166 = arith.cmpi sgt, %while3A_116, %gt3A_165 : i32
          %convert_element_type3A_167 = arith.extui %gt3A_166 : i1 to i32
          %cond3A_168 = arith.constant 0 : i32
          %cond3A_169 = arith.cmpi ne, %convert_element_type3A_167, %cond3A_168 : i32
          scf.if %cond3A_169 {
            %dma_wait3A = arith.constant 0 : i32
            %dma_wait3A_219 = arith.constant 0 : i32
            %dma_wait3A_220 = arith.constant 0 : i32
            %dma_wait3A_221 = tpu.memref_slice %arg3[%dma_wait3A, %dma_wait3A_219, %dma_wait3A_220] : memref<721x32x4096xf32, #tpu.memory_space<hbm>> -> memref<1x8x4096xf32, #tpu.memory_space<hbm>>
            %dma_wait3A_222 = tpu.memref_squeeze %dma_wait3A_221 : memref<1x8x4096xf32, #tpu.memory_space<hbm>> -> memref<8x4096xf32, #tpu.memory_space<hbm>>
            %dma_wait3A_223 = arith.constant 0 : i32
            %dma_wait3A_224 = arith.constant 0 : i32
            %dma_wait3A_225 = tpu.memref_slice %arg3[%dma_wait3A, %dma_wait3A_223, %dma_wait3A_224] : memref<721x32x4096xf32, #tpu.memory_space<hbm>> -> memref<1x8x4096xf32, #tpu.memory_space<hbm>>
            %dma_wait3A_226 = tpu.memref_squeeze %dma_wait3A_225 : memref<1x8x4096xf32, #tpu.memory_space<hbm>> -> memref<8x4096xf32, #tpu.memory_space<hbm>>
            tpu.wait_dma2 semaphore(%arg10 : memref<!tpu.dma_semaphore, #tpu.memory_space<semaphore_mem>>) src(%arg4 : memref<8x4096xf32, #tpu.memory_space<vmem>>) dst(%dma_wait3A_226 : memref<8x4096xf32, #tpu.memory_space<hbm>>)
          } else {
          }
          %jit3A_170 = arith.constant 4 : i32
          %div3A_171 = arith.divsi %add3A_120, %jit3A_170 : i32
          %sign3A_172 = arith.constant 0 : i32
          %sign3A_173 = arith.cmpi sgt, %add3A_120, %sign3A_172 : i32
          %sign3A_174 = arith.extui %sign3A_173 : i1 to i32
          %sign3A_175 = arith.constant 0 : i32
          %sign3A_176 = arith.cmpi slt, %add3A_120, %sign3A_175 : i32
          %sign3A_177 = arith.extui %sign3A_176 : i1 to i32
          %sign3A_178 = arith.subi %sign3A_174, %sign3A_177 : i32
          %sign3A_179 = arith.constant 0 : i32
          %sign3A_180 = arith.cmpi sgt, %jit3A_170, %sign3A_179 : i32
          %sign3A_181 = arith.extui %sign3A_180 : i1 to i32
          %sign3A_182 = arith.constant 0 : i32
          %sign3A_183 = arith.cmpi slt, %jit3A_170, %sign3A_182 : i32
          %sign3A_184 = arith.extui %sign3A_183 : i1 to i32
          %sign3A_185 = arith.subi %sign3A_181, %sign3A_184 : i32
          %ne3A_186 = arith.cmpi ne, %sign3A_178, %sign3A_185 : i32
          %rem3A_187 = arith.remsi %add3A_120, %jit3A_170 : i32
          %ne3A_188 = arith.constant 0 : i32
          %ne3A_189 = arith.cmpi ne, %rem3A_187, %ne3A_188 : i32
          %and3A_190 = arith.andi %ne3A_186, %ne3A_189 : i1
          %sub3A_191 = arith.constant 1 : i32
          %sub3A_192 = arith.subi %div3A_171, %sub3A_191 : i32
          %select_n3A_193 = arith.select %and3A_190, %sub3A_192, %div3A_171 : i32
          %jit3A_194 = arith.constant 4 : i32
          %eq3A_195 = arith.constant 0 : i32
          %eq3A_196 = arith.cmpi eq, %jit3A_194, %eq3A_195 : i32
          %jit3A_197 = arith.constant 1 : i32
          %select_n3A_198 = arith.select %eq3A_196, %jit3A_197, %jit3A_194 : i32
          %rem3A_199 = arith.remsi %add3A_120, %select_n3A_198 : i32
          %ne3A_200 = arith.constant 0 : i32
          %ne3A_201 = arith.cmpi ne, %rem3A_199, %ne3A_200 : i32
          %lt3A_202 = arith.constant 0 : i32
          %lt3A_203 = arith.cmpi slt, %rem3A_199, %lt3A_202 : i32
          %lt3A_204 = arith.constant 0 : i32
          %lt3A_205 = arith.cmpi slt, %select_n3A_198, %lt3A_204 : i32
          %ne3A_206 = arith.xori %lt3A_203, %lt3A_205 : i1
          %and3A_207 = arith.andi %ne3A_206, %ne3A_201 : i1
          %add3A_208 = arith.addi %rem3A_199, %select_n3A_198 : i32
          %select_n3A_209 = arith.select %and3A_207, %add3A_208, %rem3A_199 : i32
          %mul3A_210 = arith.constant 8 : i32
          %mul3A_211 = arith.muli %select_n3A_209, %mul3A_210 : i32
          %multiple_of3A = tpu.assume_multiple %mul3A_211, 8 : i32
          %add3A_212 = arith.addi %add3A_60, %select_n3A_193 : i32
          %add3A_213 = arith.addi %add3A_61, %select_n3A_193 : i32
          %dma_start3A = arith.constant 0 : i32
          %dma_start3A_214 = tpu.memref_slice %arg2[%add3A_212, %multiple_of3A, %dma_start3A] : memref<961x32x4096xf32, #tpu.memory_space<hbm>> -> memref<1x8x4096xf32, #tpu.memory_space<hbm>>
          %dma_start3A_215 = tpu.memref_squeeze %dma_start3A_214 : memref<1x8x4096xf32, #tpu.memory_space<hbm>> -> memref<8x4096xf32, #tpu.memory_space<hbm>>
          %dma_start3A_216 = arith.constant 0 : i32
          %dma_start3A_217 = tpu.memref_slice %arg2[%add3A_212, %multiple_of3A, %dma_start3A_216] : memref<961x32x4096xf32, #tpu.memory_space<hbm>> -> memref<1x8x4096xf32, #tpu.memory_space<hbm>>
          %dma_start3A_218 = tpu.memref_squeeze %dma_start3A_217 : memref<1x8x4096xf32, #tpu.memory_space<hbm>> -> memref<8x4096xf32, #tpu.memory_space<hbm>>
          tpu.enqueue_dma source(%dma_start3A_218 : memref<8x4096xf32, #tpu.memory_space<hbm>>) target(%arg4 : memref<8x4096xf32, #tpu.memory_space<vmem>>) target_semaphore(%arg7 : memref<!tpu.dma_semaphore, #tpu.memory_space<semaphore_mem>>)
        } else {
        }
        %mul3A_125 = arith.constant 3 : i32
        %mul3A_126 = arith.muli %mul3A_125, %while3A_116 : i32
        %add3A_127 = arith.constant 1 : i32
        %add3A_128 = arith.addi %mul3A_126, %add3A_127 : i32
        %lt3A_129 = arith.cmpi slt, %add3A_128, %mul3A_64 : i32
        %convert_element_type3A_130 = arith.extui %lt3A_129 : i1 to i32
        %cond3A_131 = arith.constant 0 : i32
        %cond3A_132 = arith.cmpi ne, %convert_element_type3A_130, %cond3A_131 : i32
        scf.if %cond3A_132 {
          %gt3A_165 = arith.constant 0 : i32
          %gt3A_166 = arith.cmpi sgt, %while3A_116, %gt3A_165 : i32
          %convert_element_type3A_167 = arith.extui %gt3A_166 : i1 to i32
          %cond3A_168 = arith.constant 0 : i32
          %cond3A_169 = arith.cmpi ne, %convert_element_type3A_167, %cond3A_168 : i32
          scf.if %cond3A_169 {
            %dma_wait3A = arith.constant 0 : i32
            %dma_wait3A_219 = arith.constant 0 : i32
            %dma_wait3A_220 = arith.constant 0 : i32
            %dma_wait3A_221 = tpu.memref_slice %arg3[%dma_wait3A, %dma_wait3A_219, %dma_wait3A_220] : memref<721x32x4096xf32, #tpu.memory_space<hbm>> -> memref<1x8x4096xf32, #tpu.memory_space<hbm>>
            %dma_wait3A_222 = tpu.memref_squeeze %dma_wait3A_221 : memref<1x8x4096xf32, #tpu.memory_space<hbm>> -> memref<8x4096xf32, #tpu.memory_space<hbm>>
            %dma_wait3A_223 = arith.constant 0 : i32
            %dma_wait3A_224 = arith.constant 0 : i32
            %dma_wait3A_225 = tpu.memref_slice %arg3[%dma_wait3A, %dma_wait3A_223, %dma_wait3A_224] : memref<721x32x4096xf32, #tpu.memory_space<hbm>> -> memref<1x8x4096xf32, #tpu.memory_space<hbm>>
            %dma_wait3A_226 = tpu.memref_squeeze %dma_wait3A_225 : memref<1x8x4096xf32, #tpu.memory_space<hbm>> -> memref<8x4096xf32, #tpu.memory_space<hbm>>
            tpu.wait_dma2 semaphore(%arg11 : memref<!tpu.dma_semaphore, #tpu.memory_space<semaphore_mem>>) src(%arg5 : memref<8x4096xf32, #tpu.memory_space<vmem>>) dst(%dma_wait3A_226 : memref<8x4096xf32, #tpu.memory_space<hbm>>)
          } else {
          }
          %jit3A_170 = arith.constant 4 : i32
          %div3A_171 = arith.divsi %add3A_128, %jit3A_170 : i32
          %sign3A_172 = arith.constant 0 : i32
          %sign3A_173 = arith.cmpi sgt, %add3A_128, %sign3A_172 : i32
          %sign3A_174 = arith.extui %sign3A_173 : i1 to i32
          %sign3A_175 = arith.constant 0 : i32
          %sign3A_176 = arith.cmpi slt, %add3A_128, %sign3A_175 : i32
          %sign3A_177 = arith.extui %sign3A_176 : i1 to i32
          %sign3A_178 = arith.subi %sign3A_174, %sign3A_177 : i32
          %sign3A_179 = arith.constant 0 : i32
          %sign3A_180 = arith.cmpi sgt, %jit3A_170, %sign3A_179 : i32
          %sign3A_181 = arith.extui %sign3A_180 : i1 to i32
          %sign3A_182 = arith.constant 0 : i32
          %sign3A_183 = arith.cmpi slt, %jit3A_170, %sign3A_182 : i32
          %sign3A_184 = arith.extui %sign3A_183 : i1 to i32
          %sign3A_185 = arith.subi %sign3A_181, %sign3A_184 : i32
          %ne3A_186 = arith.cmpi ne, %sign3A_178, %sign3A_185 : i32
          %rem3A_187 = arith.remsi %add3A_128, %jit3A_170 : i32
          %ne3A_188 = arith.constant 0 : i32
          %ne3A_189 = arith.cmpi ne, %rem3A_187, %ne3A_188 : i32
          %and3A_190 = arith.andi %ne3A_186, %ne3A_189 : i1
          %sub3A_191 = arith.constant 1 : i32
          %sub3A_192 = arith.subi %div3A_171, %sub3A_191 : i32
          %select_n3A_193 = arith.select %and3A_190, %sub3A_192, %div3A_171 : i32
          %jit3A_194 = arith.constant 4 : i32
          %eq3A_195 = arith.constant 0 : i32
          %eq3A_196 = arith.cmpi eq, %jit3A_194, %eq3A_195 : i32
          %jit3A_197 = arith.constant 1 : i32
          %select_n3A_198 = arith.select %eq3A_196, %jit3A_197, %jit3A_194 : i32
          %rem3A_199 = arith.remsi %add3A_128, %select_n3A_198 : i32
          %ne3A_200 = arith.constant 0 : i32
          %ne3A_201 = arith.cmpi ne, %rem3A_199, %ne3A_200 : i32
          %lt3A_202 = arith.constant 0 : i32
          %lt3A_203 = arith.cmpi slt, %rem3A_199, %lt3A_202 : i32
          %lt3A_204 = arith.constant 0 : i32
          %lt3A_205 = arith.cmpi slt, %select_n3A_198, %lt3A_204 : i32
          %ne3A_206 = arith.xori %lt3A_203, %lt3A_205 : i1
          %and3A_207 = arith.andi %ne3A_206, %ne3A_201 : i1
          %add3A_208 = arith.addi %rem3A_199, %select_n3A_198 : i32
          %select_n3A_209 = arith.select %and3A_207, %add3A_208, %rem3A_199 : i32
          %mul3A_210 = arith.constant 8 : i32
          %mul3A_211 = arith.muli %select_n3A_209, %mul3A_210 : i32
          %multiple_of3A = tpu.assume_multiple %mul3A_211, 8 : i32
          %add3A_212 = arith.addi %add3A_60, %select_n3A_193 : i32
          %add3A_213 = arith.addi %add3A_61, %select_n3A_193 : i32
          %dma_start3A = arith.constant 0 : i32
          %dma_start3A_214 = tpu.memref_slice %arg2[%add3A_212, %multiple_of3A, %dma_start3A] : memref<961x32x4096xf32, #tpu.memory_space<hbm>> -> memref<1x8x4096xf32, #tpu.memory_space<hbm>>
          %dma_start3A_215 = tpu.memref_squeeze %dma_start3A_214 : memref<1x8x4096xf32, #tpu.memory_space<hbm>> -> memref<8x4096xf32, #tpu.memory_space<hbm>>
          %dma_start3A_216 = arith.constant 0 : i32
          %dma_start3A_217 = tpu.memref_slice %arg2[%add3A_212, %multiple_of3A, %dma_start3A_216] : memref<961x32x4096xf32, #tpu.memory_space<hbm>> -> memref<1x8x4096xf32, #tpu.memory_space<hbm>>
          %dma_start3A_218 = tpu.memref_squeeze %dma_start3A_217 : memref<1x8x4096xf32, #tpu.memory_space<hbm>> -> memref<8x4096xf32, #tpu.memory_space<hbm>>
          tpu.enqueue_dma source(%dma_start3A_218 : memref<8x4096xf32, #tpu.memory_space<hbm>>) target(%arg5 : memref<8x4096xf32, #tpu.memory_space<vmem>>) target_semaphore(%arg8 : memref<!tpu.dma_semaphore, #tpu.memory_space<semaphore_mem>>)
        } else {
        }
        %mul3A_133 = arith.constant 3 : i32
        %mul3A_134 = arith.muli %mul3A_133, %while3A_116 : i32
        %add3A_135 = arith.constant 2 : i32
        %add3A_136 = arith.addi %mul3A_134, %add3A_135 : i32
        %lt3A_137 = arith.cmpi slt, %add3A_136, %mul3A_64 : i32
        %convert_element_type3A_138 = arith.extui %lt3A_137 : i1 to i32
        %cond3A_139 = arith.constant 0 : i32
        %cond3A_140 = arith.cmpi ne, %convert_element_type3A_138, %cond3A_139 : i32
        scf.if %cond3A_140 {
          %gt3A_165 = arith.constant 0 : i32
          %gt3A_166 = arith.cmpi sgt, %while3A_116, %gt3A_165 : i32
          %convert_element_type3A_167 = arith.extui %gt3A_166 : i1 to i32
          %cond3A_168 = arith.constant 0 : i32
          %cond3A_169 = arith.cmpi ne, %convert_element_type3A_167, %cond3A_168 : i32
          scf.if %cond3A_169 {
            %dma_wait3A = arith.constant 0 : i32
            %dma_wait3A_219 = arith.constant 0 : i32
            %dma_wait3A_220 = arith.constant 0 : i32
            %dma_wait3A_221 = tpu.memref_slice %arg3[%dma_wait3A, %dma_wait3A_219, %dma_wait3A_220] : memref<721x32x4096xf32, #tpu.memory_space<hbm>> -> memref<1x8x4096xf32, #tpu.memory_space<hbm>>
            %dma_wait3A_222 = tpu.memref_squeeze %dma_wait3A_221 : memref<1x8x4096xf32, #tpu.memory_space<hbm>> -> memref<8x4096xf32, #tpu.memory_space<hbm>>
            %dma_wait3A_223 = arith.constant 0 : i32
            %dma_wait3A_224 = arith.constant 0 : i32
            %dma_wait3A_225 = tpu.memref_slice %arg3[%dma_wait3A, %dma_wait3A_223, %dma_wait3A_224] : memref<721x32x4096xf32, #tpu.memory_space<hbm>> -> memref<1x8x4096xf32, #tpu.memory_space<hbm>>
            %dma_wait3A_226 = tpu.memref_squeeze %dma_wait3A_225 : memref<1x8x4096xf32, #tpu.memory_space<hbm>> -> memref<8x4096xf32, #tpu.memory_space<hbm>>
            tpu.wait_dma2 semaphore(%arg12 : memref<!tpu.dma_semaphore, #tpu.memory_space<semaphore_mem>>) src(%arg6 : memref<8x4096xf32, #tpu.memory_space<vmem>>) dst(%dma_wait3A_226 : memref<8x4096xf32, #tpu.memory_space<hbm>>)
          } else {
          }
          %jit3A_170 = arith.constant 4 : i32
          %div3A_171 = arith.divsi %add3A_136, %jit3A_170 : i32
          %sign3A_172 = arith.constant 0 : i32
          %sign3A_173 = arith.cmpi sgt, %add3A_136, %sign3A_172 : i32
          %sign3A_174 = arith.extui %sign3A_173 : i1 to i32
          %sign3A_175 = arith.constant 0 : i32
          %sign3A_176 = arith.cmpi slt, %add3A_136, %sign3A_175 : i32
          %sign3A_177 = arith.extui %sign3A_176 : i1 to i32
          %sign3A_178 = arith.subi %sign3A_174, %sign3A_177 : i32
          %sign3A_179 = arith.constant 0 : i32
          %sign3A_180 = arith.cmpi sgt, %jit3A_170, %sign3A_179 : i32
          %sign3A_181 = arith.extui %sign3A_180 : i1 to i32
          %sign3A_182 = arith.constant 0 : i32
          %sign3A_183 = arith.cmpi slt, %jit3A_170, %sign3A_182 : i32
          %sign3A_184 = arith.extui %sign3A_183 : i1 to i32
          %sign3A_185 = arith.subi %sign3A_181, %sign3A_184 : i32
          %ne3A_186 = arith.cmpi ne, %sign3A_178, %sign3A_185 : i32
          %rem3A_187 = arith.remsi %add3A_136, %jit3A_170 : i32
          %ne3A_188 = arith.constant 0 : i32
          %ne3A_189 = arith.cmpi ne, %rem3A_187, %ne3A_188 : i32
          %and3A_190 = arith.andi %ne3A_186, %ne3A_189 : i1
          %sub3A_191 = arith.constant 1 : i32
          %sub3A_192 = arith.subi %div3A_171, %sub3A_191 : i32
          %select_n3A_193 = arith.select %and3A_190, %sub3A_192, %div3A_171 : i32
          %jit3A_194 = arith.constant 4 : i32
          %eq3A_195 = arith.constant 0 : i32
          %eq3A_196 = arith.cmpi eq, %jit3A_194, %eq3A_195 : i32
          %jit3A_197 = arith.constant 1 : i32
          %select_n3A_198 = arith.select %eq3A_196, %jit3A_197, %jit3A_194 : i32
          %rem3A_199 = arith.remsi %add3A_136, %select_n3A_198 : i32
          %ne3A_200 = arith.constant 0 : i32
          %ne3A_201 = arith.cmpi ne, %rem3A_199, %ne3A_200 : i32
          %lt3A_202 = arith.constant 0 : i32
          %lt3A_203 = arith.cmpi slt, %rem3A_199, %lt3A_202 : i32
          %lt3A_204 = arith.constant 0 : i32
          %lt3A_205 = arith.cmpi slt, %select_n3A_198, %lt3A_204 : i32
          %ne3A_206 = arith.xori %lt3A_203, %lt3A_205 : i1
          %and3A_207 = arith.andi %ne3A_206, %ne3A_201 : i1
          %add3A_208 = arith.addi %rem3A_199, %select_n3A_198 : i32
          %select_n3A_209 = arith.select %and3A_207, %add3A_208, %rem3A_199 : i32
          %mul3A_210 = arith.constant 8 : i32
          %mul3A_211 = arith.muli %select_n3A_209, %mul3A_210 : i32
          %multiple_of3A = tpu.assume_multiple %mul3A_211, 8 : i32
          %add3A_212 = arith.addi %add3A_60, %select_n3A_193 : i32
          %add3A_213 = arith.addi %add3A_61, %select_n3A_193 : i32
          %dma_start3A = arith.constant 0 : i32
          %dma_start3A_214 = tpu.memref_slice %arg2[%add3A_212, %multiple_of3A, %dma_start3A] : memref<961x32x4096xf32, #tpu.memory_space<hbm>> -> memref<1x8x4096xf32, #tpu.memory_space<hbm>>
          %dma_start3A_215 = tpu.memref_squeeze %dma_start3A_214 : memref<1x8x4096xf32, #tpu.memory_space<hbm>> -> memref<8x4096xf32, #tpu.memory_space<hbm>>
          %dma_start3A_216 = arith.constant 0 : i32
          %dma_start3A_217 = tpu.memref_slice %arg2[%add3A_212, %multiple_of3A, %dma_start3A_216] : memref<961x32x4096xf32, #tpu.memory_space<hbm>> -> memref<1x8x4096xf32, #tpu.memory_space<hbm>>
          %dma_start3A_218 = tpu.memref_squeeze %dma_start3A_217 : memref<1x8x4096xf32, #tpu.memory_space<hbm>> -> memref<8x4096xf32, #tpu.memory_space<hbm>>
          tpu.enqueue_dma source(%dma_start3A_218 : memref<8x4096xf32, #tpu.memory_space<hbm>>) target(%arg6 : memref<8x4096xf32, #tpu.memory_space<vmem>>) target_semaphore(%arg9 : memref<!tpu.dma_semaphore, #tpu.memory_space<semaphore_mem>>)
        } else {
        }
        %mul3A_141 = arith.constant 3 : i32
        %mul3A_142 = arith.muli %mul3A_141, %while3A_116 : i32
        %add3A_143 = arith.constant 0 : i32
        %add3A_144 = arith.addi %mul3A_142, %add3A_143 : i32
        %lt3A_145 = arith.cmpi slt, %add3A_144, %mul3A_64 : i32
        %convert_element_type3A_146 = arith.extui %lt3A_145 : i1 to i32
        %cond3A_147 = arith.constant 0 : i32
        %cond3A_148 = arith.cmpi ne, %convert_element_type3A_146, %cond3A_147 : i32
        scf.if %cond3A_148 {
          %dma_wait3A = arith.constant 0 : i32
          %dma_wait3A_165 = arith.constant 0 : i32
          %dma_wait3A_166 = arith.constant 0 : i32
          %dma_wait3A_167 = tpu.memref_slice %arg2[%dma_wait3A, %dma_wait3A_165, %dma_wait3A_166] : memref<961x32x4096xf32, #tpu.memory_space<hbm>> -> memref<1x8x4096xf32, #tpu.memory_space<hbm>>
          %dma_wait3A_168 = tpu.memref_squeeze %dma_wait3A_167 : memref<1x8x4096xf32, #tpu.memory_space<hbm>> -> memref<8x4096xf32, #tpu.memory_space<hbm>>
          %dma_wait3A_169 = arith.constant 0 : i32
          %dma_wait3A_170 = arith.constant 0 : i32
          %dma_wait3A_171 = tpu.memref_slice %arg2[%dma_wait3A, %dma_wait3A_169, %dma_wait3A_170] : memref<961x32x4096xf32, #tpu.memory_space<hbm>> -> memref<1x8x4096xf32, #tpu.memory_space<hbm>>
          %dma_wait3A_172 = tpu.memref_squeeze %dma_wait3A_171 : memref<1x8x4096xf32, #tpu.memory_space<hbm>> -> memref<8x4096xf32, #tpu.memory_space<hbm>>
          tpu.wait_dma2 semaphore(%arg7 : memref<!tpu.dma_semaphore, #tpu.memory_space<semaphore_mem>>) src(%dma_wait3A_172 : memref<8x4096xf32, #tpu.memory_space<hbm>>) dst(%arg4 : memref<8x4096xf32, #tpu.memory_space<vmem>>)
          %jit3A_173 = arith.constant 4 : i32
          %div3A_174 = arith.divsi %add3A_144, %jit3A_173 : i32
          %sign3A_175 = arith.constant 0 : i32
          %sign3A_176 = arith.cmpi sgt, %add3A_144, %sign3A_175 : i32
          %sign3A_177 = arith.extui %sign3A_176 : i1 to i32
          %sign3A_178 = arith.constant 0 : i32
          %sign3A_179 = arith.cmpi slt, %add3A_144, %sign3A_178 : i32
          %sign3A_180 = arith.extui %sign3A_179 : i1 to i32
          %sign3A_181 = arith.subi %sign3A_177, %sign3A_180 : i32
          %sign3A_182 = arith.constant 0 : i32
          %sign3A_183 = arith.cmpi sgt, %jit3A_173, %sign3A_182 : i32
          %sign3A_184 = arith.extui %sign3A_183 : i1 to i32
          %sign3A_185 = arith.constant 0 : i32
          %sign3A_186 = arith.cmpi slt, %jit3A_173, %sign3A_185 : i32
          %sign3A_187 = arith.extui %sign3A_186 : i1 to i32
          %sign3A_188 = arith.subi %sign3A_184, %sign3A_187 : i32
          %ne3A_189 = arith.cmpi ne, %sign3A_181, %sign3A_188 : i32
          %rem3A_190 = arith.remsi %add3A_144, %jit3A_173 : i32
          %ne3A_191 = arith.constant 0 : i32
          %ne3A_192 = arith.cmpi ne, %rem3A_190, %ne3A_191 : i32
          %and3A_193 = arith.andi %ne3A_189, %ne3A_192 : i1
          %sub3A_194 = arith.constant 1 : i32
          %sub3A_195 = arith.subi %div3A_174, %sub3A_194 : i32
          %select_n3A_196 = arith.select %and3A_193, %sub3A_195, %div3A_174 : i32
          %jit3A_197 = arith.constant 4 : i32
          %eq3A_198 = arith.constant 0 : i32
          %eq3A_199 = arith.cmpi eq, %jit3A_197, %eq3A_198 : i32
          %jit3A_200 = arith.constant 1 : i32
          %select_n3A_201 = arith.select %eq3A_199, %jit3A_200, %jit3A_197 : i32
          %rem3A_202 = arith.remsi %add3A_144, %select_n3A_201 : i32
          %ne3A_203 = arith.constant 0 : i32
          %ne3A_204 = arith.cmpi ne, %rem3A_202, %ne3A_203 : i32
          %lt3A_205 = arith.constant 0 : i32
          %lt3A_206 = arith.cmpi slt, %rem3A_202, %lt3A_205 : i32
          %lt3A_207 = arith.constant 0 : i32
          %lt3A_208 = arith.cmpi slt, %select_n3A_201, %lt3A_207 : i32
          %ne3A_209 = arith.xori %lt3A_206, %lt3A_208 : i1
          %and3A_210 = arith.andi %ne3A_209, %ne3A_204 : i1
          %add3A_211 = arith.addi %rem3A_202, %select_n3A_201 : i32
          %select_n3A_212 = arith.select %and3A_210, %add3A_211, %rem3A_202 : i32
          %mul3A_213 = arith.constant 8 : i32
          %mul3A_214 = arith.muli %select_n3A_212, %mul3A_213 : i32
          %multiple_of3A = tpu.assume_multiple %mul3A_214, 8 : i32
          %add3A_215 = arith.addi %add3A_60, %select_n3A_196 : i32
          %add3A_216 = arith.addi %add3A_61, %select_n3A_196 : i32
          %dma_start3A = arith.constant 0 : i32
          %dma_start3A_217 = tpu.memref_slice %arg3[%add3A_216, %multiple_of3A, %dma_start3A] : memref<721x32x4096xf32, #tpu.memory_space<hbm>> -> memref<1x8x4096xf32, #tpu.memory_space<hbm>>
          %dma_start3A_218 = tpu.memref_squeeze %dma_start3A_217 : memref<1x8x4096xf32, #tpu.memory_space<hbm>> -> memref<8x4096xf32, #tpu.memory_space<hbm>>
          %dma_start3A_219 = arith.constant 0 : i32
          %dma_start3A_220 = tpu.memref_slice %arg3[%add3A_216, %multiple_of3A, %dma_start3A_219] : memref<721x32x4096xf32, #tpu.memory_space<hbm>> -> memref<1x8x4096xf32, #tpu.memory_space<hbm>>
          %dma_start3A_221 = tpu.memref_squeeze %dma_start3A_220 : memref<1x8x4096xf32, #tpu.memory_space<hbm>> -> memref<8x4096xf32, #tpu.memory_space<hbm>>
          tpu.enqueue_dma source(%arg4 : memref<8x4096xf32, #tpu.memory_space<vmem>>) target(%dma_start3A_221 : memref<8x4096xf32, #tpu.memory_space<hbm>>) target_semaphore(%arg10 : memref<!tpu.dma_semaphore, #tpu.memory_space<semaphore_mem>>)
        } else {
        }
        %mul3A_149 = arith.constant 3 : i32
        %mul3A_150 = arith.muli %mul3A_149, %while3A_116 : i32
        %add3A_151 = arith.constant 1 : i32
        %add3A_152 = arith.addi %mul3A_150, %add3A_151 : i32
        %lt3A_153 = arith.cmpi slt, %add3A_152, %mul3A_64 : i32
        %convert_element_type3A_154 = arith.extui %lt3A_153 : i1 to i32
        %cond3A_155 = arith.constant 0 : i32
        %cond3A_156 = arith.cmpi ne, %convert_element_type3A_154, %cond3A_155 : i32
        scf.if %cond3A_156 {
          %dma_wait3A = arith.constant 0 : i32
          %dma_wait3A_165 = arith.constant 0 : i32
          %dma_wait3A_166 = arith.constant 0 : i32
          %dma_wait3A_167 = tpu.memref_slice %arg2[%dma_wait3A, %dma_wait3A_165, %dma_wait3A_166] : memref<961x32x4096xf32, #tpu.memory_space<hbm>> -> memref<1x8x4096xf32, #tpu.memory_space<hbm>>
          %dma_wait3A_168 = tpu.memref_squeeze %dma_wait3A_167 : memref<1x8x4096xf32, #tpu.memory_space<hbm>> -> memref<8x4096xf32, #tpu.memory_space<hbm>>
          %dma_wait3A_169 = arith.constant 0 : i32
          %dma_wait3A_170 = arith.constant 0 : i32
          %dma_wait3A_171 = tpu.memref_slice %arg2[%dma_wait3A, %dma_wait3A_169, %dma_wait3A_170] : memref<961x32x4096xf32, #tpu.memory_space<hbm>> -> memref<1x8x4096xf32, #tpu.memory_space<hbm>>
          %dma_wait3A_172 = tpu.memref_squeeze %dma_wait3A_171 : memref<1x8x4096xf32, #tpu.memory_space<hbm>> -> memref<8x4096xf32, #tpu.memory_space<hbm>>
          tpu.wait_dma2 semaphore(%arg8 : memref<!tpu.dma_semaphore, #tpu.memory_space<semaphore_mem>>) src(%dma_wait3A_172 : memref<8x4096xf32, #tpu.memory_space<hbm>>) dst(%arg5 : memref<8x4096xf32, #tpu.memory_space<vmem>>)
          %jit3A_173 = arith.constant 4 : i32
          %div3A_174 = arith.divsi %add3A_152, %jit3A_173 : i32
          %sign3A_175 = arith.constant 0 : i32
          %sign3A_176 = arith.cmpi sgt, %add3A_152, %sign3A_175 : i32
          %sign3A_177 = arith.extui %sign3A_176 : i1 to i32
          %sign3A_178 = arith.constant 0 : i32
          %sign3A_179 = arith.cmpi slt, %add3A_152, %sign3A_178 : i32
          %sign3A_180 = arith.extui %sign3A_179 : i1 to i32
          %sign3A_181 = arith.subi %sign3A_177, %sign3A_180 : i32
          %sign3A_182 = arith.constant 0 : i32
          %sign3A_183 = arith.cmpi sgt, %jit3A_173, %sign3A_182 : i32
          %sign3A_184 = arith.extui %sign3A_183 : i1 to i32
          %sign3A_185 = arith.constant 0 : i32
          %sign3A_186 = arith.cmpi slt, %jit3A_173, %sign3A_185 : i32
          %sign3A_187 = arith.extui %sign3A_186 : i1 to i32
          %sign3A_188 = arith.subi %sign3A_184, %sign3A_187 : i32
          %ne3A_189 = arith.cmpi ne, %sign3A_181, %sign3A_188 : i32
          %rem3A_190 = arith.remsi %add3A_152, %jit3A_173 : i32
          %ne3A_191 = arith.constant 0 : i32
          %ne3A_192 = arith.cmpi ne, %rem3A_190, %ne3A_191 : i32
          %and3A_193 = arith.andi %ne3A_189, %ne3A_192 : i1
          %sub3A_194 = arith.constant 1 : i32
          %sub3A_195 = arith.subi %div3A_174, %sub3A_194 : i32
          %select_n3A_196 = arith.select %and3A_193, %sub3A_195, %div3A_174 : i32
          %jit3A_197 = arith.constant 4 : i32
          %eq3A_198 = arith.constant 0 : i32
          %eq3A_199 = arith.cmpi eq, %jit3A_197, %eq3A_198 : i32
          %jit3A_200 = arith.constant 1 : i32
          %select_n3A_201 = arith.select %eq3A_199, %jit3A_200, %jit3A_197 : i32
          %rem3A_202 = arith.remsi %add3A_152, %select_n3A_201 : i32
          %ne3A_203 = arith.constant 0 : i32
          %ne3A_204 = arith.cmpi ne, %rem3A_202, %ne3A_203 : i32
          %lt3A_205 = arith.constant 0 : i32
          %lt3A_206 = arith.cmpi slt, %rem3A_202, %lt3A_205 : i32
          %lt3A_207 = arith.constant 0 : i32
          %lt3A_208 = arith.cmpi slt, %select_n3A_201, %lt3A_207 : i32
          %ne3A_209 = arith.xori %lt3A_206, %lt3A_208 : i1
          %and3A_210 = arith.andi %ne3A_209, %ne3A_204 : i1
          %add3A_211 = arith.addi %rem3A_202, %select_n3A_201 : i32
          %select_n3A_212 = arith.select %and3A_210, %add3A_211, %rem3A_202 : i32
          %mul3A_213 = arith.constant 8 : i32
          %mul3A_214 = arith.muli %select_n3A_212, %mul3A_213 : i32
          %multiple_of3A = tpu.assume_multiple %mul3A_214, 8 : i32
          %add3A_215 = arith.addi %add3A_60, %select_n3A_196 : i32
          %add3A_216 = arith.addi %add3A_61, %select_n3A_196 : i32
          %dma_start3A = arith.constant 0 : i32
          %dma_start3A_217 = tpu.memref_slice %arg3[%add3A_216, %multiple_of3A, %dma_start3A] : memref<721x32x4096xf32, #tpu.memory_space<hbm>> -> memref<1x8x4096xf32, #tpu.memory_space<hbm>>
          %dma_start3A_218 = tpu.memref_squeeze %dma_start3A_217 : memref<1x8x4096xf32, #tpu.memory_space<hbm>> -> memref<8x4096xf32, #tpu.memory_space<hbm>>
          %dma_start3A_219 = arith.constant 0 : i32
          %dma_start3A_220 = tpu.memref_slice %arg3[%add3A_216, %multiple_of3A, %dma_start3A_219] : memref<721x32x4096xf32, #tpu.memory_space<hbm>> -> memref<1x8x4096xf32, #tpu.memory_space<hbm>>
          %dma_start3A_221 = tpu.memref_squeeze %dma_start3A_220 : memref<1x8x4096xf32, #tpu.memory_space<hbm>> -> memref<8x4096xf32, #tpu.memory_space<hbm>>
          tpu.enqueue_dma source(%arg5 : memref<8x4096xf32, #tpu.memory_space<vmem>>) target(%dma_start3A_221 : memref<8x4096xf32, #tpu.memory_space<hbm>>) target_semaphore(%arg11 : memref<!tpu.dma_semaphore, #tpu.memory_space<semaphore_mem>>)
        } else {
        }
        %mul3A_157 = arith.constant 3 : i32
        %mul3A_158 = arith.muli %mul3A_157, %while3A_116 : i32
        %add3A_159 = arith.constant 2 : i32
        %add3A_160 = arith.addi %mul3A_158, %add3A_159 : i32
        %lt3A_161 = arith.cmpi slt, %add3A_160, %mul3A_64 : i32
        %convert_element_type3A_162 = arith.extui %lt3A_161 : i1 to i32
        %cond3A_163 = arith.constant 0 : i32
        %cond3A_164 = arith.cmpi ne, %convert_element_type3A_162, %cond3A_163 : i32
        scf.if %cond3A_164 {
          %dma_wait3A = arith.constant 0 : i32
          %dma_wait3A_165 = arith.constant 0 : i32
          %dma_wait3A_166 = arith.constant 0 : i32
          %dma_wait3A_167 = tpu.memref_slice %arg2[%dma_wait3A, %dma_wait3A_165, %dma_wait3A_166] : memref<961x32x4096xf32, #tpu.memory_space<hbm>> -> memref<1x8x4096xf32, #tpu.memory_space<hbm>>
          %dma_wait3A_168 = tpu.memref_squeeze %dma_wait3A_167 : memref<1x8x4096xf32, #tpu.memory_space<hbm>> -> memref<8x4096xf32, #tpu.memory_space<hbm>>
          %dma_wait3A_169 = arith.constant 0 : i32
          %dma_wait3A_170 = arith.constant 0 : i32
          %dma_wait3A_171 = tpu.memref_slice %arg2[%dma_wait3A, %dma_wait3A_169, %dma_wait3A_170] : memref<961x32x4096xf32, #tpu.memory_space<hbm>> -> memref<1x8x4096xf32, #tpu.memory_space<hbm>>
          %dma_wait3A_172 = tpu.memref_squeeze %dma_wait3A_171 : memref<1x8x4096xf32, #tpu.memory_space<hbm>> -> memref<8x4096xf32, #tpu.memory_space<hbm>>
          tpu.wait_dma2 semaphore(%arg9 : memref<!tpu.dma_semaphore, #tpu.memory_space<semaphore_mem>>) src(%dma_wait3A_172 : memref<8x4096xf32, #tpu.memory_space<hbm>>) dst(%arg6 : memref<8x4096xf32, #tpu.memory_space<vmem>>)
          %jit3A_173 = arith.constant 4 : i32
          %div3A_174 = arith.divsi %add3A_160, %jit3A_173 : i32
          %sign3A_175 = arith.constant 0 : i32
          %sign3A_176 = arith.cmpi sgt, %add3A_160, %sign3A_175 : i32
          %sign3A_177 = arith.extui %sign3A_176 : i1 to i32
          %sign3A_178 = arith.constant 0 : i32
          %sign3A_179 = arith.cmpi slt, %add3A_160, %sign3A_178 : i32
          %sign3A_180 = arith.extui %sign3A_179 : i1 to i32
          %sign3A_181 = arith.subi %sign3A_177, %sign3A_180 : i32
          %sign3A_182 = arith.constant 0 : i32
          %sign3A_183 = arith.cmpi sgt, %jit3A_173, %sign3A_182 : i32
          %sign3A_184 = arith.extui %sign3A_183 : i1 to i32
          %sign3A_185 = arith.constant 0 : i32
          %sign3A_186 = arith.cmpi slt, %jit3A_173, %sign3A_185 : i32
          %sign3A_187 = arith.extui %sign3A_186 : i1 to i32
          %sign3A_188 = arith.subi %sign3A_184, %sign3A_187 : i32
          %ne3A_189 = arith.cmpi ne, %sign3A_181, %sign3A_188 : i32
          %rem3A_190 = arith.remsi %add3A_160, %jit3A_173 : i32
          %ne3A_191 = arith.constant 0 : i32
          %ne3A_192 = arith.cmpi ne, %rem3A_190, %ne3A_191 : i32
          %and3A_193 = arith.andi %ne3A_189, %ne3A_192 : i1
          %sub3A_194 = arith.constant 1 : i32
          %sub3A_195 = arith.subi %div3A_174, %sub3A_194 : i32
          %select_n3A_196 = arith.select %and3A_193, %sub3A_195, %div3A_174 : i32
          %jit3A_197 = arith.constant 4 : i32
          %eq3A_198 = arith.constant 0 : i32
          %eq3A_199 = arith.cmpi eq, %jit3A_197, %eq3A_198 : i32
          %jit3A_200 = arith.constant 1 : i32
          %select_n3A_201 = arith.select %eq3A_199, %jit3A_200, %jit3A_197 : i32
          %rem3A_202 = arith.remsi %add3A_160, %select_n3A_201 : i32
          %ne3A_203 = arith.constant 0 : i32
          %ne3A_204 = arith.cmpi ne, %rem3A_202, %ne3A_203 : i32
          %lt3A_205 = arith.constant 0 : i32
          %lt3A_206 = arith.cmpi slt, %rem3A_202, %lt3A_205 : i32
          %lt3A_207 = arith.constant 0 : i32
          %lt3A_208 = arith.cmpi slt, %select_n3A_201, %lt3A_207 : i32
          %ne3A_209 = arith.xori %lt3A_206, %lt3A_208 : i1
          %and3A_210 = arith.andi %ne3A_209, %ne3A_204 : i1
          %add3A_211 = arith.addi %rem3A_202, %select_n3A_201 : i32
          %select_n3A_212 = arith.select %and3A_210, %add3A_211, %rem3A_202 : i32
          %mul3A_213 = arith.constant 8 : i32
          %mul3A_214 = arith.muli %select_n3A_212, %mul3A_213 : i32
          %multiple_of3A = tpu.assume_multiple %mul3A_214, 8 : i32
          %add3A_215 = arith.addi %add3A_60, %select_n3A_196 : i32
          %add3A_216 = arith.addi %add3A_61, %select_n3A_196 : i32
          %dma_start3A = arith.constant 0 : i32
          %dma_start3A_217 = tpu.memref_slice %arg3[%add3A_216, %multiple_of3A, %dma_start3A] : memref<721x32x4096xf32, #tpu.memory_space<hbm>> -> memref<1x8x4096xf32, #tpu.memory_space<hbm>>
          %dma_start3A_218 = tpu.memref_squeeze %dma_start3A_217 : memref<1x8x4096xf32, #tpu.memory_space<hbm>> -> memref<8x4096xf32, #tpu.memory_space<hbm>>
          %dma_start3A_219 = arith.constant 0 : i32
          %dma_start3A_220 = tpu.memref_slice %arg3[%add3A_216, %multiple_of3A, %dma_start3A_219] : memref<721x32x4096xf32, #tpu.memory_space<hbm>> -> memref<1x8x4096xf32, #tpu.memory_space<hbm>>
          %dma_start3A_221 = tpu.memref_squeeze %dma_start3A_220 : memref<1x8x4096xf32, #tpu.memory_space<hbm>> -> memref<8x4096xf32, #tpu.memory_space<hbm>>
          tpu.enqueue_dma source(%arg6 : memref<8x4096xf32, #tpu.memory_space<vmem>>) target(%dma_start3A_221 : memref<8x4096xf32, #tpu.memory_space<hbm>>) target_semaphore(%arg12 : memref<!tpu.dma_semaphore, #tpu.memory_space<semaphore_mem>>)
        } else {
        }
      }
      %while3A_101 = arith.constant 1 : i32
      scf.for %while3A_116 = %while3A_99 to %while3A_95 step %while3A_101  : i32 {
        %mul3A_117 = arith.constant 3 : i32
        %mul3A_118 = arith.muli %mul3A_117, %while3A_116 : i32
        %add3A_119 = arith.constant 0 : i32
        %add3A_120 = arith.addi %mul3A_118, %add3A_119 : i32
        %lt3A_121 = arith.cmpi slt, %add3A_120, %mul3A_64 : i32
        %convert_element_type3A_122 = arith.extui %lt3A_121 : i1 to i32
        %cond3A_123 = arith.constant 0 : i32
        %cond3A_124 = arith.cmpi ne, %convert_element_type3A_122, %cond3A_123 : i32
        scf.if %cond3A_124 {
          %gt3A_165 = arith.constant 0 : i32
          %gt3A_166 = arith.cmpi sgt, %while3A_116, %gt3A_165 : i32
          %convert_element_type3A_167 = arith.extui %gt3A_166 : i1 to i32
          %cond3A_168 = arith.constant 0 : i32
          %cond3A_169 = arith.cmpi ne, %convert_element_type3A_167, %cond3A_168 : i32
          scf.if %cond3A_169 {
            %dma_wait3A = arith.constant 0 : i32
            %dma_wait3A_219 = arith.constant 0 : i32
            %dma_wait3A_220 = arith.constant 0 : i32
            %dma_wait3A_221 = tpu.memref_slice %arg3[%dma_wait3A, %dma_wait3A_219, %dma_wait3A_220] : memref<721x32x4096xf32, #tpu.memory_space<hbm>> -> memref<1x8x4096xf32, #tpu.memory_space<hbm>>
            %dma_wait3A_222 = tpu.memref_squeeze %dma_wait3A_221 : memref<1x8x4096xf32, #tpu.memory_space<hbm>> -> memref<8x4096xf32, #tpu.memory_space<hbm>>
            %dma_wait3A_223 = arith.constant 0 : i32
            %dma_wait3A_224 = arith.constant 0 : i32
            %dma_wait3A_225 = tpu.memref_slice %arg3[%dma_wait3A, %dma_wait3A_223, %dma_wait3A_224] : memref<721x32x4096xf32, #tpu.memory_space<hbm>> -> memref<1x8x4096xf32, #tpu.memory_space<hbm>>
            %dma_wait3A_226 = tpu.memref_squeeze %dma_wait3A_225 : memref<1x8x4096xf32, #tpu.memory_space<hbm>> -> memref<8x4096xf32, #tpu.memory_space<hbm>>
            tpu.wait_dma2 semaphore(%arg10 : memref<!tpu.dma_semaphore, #tpu.memory_space<semaphore_mem>>) src(%arg4 : memref<8x4096xf32, #tpu.memory_space<vmem>>) dst(%dma_wait3A_226 : memref<8x4096xf32, #tpu.memory_space<hbm>>)
          } else {
          }
          %jit3A_170 = arith.constant 4 : i32
          %div3A_171 = arith.divsi %add3A_120, %jit3A_170 : i32
          %sign3A_172 = arith.constant 0 : i32
          %sign3A_173 = arith.cmpi sgt, %add3A_120, %sign3A_172 : i32
          %sign3A_174 = arith.extui %sign3A_173 : i1 to i32
          %sign3A_175 = arith.constant 0 : i32
          %sign3A_176 = arith.cmpi slt, %add3A_120, %sign3A_175 : i32
          %sign3A_177 = arith.extui %sign3A_176 : i1 to i32
          %sign3A_178 = arith.subi %sign3A_174, %sign3A_177 : i32
          %sign3A_179 = arith.constant 0 : i32
          %sign3A_180 = arith.cmpi sgt, %jit3A_170, %sign3A_179 : i32
          %sign3A_181 = arith.extui %sign3A_180 : i1 to i32
          %sign3A_182 = arith.constant 0 : i32
          %sign3A_183 = arith.cmpi slt, %jit3A_170, %sign3A_182 : i32
          %sign3A_184 = arith.extui %sign3A_183 : i1 to i32
          %sign3A_185 = arith.subi %sign3A_181, %sign3A_184 : i32
          %ne3A_186 = arith.cmpi ne, %sign3A_178, %sign3A_185 : i32
          %rem3A_187 = arith.remsi %add3A_120, %jit3A_170 : i32
          %ne3A_188 = arith.constant 0 : i32
          %ne3A_189 = arith.cmpi ne, %rem3A_187, %ne3A_188 : i32
          %and3A_190 = arith.andi %ne3A_186, %ne3A_189 : i1
          %sub3A_191 = arith.constant 1 : i32
          %sub3A_192 = arith.subi %div3A_171, %sub3A_191 : i32
          %select_n3A_193 = arith.select %and3A_190, %sub3A_192, %div3A_171 : i32
          %jit3A_194 = arith.constant 4 : i32
          %eq3A_195 = arith.constant 0 : i32
          %eq3A_196 = arith.cmpi eq, %jit3A_194, %eq3A_195 : i32
          %jit3A_197 = arith.constant 1 : i32
          %select_n3A_198 = arith.select %eq3A_196, %jit3A_197, %jit3A_194 : i32
          %rem3A_199 = arith.remsi %add3A_120, %select_n3A_198 : i32
          %ne3A_200 = arith.constant 0 : i32
          %ne3A_201 = arith.cmpi ne, %rem3A_199, %ne3A_200 : i32
          %lt3A_202 = arith.constant 0 : i32
          %lt3A_203 = arith.cmpi slt, %rem3A_199, %lt3A_202 : i32
          %lt3A_204 = arith.constant 0 : i32
          %lt3A_205 = arith.cmpi slt, %select_n3A_198, %lt3A_204 : i32
          %ne3A_206 = arith.xori %lt3A_203, %lt3A_205 : i1
          %and3A_207 = arith.andi %ne3A_206, %ne3A_201 : i1
          %add3A_208 = arith.addi %rem3A_199, %select_n3A_198 : i32
          %select_n3A_209 = arith.select %and3A_207, %add3A_208, %rem3A_199 : i32
          %mul3A_210 = arith.constant 8 : i32
          %mul3A_211 = arith.muli %select_n3A_209, %mul3A_210 : i32
          %multiple_of3A = tpu.assume_multiple %mul3A_211, 8 : i32
          %add3A_212 = arith.addi %add3A_60, %select_n3A_193 : i32
          %add3A_213 = arith.addi %add3A_61, %select_n3A_193 : i32
          %dma_start3A = arith.constant 0 : i32
          %dma_start3A_214 = tpu.memref_slice %arg2[%add3A_212, %multiple_of3A, %dma_start3A] : memref<961x32x4096xf32, #tpu.memory_space<hbm>> -> memref<1x8x4096xf32, #tpu.memory_space<hbm>>
          %dma_start3A_215 = tpu.memref_squeeze %dma_start3A_214 : memref<1x8x4096xf32, #tpu.memory_space<hbm>> -> memref<8x4096xf32, #tpu.memory_space<hbm>>
          %dma_start3A_216 = arith.constant 0 : i32
          %dma_start3A_217 = tpu.memref_slice %arg2[%add3A_212, %multiple_of3A, %dma_start3A_216] : memref<961x32x4096xf32, #tpu.memory_space<hbm>> -> memref<1x8x4096xf32, #tpu.memory_space<hbm>>
          %dma_start3A_218 = tpu.memref_squeeze %dma_start3A_217 : memref<1x8x4096xf32, #tpu.memory_space<hbm>> -> memref<8x4096xf32, #tpu.memory_space<hbm>>
          tpu.enqueue_dma source(%dma_start3A_218 : memref<8x4096xf32, #tpu.memory_space<hbm>>) target(%arg4 : memref<8x4096xf32, #tpu.memory_space<vmem>>) target_semaphore(%arg7 : memref<!tpu.dma_semaphore, #tpu.memory_space<semaphore_mem>>)
        } else {
        }
        %mul3A_125 = arith.constant 3 : i32
        %mul3A_126 = arith.muli %mul3A_125, %while3A_116 : i32
        %add3A_127 = arith.constant 1 : i32
        %add3A_128 = arith.addi %mul3A_126, %add3A_127 : i32
        %lt3A_129 = arith.cmpi slt, %add3A_128, %mul3A_64 : i32
        %convert_element_type3A_130 = arith.extui %lt3A_129 : i1 to i32
        %cond3A_131 = arith.constant 0 : i32
        %cond3A_132 = arith.cmpi ne, %convert_element_type3A_130, %cond3A_131 : i32
        scf.if %cond3A_132 {
          %gt3A_165 = arith.constant 0 : i32
          %gt3A_166 = arith.cmpi sgt, %while3A_116, %gt3A_165 : i32
          %convert_element_type3A_167 = arith.extui %gt3A_166 : i1 to i32
          %cond3A_168 = arith.constant 0 : i32
          %cond3A_169 = arith.cmpi ne, %convert_element_type3A_167, %cond3A_168 : i32
          scf.if %cond3A_169 {
            %dma_wait3A = arith.constant 0 : i32
            %dma_wait3A_219 = arith.constant 0 : i32
            %dma_wait3A_220 = arith.constant 0 : i32
            %dma_wait3A_221 = tpu.memref_slice %arg3[%dma_wait3A, %dma_wait3A_219, %dma_wait3A_220] : memref<721x32x4096xf32, #tpu.memory_space<hbm>> -> memref<1x8x4096xf32, #tpu.memory_space<hbm>>
            %dma_wait3A_222 = tpu.memref_squeeze %dma_wait3A_221 : memref<1x8x4096xf32, #tpu.memory_space<hbm>> -> memref<8x4096xf32, #tpu.memory_space<hbm>>
            %dma_wait3A_223 = arith.constant 0 : i32
            %dma_wait3A_224 = arith.constant 0 : i32
            %dma_wait3A_225 = tpu.memref_slice %arg3[%dma_wait3A, %dma_wait3A_223, %dma_wait3A_224] : memref<721x32x4096xf32, #tpu.memory_space<hbm>> -> memref<1x8x4096xf32, #tpu.memory_space<hbm>>
            %dma_wait3A_226 = tpu.memref_squeeze %dma_wait3A_225 : memref<1x8x4096xf32, #tpu.memory_space<hbm>> -> memref<8x4096xf32, #tpu.memory_space<hbm>>
            tpu.wait_dma2 semaphore(%arg11 : memref<!tpu.dma_semaphore, #tpu.memory_space<semaphore_mem>>) src(%arg5 : memref<8x4096xf32, #tpu.memory_space<vmem>>) dst(%dma_wait3A_226 : memref<8x4096xf32, #tpu.memory_space<hbm>>)
          } else {
          }
          %jit3A_170 = arith.constant 4 : i32
          %div3A_171 = arith.divsi %add3A_128, %jit3A_170 : i32
          %sign3A_172 = arith.constant 0 : i32
          %sign3A_173 = arith.cmpi sgt, %add3A_128, %sign3A_172 : i32
          %sign3A_174 = arith.extui %sign3A_173 : i1 to i32
          %sign3A_175 = arith.constant 0 : i32
          %sign3A_176 = arith.cmpi slt, %add3A_128, %sign3A_175 : i32
          %sign3A_177 = arith.extui %sign3A_176 : i1 to i32
          %sign3A_178 = arith.subi %sign3A_174, %sign3A_177 : i32
          %sign3A_179 = arith.constant 0 : i32
          %sign3A_180 = arith.cmpi sgt, %jit3A_170, %sign3A_179 : i32
          %sign3A_181 = arith.extui %sign3A_180 : i1 to i32
          %sign3A_182 = arith.constant 0 : i32
          %sign3A_183 = arith.cmpi slt, %jit3A_170, %sign3A_182 : i32
          %sign3A_184 = arith.extui %sign3A_183 : i1 to i32
          %sign3A_185 = arith.subi %sign3A_181, %sign3A_184 : i32
          %ne3A_186 = arith.cmpi ne, %sign3A_178, %sign3A_185 : i32
          %rem3A_187 = arith.remsi %add3A_128, %jit3A_170 : i32
          %ne3A_188 = arith.constant 0 : i32
          %ne3A_189 = arith.cmpi ne, %rem3A_187, %ne3A_188 : i32
          %and3A_190 = arith.andi %ne3A_186, %ne3A_189 : i1
          %sub3A_191 = arith.constant 1 : i32
          %sub3A_192 = arith.subi %div3A_171, %sub3A_191 : i32
          %select_n3A_193 = arith.select %and3A_190, %sub3A_192, %div3A_171 : i32
          %jit3A_194 = arith.constant 4 : i32
          %eq3A_195 = arith.constant 0 : i32
          %eq3A_196 = arith.cmpi eq, %jit3A_194, %eq3A_195 : i32
          %jit3A_197 = arith.constant 1 : i32
          %select_n3A_198 = arith.select %eq3A_196, %jit3A_197, %jit3A_194 : i32
          %rem3A_199 = arith.remsi %add3A_128, %select_n3A_198 : i32
          %ne3A_200 = arith.constant 0 : i32
          %ne3A_201 = arith.cmpi ne, %rem3A_199, %ne3A_200 : i32
          %lt3A_202 = arith.constant 0 : i32
          %lt3A_203 = arith.cmpi slt, %rem3A_199, %lt3A_202 : i32
          %lt3A_204 = arith.constant 0 : i32
          %lt3A_205 = arith.cmpi slt, %select_n3A_198, %lt3A_204 : i32
          %ne3A_206 = arith.xori %lt3A_203, %lt3A_205 : i1
          %and3A_207 = arith.andi %ne3A_206, %ne3A_201 : i1
          %add3A_208 = arith.addi %rem3A_199, %select_n3A_198 : i32
          %select_n3A_209 = arith.select %and3A_207, %add3A_208, %rem3A_199 : i32
          %mul3A_210 = arith.constant 8 : i32
          %mul3A_211 = arith.muli %select_n3A_209, %mul3A_210 : i32
          %multiple_of3A = tpu.assume_multiple %mul3A_211, 8 : i32
          %add3A_212 = arith.addi %add3A_60, %select_n3A_193 : i32
          %add3A_213 = arith.addi %add3A_61, %select_n3A_193 : i32
          %dma_start3A = arith.constant 0 : i32
          %dma_start3A_214 = tpu.memref_slice %arg2[%add3A_212, %multiple_of3A, %dma_start3A] : memref<961x32x4096xf32, #tpu.memory_space<hbm>> -> memref<1x8x4096xf32, #tpu.memory_space<hbm>>
          %dma_start3A_215 = tpu.memref_squeeze %dma_start3A_214 : memref<1x8x4096xf32, #tpu.memory_space<hbm>> -> memref<8x4096xf32, #tpu.memory_space<hbm>>
          %dma_start3A_216 = arith.constant 0 : i32
          %dma_start3A_217 = tpu.memref_slice %arg2[%add3A_212, %multiple_of3A, %dma_start3A_216] : memref<961x32x4096xf32, #tpu.memory_space<hbm>> -> memref<1x8x4096xf32, #tpu.memory_space<hbm>>
          %dma_start3A_218 = tpu.memref_squeeze %dma_start3A_217 : memref<1x8x4096xf32, #tpu.memory_space<hbm>> -> memref<8x4096xf32, #tpu.memory_space<hbm>>
          tpu.enqueue_dma source(%dma_start3A_218 : memref<8x4096xf32, #tpu.memory_space<hbm>>) target(%arg5 : memref<8x4096xf32, #tpu.memory_space<vmem>>) target_semaphore(%arg8 : memref<!tpu.dma_semaphore, #tpu.memory_space<semaphore_mem>>)
        } else {
        }
        %mul3A_133 = arith.constant 3 : i32
        %mul3A_134 = arith.muli %mul3A_133, %while3A_116 : i32
        %add3A_135 = arith.constant 2 : i32
        %add3A_136 = arith.addi %mul3A_134, %add3A_135 : i32
        %lt3A_137 = arith.cmpi slt, %add3A_136, %mul3A_64 : i32
        %convert_element_type3A_138 = arith.extui %lt3A_137 : i1 to i32
        %cond3A_139 = arith.constant 0 : i32
        %cond3A_140 = arith.cmpi ne, %convert_element_type3A_138, %cond3A_139 : i32
        scf.if %cond3A_140 {
          %gt3A_165 = arith.constant 0 : i32
          %gt3A_166 = arith.cmpi sgt, %while3A_116, %gt3A_165 : i32
          %convert_element_type3A_167 = arith.extui %gt3A_166 : i1 to i32
          %cond3A_168 = arith.constant 0 : i32
          %cond3A_169 = arith.cmpi ne, %convert_element_type3A_167, %cond3A_168 : i32
          scf.if %cond3A_169 {
            %dma_wait3A = arith.constant 0 : i32
            %dma_wait3A_219 = arith.constant 0 : i32
            %dma_wait3A_220 = arith.constant 0 : i32
            %dma_wait3A_221 = tpu.memref_slice %arg3[%dma_wait3A, %dma_wait3A_219, %dma_wait3A_220] : memref<721x32x4096xf32, #tpu.memory_space<hbm>> -> memref<1x8x4096xf32, #tpu.memory_space<hbm>>
            %dma_wait3A_222 = tpu.memref_squeeze %dma_wait3A_221 : memref<1x8x4096xf32, #tpu.memory_space<hbm>> -> memref<8x4096xf32, #tpu.memory_space<hbm>>
            %dma_wait3A_223 = arith.constant 0 : i32
            %dma_wait3A_224 = arith.constant 0 : i32
            %dma_wait3A_225 = tpu.memref_slice %arg3[%dma_wait3A, %dma_wait3A_223, %dma_wait3A_224] : memref<721x32x4096xf32, #tpu.memory_space<hbm>> -> memref<1x8x4096xf32, #tpu.memory_space<hbm>>
            %dma_wait3A_226 = tpu.memref_squeeze %dma_wait3A_225 : memref<1x8x4096xf32, #tpu.memory_space<hbm>> -> memref<8x4096xf32, #tpu.memory_space<hbm>>
            tpu.wait_dma2 semaphore(%arg12 : memref<!tpu.dma_semaphore, #tpu.memory_space<semaphore_mem>>) src(%arg6 : memref<8x4096xf32, #tpu.memory_space<vmem>>) dst(%dma_wait3A_226 : memref<8x4096xf32, #tpu.memory_space<hbm>>)
          } else {
          }
          %jit3A_170 = arith.constant 4 : i32
          %div3A_171 = arith.divsi %add3A_136, %jit3A_170 : i32
          %sign3A_172 = arith.constant 0 : i32
          %sign3A_173 = arith.cmpi sgt, %add3A_136, %sign3A_172 : i32
          %sign3A_174 = arith.extui %sign3A_173 : i1 to i32
          %sign3A_175 = arith.constant 0 : i32
          %sign3A_176 = arith.cmpi slt, %add3A_136, %sign3A_175 : i32
          %sign3A_177 = arith.extui %sign3A_176 : i1 to i32
          %sign3A_178 = arith.subi %sign3A_174, %sign3A_177 : i32
          %sign3A_179 = arith.constant 0 : i32
          %sign3A_180 = arith.cmpi sgt, %jit3A_170, %sign3A_179 : i32
          %sign3A_181 = arith.extui %sign3A_180 : i1 to i32
          %sign3A_182 = arith.constant 0 : i32
          %sign3A_183 = arith.cmpi slt, %jit3A_170, %sign3A_182 : i32
          %sign3A_184 = arith.extui %sign3A_183 : i1 to i32
          %sign3A_185 = arith.subi %sign3A_181, %sign3A_184 : i32
          %ne3A_186 = arith.cmpi ne, %sign3A_178, %sign3A_185 : i32
          %rem3A_187 = arith.remsi %add3A_136, %jit3A_170 : i32
          %ne3A_188 = arith.constant 0 : i32
          %ne3A_189 = arith.cmpi ne, %rem3A_187, %ne3A_188 : i32
          %and3A_190 = arith.andi %ne3A_186, %ne3A_189 : i1
          %sub3A_191 = arith.constant 1 : i32
          %sub3A_192 = arith.subi %div3A_171, %sub3A_191 : i32
          %select_n3A_193 = arith.select %and3A_190, %sub3A_192, %div3A_171 : i32
          %jit3A_194 = arith.constant 4 : i32
          %eq3A_195 = arith.constant 0 : i32
          %eq3A_196 = arith.cmpi eq, %jit3A_194, %eq3A_195 : i32
          %jit3A_197 = arith.constant 1 : i32
          %select_n3A_198 = arith.select %eq3A_196, %jit3A_197, %jit3A_194 : i32
          %rem3A_199 = arith.remsi %add3A_136, %select_n3A_198 : i32
          %ne3A_200 = arith.constant 0 : i32
          %ne3A_201 = arith.cmpi ne, %rem3A_199, %ne3A_200 : i32
          %lt3A_202 = arith.constant 0 : i32
          %lt3A_203 = arith.cmpi slt, %rem3A_199, %lt3A_202 : i32
          %lt3A_204 = arith.constant 0 : i32
          %lt3A_205 = arith.cmpi slt, %select_n3A_198, %lt3A_204 : i32
          %ne3A_206 = arith.xori %lt3A_203, %lt3A_205 : i1
          %and3A_207 = arith.andi %ne3A_206, %ne3A_201 : i1
          %add3A_208 = arith.addi %rem3A_199, %select_n3A_198 : i32
          %select_n3A_209 = arith.select %and3A_207, %add3A_208, %rem3A_199 : i32
          %mul3A_210 = arith.constant 8 : i32
          %mul3A_211 = arith.muli %select_n3A_209, %mul3A_210 : i32
          %multiple_of3A = tpu.assume_multiple %mul3A_211, 8 : i32
          %add3A_212 = arith.addi %add3A_60, %select_n3A_193 : i32
          %add3A_213 = arith.addi %add3A_61, %select_n3A_193 : i32
          %dma_start3A = arith.constant 0 : i32
          %dma_start3A_214 = tpu.memref_slice %arg2[%add3A_212, %multiple_of3A, %dma_start3A] : memref<961x32x4096xf32, #tpu.memory_space<hbm>> -> memref<1x8x4096xf32, #tpu.memory_space<hbm>>
          %dma_start3A_215 = tpu.memref_squeeze %dma_start3A_214 : memref<1x8x4096xf32, #tpu.memory_space<hbm>> -> memref<8x4096xf32, #tpu.memory_space<hbm>>
          %dma_start3A_216 = arith.constant 0 : i32
          %dma_start3A_217 = tpu.memref_slice %arg2[%add3A_212, %multiple_of3A, %dma_start3A_216] : memref<961x32x4096xf32, #tpu.memory_space<hbm>> -> memref<1x8x4096xf32, #tpu.memory_space<hbm>>
          %dma_start3A_218 = tpu.memref_squeeze %dma_start3A_217 : memref<1x8x4096xf32, #tpu.memory_space<hbm>> -> memref<8x4096xf32, #tpu.memory_space<hbm>>
          tpu.enqueue_dma source(%dma_start3A_218 : memref<8x4096xf32, #tpu.memory_space<hbm>>) target(%arg6 : memref<8x4096xf32, #tpu.memory_space<vmem>>) target_semaphore(%arg9 : memref<!tpu.dma_semaphore, #tpu.memory_space<semaphore_mem>>)
        } else {
        }
        %mul3A_141 = arith.constant 3 : i32
        %mul3A_142 = arith.muli %mul3A_141, %while3A_116 : i32
        %add3A_143 = arith.constant 0 : i32
        %add3A_144 = arith.addi %mul3A_142, %add3A_143 : i32
        %lt3A_145 = arith.cmpi slt, %add3A_144, %mul3A_64 : i32
        %convert_element_type3A_146 = arith.extui %lt3A_145 : i1 to i32
        %cond3A_147 = arith.constant 0 : i32
        %cond3A_148 = arith.cmpi ne, %convert_element_type3A_146, %cond3A_147 : i32
        scf.if %cond3A_148 {
          %dma_wait3A = arith.constant 0 : i32
          %dma_wait3A_165 = arith.constant 0 : i32
          %dma_wait3A_166 = arith.constant 0 : i32
          %dma_wait3A_167 = tpu.memref_slice %arg2[%dma_wait3A, %dma_wait3A_165, %dma_wait3A_166] : memref<961x32x4096xf32, #tpu.memory_space<hbm>> -> memref<1x8x4096xf32, #tpu.memory_space<hbm>>
          %dma_wait3A_168 = tpu.memref_squeeze %dma_wait3A_167 : memref<1x8x4096xf32, #tpu.memory_space<hbm>> -> memref<8x4096xf32, #tpu.memory_space<hbm>>
          %dma_wait3A_169 = arith.constant 0 : i32
          %dma_wait3A_170 = arith.constant 0 : i32
          %dma_wait3A_171 = tpu.memref_slice %arg2[%dma_wait3A, %dma_wait3A_169, %dma_wait3A_170] : memref<961x32x4096xf32, #tpu.memory_space<hbm>> -> memref<1x8x4096xf32, #tpu.memory_space<hbm>>
          %dma_wait3A_172 = tpu.memref_squeeze %dma_wait3A_171 : memref<1x8x4096xf32, #tpu.memory_space<hbm>> -> memref<8x4096xf32, #tpu.memory_space<hbm>>
          tpu.wait_dma2 semaphore(%arg7 : memref<!tpu.dma_semaphore, #tpu.memory_space<semaphore_mem>>) src(%dma_wait3A_172 : memref<8x4096xf32, #tpu.memory_space<hbm>>) dst(%arg4 : memref<8x4096xf32, #tpu.memory_space<vmem>>)
          %jit3A_173 = arith.constant 4 : i32
          %div3A_174 = arith.divsi %add3A_144, %jit3A_173 : i32
          %sign3A_175 = arith.constant 0 : i32
          %sign3A_176 = arith.cmpi sgt, %add3A_144, %sign3A_175 : i32
          %sign3A_177 = arith.extui %sign3A_176 : i1 to i32
          %sign3A_178 = arith.constant 0 : i32
          %sign3A_179 = arith.cmpi slt, %add3A_144, %sign3A_178 : i32
          %sign3A_180 = arith.extui %sign3A_179 : i1 to i32
          %sign3A_181 = arith.subi %sign3A_177, %sign3A_180 : i32
          %sign3A_182 = arith.constant 0 : i32
          %sign3A_183 = arith.cmpi sgt, %jit3A_173, %sign3A_182 : i32
          %sign3A_184 = arith.extui %sign3A_183 : i1 to i32
          %sign3A_185 = arith.constant 0 : i32
          %sign3A_186 = arith.cmpi slt, %jit3A_173, %sign3A_185 : i32
          %sign3A_187 = arith.extui %sign3A_186 : i1 to i32
          %sign3A_188 = arith.subi %sign3A_184, %sign3A_187 : i32
          %ne3A_189 = arith.cmpi ne, %sign3A_181, %sign3A_188 : i32
          %rem3A_190 = arith.remsi %add3A_144, %jit3A_173 : i32
          %ne3A_191 = arith.constant 0 : i32
          %ne3A_192 = arith.cmpi ne, %rem3A_190, %ne3A_191 : i32
          %and3A_193 = arith.andi %ne3A_189, %ne3A_192 : i1
          %sub3A_194 = arith.constant 1 : i32
          %sub3A_195 = arith.subi %div3A_174, %sub3A_194 : i32
          %select_n3A_196 = arith.select %and3A_193, %sub3A_195, %div3A_174 : i32
          %jit3A_197 = arith.constant 4 : i32
          %eq3A_198 = arith.constant 0 : i32
          %eq3A_199 = arith.cmpi eq, %jit3A_197, %eq3A_198 : i32
          %jit3A_200 = arith.constant 1 : i32
          %select_n3A_201 = arith.select %eq3A_199, %jit3A_200, %jit3A_197 : i32
          %rem3A_202 = arith.remsi %add3A_144, %select_n3A_201 : i32
          %ne3A_203 = arith.constant 0 : i32
          %ne3A_204 = arith.cmpi ne, %rem3A_202, %ne3A_203 : i32
          %lt3A_205 = arith.constant 0 : i32
          %lt3A_206 = arith.cmpi slt, %rem3A_202, %lt3A_205 : i32
          %lt3A_207 = arith.constant 0 : i32
          %lt3A_208 = arith.cmpi slt, %select_n3A_201, %lt3A_207 : i32
          %ne3A_209 = arith.xori %lt3A_206, %lt3A_208 : i1
          %and3A_210 = arith.andi %ne3A_209, %ne3A_204 : i1
          %add3A_211 = arith.addi %rem3A_202, %select_n3A_201 : i32
          %select_n3A_212 = arith.select %and3A_210, %add3A_211, %rem3A_202 : i32
          %mul3A_213 = arith.constant 8 : i32
          %mul3A_214 = arith.muli %select_n3A_212, %mul3A_213 : i32
          %multiple_of3A = tpu.assume_multiple %mul3A_214, 8 : i32
          %add3A_215 = arith.addi %add3A_60, %select_n3A_196 : i32
          %add3A_216 = arith.addi %add3A_61, %select_n3A_196 : i32
          %dma_start3A = arith.constant 0 : i32
          %dma_start3A_217 = tpu.memref_slice %arg3[%add3A_216, %multiple_of3A, %dma_start3A] : memref<721x32x4096xf32, #tpu.memory_space<hbm>> -> memref<1x8x4096xf32, #tpu.memory_space<hbm>>
          %dma_start3A_218 = tpu.memref_squeeze %dma_start3A_217 : memref<1x8x4096xf32, #tpu.memory_space<hbm>> -> memref<8x4096xf32, #tpu.memory_space<hbm>>
          %dma_start3A_219 = arith.constant 0 : i32
          %dma_start3A_220 = tpu.memref_slice %arg3[%add3A_216, %multiple_of3A, %dma_start3A_219] : memref<721x32x4096xf32, #tpu.memory_space<hbm>> -> memref<1x8x4096xf32, #tpu.memory_space<hbm>>
          %dma_start3A_221 = tpu.memref_squeeze %dma_start3A_220 : memref<1x8x4096xf32, #tpu.memory_space<hbm>> -> memref<8x4096xf32, #tpu.memory_space<hbm>>
          tpu.enqueue_dma source(%arg4 : memref<8x4096xf32, #tpu.memory_space<vmem>>) target(%dma_start3A_221 : memref<8x4096xf32, #tpu.memory_space<hbm>>) target_semaphore(%arg10 : memref<!tpu.dma_semaphore, #tpu.memory_space<semaphore_mem>>)
        } else {
        }
        %mul3A_149 = arith.constant 3 : i32
        %mul3A_150 = arith.muli %mul3A_149, %while3A_116 : i32
        %add3A_151 = arith.constant 1 : i32
        %add3A_152 = arith.addi %mul3A_150, %add3A_151 : i32
        %lt3A_153 = arith.cmpi slt, %add3A_152, %mul3A_64 : i32
        %convert_element_type3A_154 = arith.extui %lt3A_153 : i1 to i32
        %cond3A_155 = arith.constant 0 : i32
        %cond3A_156 = arith.cmpi ne, %convert_element_type3A_154, %cond3A_155 : i32
        scf.if %cond3A_156 {
          %dma_wait3A = arith.constant 0 : i32
          %dma_wait3A_165 = arith.constant 0 : i32
          %dma_wait3A_166 = arith.constant 0 : i32
          %dma_wait3A_167 = tpu.memref_slice %arg2[%dma_wait3A, %dma_wait3A_165, %dma_wait3A_166] : memref<961x32x4096xf32, #tpu.memory_space<hbm>> -> memref<1x8x4096xf32, #tpu.memory_space<hbm>>
          %dma_wait3A_168 = tpu.memref_squeeze %dma_wait3A_167 : memref<1x8x4096xf32, #tpu.memory_space<hbm>> -> memref<8x4096xf32, #tpu.memory_space<hbm>>
          %dma_wait3A_169 = arith.constant 0 : i32
          %dma_wait3A_170 = arith.constant 0 : i32
          %dma_wait3A_171 = tpu.memref_slice %arg2[%dma_wait3A, %dma_wait3A_169, %dma_wait3A_170] : memref<961x32x4096xf32, #tpu.memory_space<hbm>> -> memref<1x8x4096xf32, #tpu.memory_space<hbm>>
          %dma_wait3A_172 = tpu.memref_squeeze %dma_wait3A_171 : memref<1x8x4096xf32, #tpu.memory_space<hbm>> -> memref<8x4096xf32, #tpu.memory_space<hbm>>
          tpu.wait_dma2 semaphore(%arg8 : memref<!tpu.dma_semaphore, #tpu.memory_space<semaphore_mem>>) src(%dma_wait3A_172 : memref<8x4096xf32, #tpu.memory_space<hbm>>) dst(%arg5 : memref<8x4096xf32, #tpu.memory_space<vmem>>)
          %jit3A_173 = arith.constant 4 : i32
          %div3A_174 = arith.divsi %add3A_152, %jit3A_173 : i32
          %sign3A_175 = arith.constant 0 : i32
          %sign3A_176 = arith.cmpi sgt, %add3A_152, %sign3A_175 : i32
          %sign3A_177 = arith.extui %sign3A_176 : i1 to i32
          %sign3A_178 = arith.constant 0 : i32
          %sign3A_179 = arith.cmpi slt, %add3A_152, %sign3A_178 : i32
          %sign3A_180 = arith.extui %sign3A_179 : i1 to i32
          %sign3A_181 = arith.subi %sign3A_177, %sign3A_180 : i32
          %sign3A_182 = arith.constant 0 : i32
          %sign3A_183 = arith.cmpi sgt, %jit3A_173, %sign3A_182 : i32
          %sign3A_184 = arith.extui %sign3A_183 : i1 to i32
          %sign3A_185 = arith.constant 0 : i32
          %sign3A_186 = arith.cmpi slt, %jit3A_173, %sign3A_185 : i32
          %sign3A_187 = arith.extui %sign3A_186 : i1 to i32
          %sign3A_188 = arith.subi %sign3A_184, %sign3A_187 : i32
          %ne3A_189 = arith.cmpi ne, %sign3A_181, %sign3A_188 : i32
          %rem3A_190 = arith.remsi %add3A_152, %jit3A_173 : i32
          %ne3A_191 = arith.constant 0 : i32
          %ne3A_192 = arith.cmpi ne, %rem3A_190, %ne3A_191 : i32
          %and3A_193 = arith.andi %ne3A_189, %ne3A_192 : i1
          %sub3A_194 = arith.constant 1 : i32
          %sub3A_195 = arith.subi %div3A_174, %sub3A_194 : i32
          %select_n3A_196 = arith.select %and3A_193, %sub3A_195, %div3A_174 : i32
          %jit3A_197 = arith.constant 4 : i32
          %eq3A_198 = arith.constant 0 : i32
          %eq3A_199 = arith.cmpi eq, %jit3A_197, %eq3A_198 : i32
          %jit3A_200 = arith.constant 1 : i32
          %select_n3A_201 = arith.select %eq3A_199, %jit3A_200, %jit3A_197 : i32
          %rem3A_202 = arith.remsi %add3A_152, %select_n3A_201 : i32
          %ne3A_203 = arith.constant 0 : i32
          %ne3A_204 = arith.cmpi ne, %rem3A_202, %ne3A_203 : i32
          %lt3A_205 = arith.constant 0 : i32
          %lt3A_206 = arith.cmpi slt, %rem3A_202, %lt3A_205 : i32
          %lt3A_207 = arith.constant 0 : i32
          %lt3A_208 = arith.cmpi slt, %select_n3A_201, %lt3A_207 : i32
          %ne3A_209 = arith.xori %lt3A_206, %lt3A_208 : i1
          %and3A_210 = arith.andi %ne3A_209, %ne3A_204 : i1
          %add3A_211 = arith.addi %rem3A_202, %select_n3A_201 : i32
          %select_n3A_212 = arith.select %and3A_210, %add3A_211, %rem3A_202 : i32
          %mul3A_213 = arith.constant 8 : i32
          %mul3A_214 = arith.muli %select_n3A_212, %mul3A_213 : i32
          %multiple_of3A = tpu.assume_multiple %mul3A_214, 8 : i32
          %add3A_215 = arith.addi %add3A_60, %select_n3A_196 : i32
          %add3A_216 = arith.addi %add3A_61, %select_n3A_196 : i32
          %dma_start3A = arith.constant 0 : i32
          %dma_start3A_217 = tpu.memref_slice %arg3[%add3A_216, %multiple_of3A, %dma_start3A] : memref<721x32x4096xf32, #tpu.memory_space<hbm>> -> memref<1x8x4096xf32, #tpu.memory_space<hbm>>
          %dma_start3A_218 = tpu.memref_squeeze %dma_start3A_217 : memref<1x8x4096xf32, #tpu.memory_space<hbm>> -> memref<8x4096xf32, #tpu.memory_space<hbm>>
          %dma_start3A_219 = arith.constant 0 : i32
          %dma_start3A_220 = tpu.memref_slice %arg3[%add3A_216, %multiple_of3A, %dma_start3A_219] : memref<721x32x4096xf32, #tpu.memory_space<hbm>> -> memref<1x8x4096xf32, #tpu.memory_space<hbm>>
          %dma_start3A_221 = tpu.memref_squeeze %dma_start3A_220 : memref<1x8x4096xf32, #tpu.memory_space<hbm>> -> memref<8x4096xf32, #tpu.memory_space<hbm>>
          tpu.enqueue_dma source(%arg5 : memref<8x4096xf32, #tpu.memory_space<vmem>>) target(%dma_start3A_221 : memref<8x4096xf32, #tpu.memory_space<hbm>>) target_semaphore(%arg11 : memref<!tpu.dma_semaphore, #tpu.memory_space<semaphore_mem>>)
        } else {
        }
        %mul3A_157 = arith.constant 3 : i32
        %mul3A_158 = arith.muli %mul3A_157, %while3A_116 : i32
        %add3A_159 = arith.constant 2 : i32
        %add3A_160 = arith.addi %mul3A_158, %add3A_159 : i32
        %lt3A_161 = arith.cmpi slt, %add3A_160, %mul3A_64 : i32
        %convert_element_type3A_162 = arith.extui %lt3A_161 : i1 to i32
        %cond3A_163 = arith.constant 0 : i32
        %cond3A_164 = arith.cmpi ne, %convert_element_type3A_162, %cond3A_163 : i32
        scf.if %cond3A_164 {
          %dma_wait3A = arith.constant 0 : i32
          %dma_wait3A_165 = arith.constant 0 : i32
          %dma_wait3A_166 = arith.constant 0 : i32
          %dma_wait3A_167 = tpu.memref_slice %arg2[%dma_wait3A, %dma_wait3A_165, %dma_wait3A_166] : memref<961x32x4096xf32, #tpu.memory_space<hbm>> -> memref<1x8x4096xf32, #tpu.memory_space<hbm>>
          %dma_wait3A_168 = tpu.memref_squeeze %dma_wait3A_167 : memref<1x8x4096xf32, #tpu.memory_space<hbm>> -> memref<8x4096xf32, #tpu.memory_space<hbm>>
          %dma_wait3A_169 = arith.constant 0 : i32
          %dma_wait3A_170 = arith.constant 0 : i32
          %dma_wait3A_171 = tpu.memref_slice %arg2[%dma_wait3A, %dma_wait3A_169, %dma_wait3A_170] : memref<961x32x4096xf32, #tpu.memory_space<hbm>> -> memref<1x8x4096xf32, #tpu.memory_space<hbm>>
          %dma_wait3A_172 = tpu.memref_squeeze %dma_wait3A_171 : memref<1x8x4096xf32, #tpu.memory_space<hbm>> -> memref<8x4096xf32, #tpu.memory_space<hbm>>
          tpu.wait_dma2 semaphore(%arg9 : memref<!tpu.dma_semaphore, #tpu.memory_space<semaphore_mem>>) src(%dma_wait3A_172 : memref<8x4096xf32, #tpu.memory_space<hbm>>) dst(%arg6 : memref<8x4096xf32, #tpu.memory_space<vmem>>)
          %jit3A_173 = arith.constant 4 : i32
          %div3A_174 = arith.divsi %add3A_160, %jit3A_173 : i32
          %sign3A_175 = arith.constant 0 : i32
          %sign3A_176 = arith.cmpi sgt, %add3A_160, %sign3A_175 : i32
          %sign3A_177 = arith.extui %sign3A_176 : i1 to i32
          %sign3A_178 = arith.constant 0 : i32
          %sign3A_179 = arith.cmpi slt, %add3A_160, %sign3A_178 : i32
          %sign3A_180 = arith.extui %sign3A_179 : i1 to i32
          %sign3A_181 = arith.subi %sign3A_177, %sign3A_180 : i32
          %sign3A_182 = arith.constant 0 : i32
          %sign3A_183 = arith.cmpi sgt, %jit3A_173, %sign3A_182 : i32
          %sign3A_184 = arith.extui %sign3A_183 : i1 to i32
          %sign3A_185 = arith.constant 0 : i32
          %sign3A_186 = arith.cmpi slt, %jit3A_173, %sign3A_185 : i32
          %sign3A_187 = arith.extui %sign3A_186 : i1 to i32
          %sign3A_188 = arith.subi %sign3A_184, %sign3A_187 : i32
          %ne3A_189 = arith.cmpi ne, %sign3A_181, %sign3A_188 : i32
          %rem3A_190 = arith.remsi %add3A_160, %jit3A_173 : i32
          %ne3A_191 = arith.constant 0 : i32
          %ne3A_192 = arith.cmpi ne, %rem3A_190, %ne3A_191 : i32
          %and3A_193 = arith.andi %ne3A_189, %ne3A_192 : i1
          %sub3A_194 = arith.constant 1 : i32
          %sub3A_195 = arith.subi %div3A_174, %sub3A_194 : i32
          %select_n3A_196 = arith.select %and3A_193, %sub3A_195, %div3A_174 : i32
          %jit3A_197 = arith.constant 4 : i32
          %eq3A_198 = arith.constant 0 : i32
          %eq3A_199 = arith.cmpi eq, %jit3A_197, %eq3A_198 : i32
          %jit3A_200 = arith.constant 1 : i32
          %select_n3A_201 = arith.select %eq3A_199, %jit3A_200, %jit3A_197 : i32
          %rem3A_202 = arith.remsi %add3A_160, %select_n3A_201 : i32
          %ne3A_203 = arith.constant 0 : i32
          %ne3A_204 = arith.cmpi ne, %rem3A_202, %ne3A_203 : i32
          %lt3A_205 = arith.constant 0 : i32
          %lt3A_206 = arith.cmpi slt, %rem3A_202, %lt3A_205 : i32
          %lt3A_207 = arith.constant 0 : i32
          %lt3A_208 = arith.cmpi slt, %select_n3A_201, %lt3A_207 : i32
          %ne3A_209 = arith.xori %lt3A_206, %lt3A_208 : i1
          %and3A_210 = arith.andi %ne3A_209, %ne3A_204 : i1
          %add3A_211 = arith.addi %rem3A_202, %select_n3A_201 : i32
          %select_n3A_212 = arith.select %and3A_210, %add3A_211, %rem3A_202 : i32
          %mul3A_213 = arith.constant 8 : i32
          %mul3A_214 = arith.muli %select_n3A_212, %mul3A_213 : i32
          %multiple_of3A = tpu.assume_multiple %mul3A_214, 8 : i32
          %add3A_215 = arith.addi %add3A_60, %select_n3A_196 : i32
          %add3A_216 = arith.addi %add3A_61, %select_n3A_196 : i32
          %dma_start3A = arith.constant 0 : i32
          %dma_start3A_217 = tpu.memref_slice %arg3[%add3A_216, %multiple_of3A, %dma_start3A] : memref<721x32x4096xf32, #tpu.memory_space<hbm>> -> memref<1x8x4096xf32, #tpu.memory_space<hbm>>
          %dma_start3A_218 = tpu.memref_squeeze %dma_start3A_217 : memref<1x8x4096xf32, #tpu.memory_space<hbm>> -> memref<8x4096xf32, #tpu.memory_space<hbm>>
          %dma_start3A_219 = arith.constant 0 : i32
          %dma_start3A_220 = tpu.memref_slice %arg3[%add3A_216, %multiple_of3A, %dma_start3A_219] : memref<721x32x4096xf32, #tpu.memory_space<hbm>> -> memref<1x8x4096xf32, #tpu.memory_space<hbm>>
          %dma_start3A_221 = tpu.memref_squeeze %dma_start3A_220 : memref<1x8x4096xf32, #tpu.memory_space<hbm>> -> memref<8x4096xf32, #tpu.memory_space<hbm>>
          tpu.enqueue_dma source(%arg6 : memref<8x4096xf32, #tpu.memory_space<vmem>>) target(%dma_start3A_221 : memref<8x4096xf32, #tpu.memory_space<hbm>>) target_semaphore(%arg12 : memref<!tpu.dma_semaphore, #tpu.memory_space<semaphore_mem>>)
        } else {
        }
      }
      %gt3A = arith.constant 0 : i32
      %gt3A_102 = arith.cmpi sgt, %mul3A_64, %gt3A : i32
      %convert_element_type3A_103 = arith.extui %gt3A_102 : i1 to i32
      %cond3A_104 = arith.constant 0 : i32
      %cond3A_105 = arith.cmpi ne, %convert_element_type3A_103, %cond3A_104 : i32
      scf.if %cond3A_105 {
        %dma_wait3A = arith.constant 0 : i32
        %dma_wait3A_116 = arith.constant 0 : i32
        %dma_wait3A_117 = arith.constant 0 : i32
        %dma_wait3A_118 = tpu.memref_slice %arg3[%dma_wait3A, %dma_wait3A_116, %dma_wait3A_117] : memref<721x32x4096xf32, #tpu.memory_space<hbm>> -> memref<1x8x4096xf32, #tpu.memory_space<hbm>>
        %dma_wait3A_119 = tpu.memref_squeeze %dma_wait3A_118 : memref<1x8x4096xf32, #tpu.memory_space<hbm>> -> memref<8x4096xf32, #tpu.memory_space<hbm>>
        %dma_wait3A_120 = arith.constant 0 : i32
        %dma_wait3A_121 = arith.constant 0 : i32
        %dma_wait3A_122 = tpu.memref_slice %arg3[%dma_wait3A, %dma_wait3A_120, %dma_wait3A_121] : memref<721x32x4096xf32, #tpu.memory_space<hbm>> -> memref<1x8x4096xf32, #tpu.memory_space<hbm>>
        %dma_wait3A_123 = tpu.memref_squeeze %dma_wait3A_122 : memref<1x8x4096xf32, #tpu.memory_space<hbm>> -> memref<8x4096xf32, #tpu.memory_space<hbm>>
        tpu.wait_dma2 semaphore(%arg10 : memref<!tpu.dma_semaphore, #tpu.memory_space<semaphore_mem>>) src(%arg4 : memref<8x4096xf32, #tpu.memory_space<vmem>>) dst(%dma_wait3A_123 : memref<8x4096xf32, #tpu.memory_space<hbm>>)
      } else {
      }
      %gt3A_106 = arith.constant 1 : i32
      %gt3A_107 = arith.cmpi sgt, %mul3A_64, %gt3A_106 : i32
      %convert_element_type3A_108 = arith.extui %gt3A_107 : i1 to i32
      %cond3A_109 = arith.constant 0 : i32
      %cond3A_110 = arith.cmpi ne, %convert_element_type3A_108, %cond3A_109 : i32
      scf.if %cond3A_110 {
        %dma_wait3A = arith.constant 0 : i32
        %dma_wait3A_116 = arith.constant 0 : i32
        %dma_wait3A_117 = arith.constant 0 : i32
        %dma_wait3A_118 = tpu.memref_slice %arg3[%dma_wait3A, %dma_wait3A_116, %dma_wait3A_117] : memref<721x32x4096xf32, #tpu.memory_space<hbm>> -> memref<1x8x4096xf32, #tpu.memory_space<hbm>>
        %dma_wait3A_119 = tpu.memref_squeeze %dma_wait3A_118 : memref<1x8x4096xf32, #tpu.memory_space<hbm>> -> memref<8x4096xf32, #tpu.memory_space<hbm>>
        %dma_wait3A_120 = arith.constant 0 : i32
        %dma_wait3A_121 = arith.constant 0 : i32
        %dma_wait3A_122 = tpu.memref_slice %arg3[%dma_wait3A, %dma_wait3A_120, %dma_wait3A_121] : memref<721x32x4096xf32, #tpu.memory_space<hbm>> -> memref<1x8x4096xf32, #tpu.memory_space<hbm>>
        %dma_wait3A_123 = tpu.memref_squeeze %dma_wait3A_122 : memref<1x8x4096xf32, #tpu.memory_space<hbm>> -> memref<8x4096xf32, #tpu.memory_space<hbm>>
        tpu.wait_dma2 semaphore(%arg11 : memref<!tpu.dma_semaphore, #tpu.memory_space<semaphore_mem>>) src(%arg5 : memref<8x4096xf32, #tpu.memory_space<vmem>>) dst(%dma_wait3A_123 : memref<8x4096xf32, #tpu.memory_space<hbm>>)
      } else {
      }
      %gt3A_111 = arith.constant 2 : i32
      %gt3A_112 = arith.cmpi sgt, %mul3A_64, %gt3A_111 : i32
      %convert_element_type3A_113 = arith.extui %gt3A_112 : i1 to i32
      %cond3A_114 = arith.constant 0 : i32
      %cond3A_115 = arith.cmpi ne, %convert_element_type3A_113, %cond3A_114 : i32
      scf.if %cond3A_115 {
        %dma_wait3A = arith.constant 0 : i32
        %dma_wait3A_116 = arith.constant 0 : i32
        %dma_wait3A_117 = arith.constant 0 : i32
        %dma_wait3A_118 = tpu.memref_slice %arg3[%dma_wait3A, %dma_wait3A_116, %dma_wait3A_117] : memref<721x32x4096xf32, #tpu.memory_space<hbm>> -> memref<1x8x4096xf32, #tpu.memory_space<hbm>>
        %dma_wait3A_119 = tpu.memref_squeeze %dma_wait3A_118 : memref<1x8x4096xf32, #tpu.memory_space<hbm>> -> memref<8x4096xf32, #tpu.memory_space<hbm>>
        %dma_wait3A_120 = arith.constant 0 : i32
        %dma_wait3A_121 = arith.constant 0 : i32
        %dma_wait3A_122 = tpu.memref_slice %arg3[%dma_wait3A, %dma_wait3A_120, %dma_wait3A_121] : memref<721x32x4096xf32, #tpu.memory_space<hbm>> -> memref<1x8x4096xf32, #tpu.memory_space<hbm>>
        %dma_wait3A_123 = tpu.memref_squeeze %dma_wait3A_122 : memref<1x8x4096xf32, #tpu.memory_space<hbm>> -> memref<8x4096xf32, #tpu.memory_space<hbm>>
        tpu.wait_dma2 semaphore(%arg12 : memref<!tpu.dma_semaphore, #tpu.memory_space<semaphore_mem>>) src(%arg6 : memref<8x4096xf32, #tpu.memory_space<vmem>>) dst(%dma_wait3A_123 : memref<8x4096xf32, #tpu.memory_space<hbm>>)
      } else {
      }
    } else {
    }
    return
  }
}

</mosaic_0001>

<sc_bundles>
// kernel: kernel.3.cloned.1.call-start
scs
__scs_entry_jumppad:
0x0: {  	(pc) =	sbr.rel $0x88, $3  }
0x1: {  	(tag) =	ssettag $0x0;
	lr =	simm.s32 $0x1  }
0x2: {  	[smem:$0x3FA0] =	sst lr;
	_ =	strace $0xD0000000  }
0x3: {  	_ = 	snop  }
0x4: {  	_ = 	snop  }
0x5: {  	_ = 	snop  }
0x6: {  	_ = 	snop  }
0x7: {  	_ = 	snop  }
__scs_overlays_trampoline_lowered:
0x8: {  	[smem:$0x3FAF] =	sst s0  }
0x9: {  	[smem:$0x3FB0] =	sst s1  }
0xa: {  	[smem:$0x3FB1] =	sst s2  }
0xb: {  	[smem:$0x3FB2] =	sst s3  }
0xc: {  	[smem:$0x3FB3] =	sst s4  }
0xd: {  	[smem:$0x3FB4] =	sst s5  }
0xe: {  	[smem:$0x3FB5] =	sst s6  }
0xf: {  	[smem:$0x3FB6] =	sst s7  }
0x10: {  	[smem:$0x3FB7] =	sst s8  }
0x11: {  	[smem:$0x3FB8] =	sst s9;
	s0 =	simm.s32 @!p0 $0x0  }
0x12: {  	s1 =	sld [smem:$0x3F9E];
	s0 =	simm.s32 @p0 $0x1  }
0x13: {  	[smem:$0x3FB9] =	sst s0;
	s0 =	simm.s32 @!p1 $0x0  }
0x14: {  	s2 =	sld [smem:$0x3F9D];
	s0 =	simm.s32 @p1 $0x1  }
0x15: {  	[smem:$0x3FBA] =	sst s0;
	s0 =	simm.s32 @!p2 $0x0  }
0x16: {  	s3 =	sld [smem:$0x3FDB];
	s0 =	simm.s32 @p2 $0x1  }
0x17: {  	s4 =	simm.s32 $0x1BF5;
	[smem:$0x3FBC] =	sst s0  }
0x18: {  	s0 =	sld [smem:$0x3F9F];
	_ =	swait.ge [sflag:s4], $0x0  }
0x19: {  	s7 =	sld [smem:$0x3FA0]  }
0x1a: {  	s8 =	sadd.s32 $0xFFFFE003, lr  }
0x1b: {  	s9 =	sadd.s32 $0xFFFFFEF7, lr;
	s5 =	simm.s32 $0xFFFFFFFF;
	p2 =	slt.u32 s8, $0xFFFFF086  }
0x1c: {  	p1 =	slt.u32 s9, $0xF7A;
	s5 =	simm.s32 @!p2 $0x0  }
0x1d: {  	s5 =	simm.s32 @p1 $0x1;
	p0 =	seq.s32 s7, s2  }
0x1e: {  	s7 =	smul.u32 @!p0 $0xF7A, s2;
	p2 =	seq.s32 @!p0 s5, $0x0  }
0x1f: {  	s9 =	smul.u32 $0xF7A, s1;
	s8 =	simm.s32 @!p0 $0x1BF5;
	p2 =	por !p2, p0  }
0x20: {  	[sflag:s8] =	ssyncset.s32 @!p0 $0xFFFFF086;
	s6 =	sadd.s32 @!p0 s3, s7;
	s7 =	simm.s32 @!p0 $0x108  }
0x21: {  	s3 =	sadd.s32 s3, s9;
	s6 =	sadd.s32 @!p0 $0x88, s6;
	s7 =	simm.s32 @p2 $0x1082  }
0x22: {  	[simem:s7], [sflag:s8] =	dma.local @!p0 [hbm:s6], $0xF7A  }
0x23: {  	s9 =	sor.u32 $0xD0000000, s2;
	s6 =	simm.s32 $0x108;
	_ =	swait.ge @!p0 [sflag:s8], $0x0  }
0x24: {  	s3 =	sadd.s32 $0x88, s3;
	s6 =	simm.s32 @!p1 $0x1082;
	[sflag:s4] =	ssyncset.s32 $0xFFFFF086  }
0x25: {  	[simem:s6], [sflag:s4] =	dma.local [hbm:s3], $0xF7A  }
0x26: {  	[smem:$0x3FA0] =	sst s1;
	(tag) =	ssettag s2;
	_ =	strace s9  }
0x27: {  	s1 =	sld [smem:$0x3FB0]  }
0x28: {  	s2 =	sld [smem:$0x3FB1]  }
0x29: {  	s4 =	sld [smem:$0x3FB3]  }
0x2a: {  	p0 =	seq.s32 s5, $0x0;
	s5 =	sld [smem:$0x3FB4]  }
0x2b: {  	s6 =	sld [smem:$0x3FB5]  }
0x2c: {  	s7 =	sld [smem:$0x3FB6]  }
0x2d: {  	s3 =	simm.s32 $0x108;
	s8 =	sld [smem:$0x3FB7]  }
0x2e: {  	s3 =	simm.s32 @!p0 $0x1082;
	s9 =	sld [smem:$0x3FB8]  }
0x2f: {  	lr =	sadd.s32 s0, s3;
	s0 =	sld [smem:$0x3FAF]  }
0x30: {  	s3 =	sld [smem:$0x3FB2]  }
0x31: {  	[smem:$0x3FBB] =	sst s10  }
0x32: {  	s10 =	sld [smem:$0x3FB9];
	_ =	sdelay $0x3  }
0x33: {  	p0 =	seq.s32 s10, $0x1;
	s10 =	sld [smem:$0x3FBB];
	_ =	sdelay $0x3  }
0x34: {  	[smem:$0x3FBB] =	sst s10  }
0x35: {  	s10 =	sld [smem:$0x3FBA];
	_ =	sdelay $0x3  }
0x36: {  	p1 =	seq.s32 s10, $0x1;
	s10 =	sld [smem:$0x3FBB];
	_ =	sdelay $0x3  }
0x37: {  	[smem:$0x3FBB] =	sst s10  }
0x38: {  	s10 =	sld [smem:$0x3FBC]  }
0x39: {  	_ = 	snop;
	(pc) =	sbr.ind lr, $3  }
0x3a: {  	_ = 	snop  }
0x3b: {  	_ = 	snop  }
0x3c: {  	p2 =	seq.s32 s10, $0x1;
	s10 =	sld [smem:$0x3FBB]  }
0x3d: {  	_ =	shalt  }
0x3e: {  	_ =	shalt  }
0x3f: {  	_ =	shalt  }
0x40: {  	_ =	shalt  }
0x41: {  	_ =	shalt  }
0x42: {  	_ =	shalt  }
0x43: {  	_ =	shalt  }
0x44: {  	_ =	shalt  }
0x45: {  	_ =	shalt  }
0x46: {  	_ =	shalt  }
0x47: {  	_ =	shalt  }
0x48: {  	_ =	shalt  }
0x49: {  	_ =	shalt  }
0x4a: {  	_ =	shalt  }
0x4b: {  	_ =	shalt  }
0x4c: {  	_ =	shalt  }
0x4d: {  	_ =	shalt  }
0x4e: {  	_ =	shalt  }
0x4f: {  	_ =	shalt  }
0x50: {  	_ =	shalt  }
0x51: {  	_ =	shalt  }
0x52: {  	_ =	shalt  }
0x53: {  	_ =	shalt  }
0x54: {  	_ =	shalt  }
0x55: {  	_ =	shalt  }
0x56: {  	_ =	shalt  }
0x57: {  	_ =	shalt  }
0x58: {  	_ =	shalt  }
0x59: {  	_ =	shalt  }
0x5a: {  	_ =	shalt  }
0x5b: {  	_ =	shalt  }
0x5c: {  	_ =	shalt  }
0x5d: {  	_ =	shalt  }
0x5e: {  	_ =	shalt  }
0x5f: {  	_ =	shalt  }
0x60: {  	_ =	shalt  }
0x61: {  	_ =	shalt  }
0x62: {  	_ =	shalt  }
0x63: {  	_ =	shalt  }
0x64: {  	_ =	shalt  }
0x65: {  	_ =	shalt  }
0x66: {  	_ =	shalt  }
0x67: {  	_ =	shalt  }
0x68: {  	_ =	shalt  }
0x69: {  	_ =	shalt  }
0x6a: {  	_ =	shalt  }
0x6b: {  	_ =	shalt  }
0x6c: {  	_ =	shalt  }
0x6d: {  	_ =	shalt  }
0x6e: {  	_ =	shalt  }
0x6f: {  	_ =	shalt  }
0x70: {  	_ =	shalt  }
0x71: {  	_ =	shalt  }
0x72: {  	_ =	shalt  }
0x73: {  	_ =	shalt  }
0x74: {  	_ =	shalt  }
0x75: {  	_ =	shalt  }
0x76: {  	_ =	shalt  }
0x77: {  	_ =	shalt  }
0x78: {  	_ =	shalt  }
0x79: {  	_ =	shalt  }
0x7a: {  	_ =	shalt  }
0x7b: {  	_ =	shalt  }
0x7c: {  	_ =	shalt  }
0x7d: {  	_ =	shalt  }
0x7e: {  	_ =	shalt  }
0x7f: {  	_ =	shalt  }
0x80: {  	_ =	shalt  }
0x81: {  	_ =	shalt  }
0x82: {  	_ =	shalt  }
0x83: {  	_ =	shalt  }
0x84: {  	_ =	shalt  }
0x85: {  	_ =	shalt  }
0x86: {  	_ =	shalt  }
0x87: {  	_ =	shalt  }
.Lfunc_end0:
.L_simem_size_0:
called_computation_lowered:
.L_overlay_start_0:
0x88: {  	s2 =	sld [smem:$0x3FD9]  }
0x89: {  	s3 =	sld [smem:$0x3FFE];
	_ =	sdelay $0x1  }
0x8a: {  	s1 =	srdreg.scid  }
0x8b: {  	s0 =	sand.u32 $0x1, s1  }
0x8c: {  	s18 =	sshll.u32 s0, $0xA;
	s2 =	sadd.s32 s3, s2  }
0x8d: {  	s2 =	sadd.s32 s2, s18  }
0x8e: {  	[smem:$0x3FC7] =	sst s2  }
0x8f: {  	_ = 	snop  }
0x90: {  	s2 =	sld [smem:$0x3FC9]  }
0x91: {  	s19 =	sld [smem:$0x3FD0];
	(tm) =	ssettm $0x1  }
0x92: {  	s4 =	sld [smem:$0x3FFB];
	_ =	sdelay $0x3  }
0x93: {  	_ =	strace s4  }
0x94: {  	s4 =	sld [smem:$0x3FFC];
	_ =	sdelay $0x3  }
0x95: {  	_ =	strace s4  }
0x96: {  	s4 =	sld [smem:$0x3FFD];
	_ =	sdelay $0x3  }
0x97: {  	_ =	strace s4  }
0x98: {  	_ =	strace $0x8FFFFFFF  }
0x99: {  	s20 =	sld [smem:$0x3FDB];
	_ =	sdelay $0x1  }
0x9a: {  	s5 =	simm.s32 $_scs_section_size  }
0x9b: {  	s6 =	simm.s32 $_size__tile_overlayer_lowered;
	s7 =	simm.s32 $_tile_overlayer_lowered  }
0x9c: {  	s23 =	simm.s32 $0x1BFF;
	s22 =	sshll.u32 s7, $0x1;
	s4 =	sadd.s32 s5, s20  }
0x9d: {  	s8 =	simm.s32 $0x0;
	s21 =	sshll.u32 s6, $0x1;
	s6 =	sadd.s32 s22, s4  }
0x9e: {  	[timem:s8], [sflag:s23] =	dma.local [hbm:s6], s21  }
0x9f: {  	_ =	swait.ge [sflag:s23], s21  }
0xa0: {  	s5 =	ssub.s32 $0x0, s21;
	[sflag:s23] =	ssyncset.done $0x0  }
0xa1: {  	[sflag:s23] =	ssyncadd.s32 s5;
	_ =	sdelay $0x1  }
0xa2: {  	s24 =	simm.s32 $0x1B8B  }
0xa3: {  	_ =	swait.ge [sflag:s24], $0x1  }
0xa4: {  	[sflag:s24] =	ssyncset.done $0x0  }
0xa5: {  	s25 =	simm.s32 $0x1B8E;
	[sflag:s24] =	ssyncadd.s32 $0xFFFFFFFF  }
0xa6: {  	s26 =	simm.s32 $execute0_lowered;
	[smem:$0x3FD2] =	sst s25  }
0xa7: {  	s5 =	sshll.u32 s26, $0x1;
	_ =	strace $0x80000046;
	[dreg:$0x1] =	wrdreg $0xFFFFFFFF  }
0xa8: {  	s28 =	simm.s32 $_size_execute0_lowered;
	s4 =	sadd.s32 s4, s5;
	[dreg:$0x0] =	wrdreg $0x0  }
0xa9: {  	s5 =	sshll.u32 s28, $0x1;
	[dreg:$0x2] =	wrdreg s4  }
0xaa: {  	[dreg:$0x3] =	wrdreg s5  }
0xab: {  	[dreg:$0x4] =	wrdreg $0xC0  }
0xac: {  	_ =	task [dreg:s8], $0x5FFFF  }
0xad: {  	[dreg:$0x1] =	wrdreg $0xFFFFFFFF  }
0xae: {  	[dreg:$0x0] =	wrdreg $0x60  }
0xaf: {  	[dreg:$0x2] =	wrdreg s2  }
0xb0: {  	[dreg:$0x3] =	wrdreg s19  }
0xb1: {  	[dreg:$0x4] =	wrdreg $0x9  }
0xb2: {  	_ =	task.clear_ibuf [dreg:s8], $0x5FFFF;
	_ =	strace $0x90000046  }
0xb3: {  	s29 =	simm.s32 $0x9;
	_ =	strace $0x80000048  }
0xb4: {  	_ =	swait.ge [sflag:s29], $0x1  }
0xb5: {  	[sflag:s29] =	ssyncadd.s32 $0xFFFFFFFF  }
0xb6: {  	_ =	strace $0x90000048  }
0xb7: {  	_ =	sfence  }
0xb8: {  	s30 =	sld [smem:$0x0];
	_ =	sdelay $0x2  }
0xb9: {  	s31 =	sshll.u32 s1, $0xD;
	s1 =	sshrl.u32 s1, $0x2  }
0xba: {  	s3 =	sand.u32 $0x4000, s31;
	s1 =	sadd.s32 s1, s30  }
0xbb: {  	s0 =	sor.u32 s3, s0;
	s1 =	sshll.u32 s1, $0x11  }
0xbc: {  	s0 =	sor.u32 s1, s0  }
0xbd: {  	s0 =	sadd.s32 $0x8F2B, s0  }
0xbe: {  	[sflag:s0] =	ssyncadd.remote.s32 $0x1  }
0xbf: {  	_ =	sfence.sel $0xFFFF  }
0xc0: {  	[dreg:$0x0] =	wrdreg $0xFFFFFFFF;
	(pc) =	sbr.abs _section_cstart, $3  }
0xc1: {  	[dreg:$0x1] =	wrdreg $0xFFFFFFFF  }
0xc2: {  	_ =	task.clear_ibuf [dreg:s8], $0x2FFFF;
	_ =	strace $0x9FFFFFFF  }
0xc3: {  	(tm) =	ssettm $0x7FFFFFFF  }
tec
execute0_lowered:
.L_overlay_start_1:
0x0: {  	(tag) =	ssettag $0x1  }
0x1: {  	s2 =	rddreg [dreg:$0x0]  }
0x2: {  	s3 =	rddreg [dreg:$0x1]  }
0x3: {  	s5 =	srdreg.scid;
	s0 =	stileid.u32;
	s4 =	simm.s32 $0x0  }
0x4: {  	s5 =	sand.u32 $0x1, s5;
	s6 =	sshll.u32 s0, $0x1;
	[smem:$0x7FF] =	sst s4  }
0x5: {  	s12 =	simm.s32 $0x1;
	s16 =	sor.u32 s5, s6;
	_ =	strace $0x80000047  }
0x6: {  	s5 =	ssub.s32 $0x2, s5;
	s6 =	ssub.s32 $0xF, s16;
	s7 =	sadd.s32 $0xFFFFFFF1, s16  }
0x7: {  	s8 =	smul.u32 $0x1F, s16;
	s9 =	sadd.s32 $0xFFFFFFFF, s16;
	s10 =	sshrl.u32 s5, $0x1  }
0x8: {  	s21 =	sadd.s32 $0xF, s16;
	s11 =	sshll.u32 s16, $0x4;
	s25 =	ssub.s32 $0x2E, s16  }
0x9: {  	s13 =	ssub.s32 $0x2F, s16;
	p0 =	sgt.s32 s6, $0x0;
	s9 =	smul.u32 s16, s9  }
0xa: {  	s7 =	smin.u32 s7, s6;
	s15 =	ssub.s32 s5, s10;
	s22 =	smulhi.u32 $0x8421085, s21  }
0xb: {  	s26 =	smul.u32 s13, s25;
	s6 =	simm.s32 @!p0 $0x0;
	p0 =	slt.u32 s0, $0x8  }
0xc: {  	s29 =	ssub.s32 $0x20, s7;
	s5 =	sadd.s32 s8, s6;
	s19 =	sshrl.u32 s9, $0x1F  }
0xd: {  	s20 =	sand.u32 $0x1, s9;
	p1 =	slt.s32 s9, $0x1;
	s23 =	ssub.s32 s21, s22  }
0xe: {  	s8 =	sshrl.u32 s26, $0x1;
	p2 =	seq.s32 s20, $0x1;
	s6 =	sadd.s32 s19, s9  }
0xf: {  	s24 =	sshrl.u32 s23, $0x1;
	p1 =	por !p1, !p2;
	s6 =	sshra.s32 s6, $0x1  }
0x10: {  	p1 =	por !p1, !p1;
	s11 =	sadd.s32 s11, s6;
	s6 =	sadd.s32 s22, s24  }
0x11: {  	s12 =	simm.s32 @!p1 $0x0;
	s28 =	sshrl.u32 s6, $0x4;
	p1 =	seq.s32 s16, $0xF  }
0x12: {  	s11 =	ssub.s32 s11, s12;
	s9 =	smul.u32 $0x1F, s28;
	s12 =	simm.s32 $0x2  }
0x13: {  	s7 =	ssub.s32 $0x349, s8;
	s6 =	simm.s32 $0x1;
	s12 =	simm.s32 @!p1 $0x1  }
0x14: {  	s7 =	smov.u32 @p0 s11;
	s10 =	ssub.s32 s21, s9;
	s30 =	sshrl.u32 s29, s12  }
0x15: {  	s9 =	ssub.s32 s16, s9;
	s12 =	ssub.s32 $0xF, s10;
	s31 =	sadd.s32 $0xFFFFFFF1, s10  }
0x16: {  	s14 =	smul.u32 $0x1F, s10;
	s17 =	sadd.s32 $0xFFFFFFFF, s10;
	s8 =	sshll.u32 s30, $0x2  }
0x17: {  	s1 =	sshll.u32 s10, $0x4;
	s20 =	ssub.s32 $0x0, s9;
	s21 =	ssub.s32 $0x2F, s10  }
0x18: {  	p1 =	sgt.s32 s12, $0x0;
	s13 =	smin.u32 s31, s12;
	s17 =	smul.u32 s10, s17  }
0x19: {  	p2 =	sgt.s32 s20, s9;
	s24 =	sor.u32 $0x2, s8;
	s31 =	smax.u32 s15, $0x1  }
0x1a: {  	s12 =	simm.s32 @!p1 $0x0;
	s9 =	smov.u32 @p2 s20;
	s20 =	ssub.s32 $0x2E, s10  }
0x1b: {  	s25 =	ssub.s32 $0x20, s13;
	[dreg:$0x5] =	wrdreg s31;
	s0 =	sadd.s32 s14, s12  }
0x1c: {  	s18 =	sshll.u32 s17, $0x10;
	s19 =	sand.u32 $0x1, s17;
	p5 =	slt.s32 s17, $0x1  }
0x1d: {  	s22 =	smul.u32 s21, s20;
	s14 =	sshra.s32 s18, $0x10;
	s18 =	sand.u32 $0x8000, s17  }
0x1e: {  	p6 =	seq.s32 s19, $0x1;
	s17 =	simm.s32 $0x1;
	s19 =	ssub.s32 $0x20, s9  }
0x1f: {  	s18 =	sshrl.u32 s18, $0xF;
	p0 =	por !p5, !p6;
	s23 =	sshrl.u32 s22, $0x1  }
0x20: {  	s14 =	sadd.s32 s18, s14;
	p0 =	por !p0, !p0;
	s18 =	sshrl.u32 s19, $0x1  }
0x21: {  	s19 =	simm.s32 $0x6;
	s14 =	sshra.s32 s14, $0x1;
	s17 =	simm.s32 @!p0 $0x0  }
0x22: {  	s9 =	sadd.s32 s18, s9;
	p0 =	slt.u32 s10, $0x10;
	s18 =	simm.s32 $0x3  }
0x23: {  	s12 =	ssub.s32 s1, s17;
	s9 =	sshll.u32 s9, $0x2;
	s17 =	sshrl.u32 s25, $0x1  }
0x24: {  	s1 =	simm.s32 $0x0;
	s10 =	sadd.s32 s14, s12;
	s9 =	sxor.u32 $0x7C, s9  }
0x25: {  	s14 =	smulhi.u32 $0x55555556, s24;
	s12 =	ssub.s32 $0x349, s23;
	s9 =	sand.u32 $0xFC, s9  }
0x26: {  	s22 =	sadd.s32 s13, s17;
	s13 =	sadd.s32 $0x764000, s2;
	s9 =	sor.u32 $0x2, s9  }
0x27: {  	s12 =	smov.u32 @p0 s10;
	s10 =	sadd.s32 s17, s0;
	s26 =	smulhi.u32 $0x55555556, s9  }
.Ltmp0:
0x28: {  	s29 =	sshll.u32 s22, $0x2;
	p0 =	seq.s32 s16, $0x1F;
	(pc) =	sbr.rel .LBB2_1-.Ltmp0, $4  }
0x29: {  	s16 =	simm.s32 $0x8000;
	s14 =	smul.u32 $0x3, s14;
	s28 =	smax.u32 s26, $0x1  }
0x2a: {  	p1 =	seq.s32 s22, $0x1F;
	s11 =	sadd.s32 s17, s12;
	s30 =	smul.u32 $0x18000, s28  }
0x2b: {  	s12 =	ssub.s32 $0x7C, s29;
	s17 =	simm.s32 $0x10000;
	[dreg:$0x3] =	wrdreg s14  }
0x2c: {  	s9 =	simm.s32 $0x2;
	s14 =	sadd.s32 $0x584000, s3;
	[dreg:$0x4] =	wrdreg s30  }
.LBB2_5:
0x2d: {  	s0 =	simm.s32 $0x4  }
0x2e: {  	_ =	swait.ge [sflag:s0], $0x8000  }
0x2f: {  	[sflag:s0] =	ssyncset.done $0x0  }
0x30: {  	s31 =	simm.s32 $0x5;
	[sflag:s0] =	ssyncadd.s32 $0xFFFF8000  }
0x31: {  	_ =	swait.ge [sflag:s31], $0x8000  }
0x32: {  	[sflag:s31] =	ssyncset.done $0x0  }
0x33: {  	[sflag:s31] =	ssyncadd.s32 $0xFFFF8000  }
0x34: {  	_ =	swait.ge [sflag:s19], $0x8000  }
0x35: {  	[sflag:s19] =	ssyncset.done $0x0  }
0x36: {  	[sflag:s19] =	ssyncadd.s32 $0xFFFF8000  }
.LBB2_6:
0x37: {  	s1 =	rddreg [dreg:$0x6]  }
0x38: {  	s0 =	rddreg [dreg:$0x5];
	s1 =	sadd.s32 $0x1, s1  }
0x39: {  	p2 =	sne.s32 s1, s0  }
.Ltmp1:
0x3a: {  	_ = 	snop;
	(pc) =	sbr.rel @!p2 .LBB2_7-.Ltmp1, $1  }
0x3b: {  	_ =	sdelay $0x3  }
.LBB2_1:
.Ltmp2:
0x3c: {  	(pc) =	sbr.rel @!p0 .LBB2_2-.Ltmp2, $3  }
0x3d: {  	_ =	sdelay $0x1  }
0x3e: {  	[dreg:$0x6] =	wrdreg s1;
	s25 =	simm.s32 $0x2000  }
0x3f: {  	s23 =	simm.s32 $0x0;
	s24 =	simm.s32 $0x0;
	s26 =	simm.s32 $0x0  }
.LBB2_8:
0x40: {  	p2 =	seq.s32 s25, $0x2000;
	s23 =	sand.u32 $0x1E0000, s26;
	s24 =	sand.u32 $0x18000, s26  }
0x41: {  	s0 =	simm.s32 @!p2 $0x4;
	s1 =	sor.u32 s24, s23  }
0x42: {  	_ =	swait.ge @!p2 [sflag:s0], $0x8000;
	s1 =	sadd.s32 $0x3B20000, s1  }
0x43: {  	[sflag:s0] =	ssyncset.done @!p2 $0x0;
	s1 =	sshrl.u32 s1, $0x3  }
0x44: {  	[sflag:s0] =	ssyncadd.s32 @!p2 $0xFFFF8000;
	s21 =	sadd.s32 s2, s1  }
0x45: {  	[tilespmem:s4], [sflag:$0x1] =	stream.linear.gather [hbm4b:s21+s4], $0x8000, $0x38;
	[tilespmem:$0x18000] =	vst v63  }
.Ltmp3:
0x46: {  	s22 =	sadd.s32 $0xFFFFF000, s25;
	s0 =	simm.s32 @!p2 $0x5;
	(pc) =	sbr.rel @p2 .LBB2_11-.Ltmp3, $4  }
0x47: {  	s28 =	sand.u32 $0x7C000, s22;
	_ =	swait.ge @!p2 [sflag:s0], $0x8000  }
0x48: {  	s29 =	sand.u32 $0x3000, s22;
	s30 =	sadd.s32 s28, s13;
	[sflag:s0] =	ssyncset.done @!p2 $0x0  }
0x49: {  	s31 =	sadd.s32 s29, s30;
	[sflag:s0] =	ssyncadd.s32 @!p2 $0xFFFF8000  }
0x4a: {  	[tilespmem:s16], [sflag:$0x2] =	stream.linear.gather [hbm4b:s31+s4], $0x8000, $0x38;
	[tilespmem:$0x18000] =	vst v63  }
0x4b: {  	p2 =	seq.s32 s25, $0x20000  }
.Ltmp4:
0x4c: {  	_ = 	snop;
	(pc) =	sbr.rel @p2 .LBB2_12-.Ltmp4, $1  }
0x4d: {  	_ =	sdelay $0x3  }
0x4e: {  	_ =	swait.ge [sflag:s19], $0x8000  }
0x4f: {  	[sflag:s19] =	ssyncset.done $0x0  }
0x50: {  	[sflag:s19] =	ssyncadd.s32 $0xFFFF8000  }
.LBB2_11:
0x51: {  	s0 =	sand.u32 $0x7C000, s25  }
0x52: {  	s1 =	sand.u32 $0x3000, s25;
	s0 =	sadd.s32 s0, s13  }
0x53: {  	s0 =	sadd.s32 s1, s0  }
0x54: {  	[tilespmem:s17], [sflag:$0x3] =	stream.linear.gather [hbm4b:s0+s4], $0x8000, $0x38;
	[tilespmem:$0x18000] =	vst v63  }
.LBB2_12:
0x55: {  	s0 =	sadd.s32 s24, s23  }
0x56: {  	_ =	swait.ge [sflag:s6], $0x8000;
	s0 =	sadd.s32 $0x2C20000, s0  }
0x57: {  	[sflag:s6] =	ssyncset.done $0x0;
	s0 =	sshrl.u32 s0, $0x3  }
0x58: {  	p2 =	seq.s32 s25, $0x20000;
	[sflag:s6] =	ssyncadd.s32 $0xFFFF8000;
	s0 =	sadd.s32 s3, s0  }
0x59: {  	[hbm4b:s0+s4] =	stream.linear.scatter [tilespmem:s4], [sflag:$0x4], $0x8000, $0x38;
	[tilespmem:$0x18000] =	vst v63  }
.Ltmp5:
0x5a: {  	_ = 	snop;
	(pc) =	sbr.rel @p2 .LBB2_5-.Ltmp5, $4  }
0x5b: {  	_ =	swait.ge [sflag:s9], $0x8000  }
0x5c: {  	s31 =	sadd.s32 s28, s14;
	[sflag:s9] =	ssyncset.done $0x0  }
0x5d: {  	s0 =	sadd.s32 s29, s31;
	[sflag:s9] =	ssyncadd.s32 $0xFFFF8000  }
0x5e: {  	[hbm4b:s0+s4] =	stream.linear.scatter [tilespmem:s16], [sflag:$0x5], $0x8000, $0x38;
	[tilespmem:$0x18000] =	vst v63  }
.Ltmp6:
0x5f: {  	(pc) =	sbr.rel .LBB2_8-.Ltmp6, $4  }
0x60: {  	_ =	swait.ge [sflag:s18], $0x8000;
	s0 =	sand.u32 $0x7C000, s25;
	s1 =	sand.u32 $0x3000, s25  }
0x61: {  	s25 =	sadd.s32 $0x3000, s25;
	[sflag:s18] =	ssyncset.done $0x0;
	s0 =	sadd.s32 s0, s14  }
0x62: {  	s26 =	sadd.s32 $0x18000, s26;
	[sflag:s18] =	ssyncadd.s32 $0xFFFF8000;
	s0 =	sadd.s32 s1, s0  }
0x63: {  	[hbm4b:s0+s4] =	stream.linear.scatter [tilespmem:s17], [sflag:$0x6], $0x8000, $0x38;
	[tilespmem:$0x18000] =	vst v63  }
.LBB2_2:
0x64: {  	p2 =	sge.u32 s23, s8  }
0x65: {  	p3 =	seq.s32 @!p2 s23, $0x0;
	s25 =	sshrl.u32 @!p2 s23, $0x2  }
0x66: {  	p3 =	por p3, p2;
	s26 =	sadd.s32 @!p2 s5, s25  }
0x67: {  	s29 =	sand.u32 @!p2 $0x18000, s24;
	s28 =	simm.s32 @!p3 $0x4;
	s26 =	sshll.u32 @!p2 s26, $0x11  }
0x68: {  	_ =	swait.ge @!p3 [sflag:s28], $0x8000;
	s26 =	sor.u32 @!p2 s29, s26  }
0x69: {  	[sflag:s28] =	ssyncset.done @!p3 $0x0;
	s26 =	sshrl.u32 @!p2 s26, $0x3  }
0x6a: {  	[sflag:s28] =	ssyncadd.s32 @!p3 $0xFFFF8000;
	s26 =	sadd.s32 @!p2 s2, s26;
	s28 =	simm.s32 @!p2 $0x0  }
0x6b: {  	[tilespmem:s28], [sflag:$0x1] =	stream.linear.gather @!p2 [hbm4b:s26+s28], $0x8000, $0x38;
	[tilespmem:$0x18000] =	vst v63  }
0x6c: {  	s26 =	sadd.s32 $0x1, s23  }
0x6d: {  	p3 =	sge.u32 s26, s8  }
0x6e: {  	p4 =	seq.s32 @!p3 s23, $0x0  }
0x6f: {  	s26 =	sshrl.u32 @!p3 s26, $0x2;
	p4 =	por p4, p3  }
0x70: {  	s0 =	sadd.s32 @!p3 $0x8000, s24;
	s31 =	sadd.s32 @!p3 s5, s26;
	s30 =	simm.s32 @!p4 $0x5  }
0x71: {  	s0 =	sand.u32 @!p3 $0x18000, s0;
	s31 =	sshll.u32 @!p3 s31, $0x11;
	_ =	swait.ge @!p4 [sflag:s30], $0x8000  }
0x72: {  	s31 =	sor.u32 @!p3 s0, s31;
	[sflag:s30] =	ssyncset.done @!p4 $0x0  }
0x73: {  	[sflag:s30] =	ssyncadd.s32 @!p4 $0xFFFF8000;
	s30 =	sshrl.u32 @!p3 s31, $0x3  }
0x74: {  	s1 =	simm.s32 @!p3 $0x8000;
	s31 =	simm.s32 @!p3 $0x0;
	s30 =	sadd.s32 @!p3 s2, s30  }
0x75: {  	[tilespmem:s1], [sflag:$0x2] =	stream.linear.gather @!p3 [hbm4b:s30+s31], $0x8000, $0x38;
	[tilespmem:$0x18000] =	vst v63  }
0x76: {  	s30 =	sadd.s32 $0x2, s23  }
0x77: {  	p4 =	sge.u32 s30, s8  }
0x78: {  	p5 =	seq.s32 @!p4 s23, $0x0  }
0x79: {  	s30 =	sshrl.u32 @!p4 s30, $0x2;
	p5 =	por p5, p4  }
0x7a: {  	s21 =	sadd.s32 @!p4 $0x10000, s24;
	s20 =	sadd.s32 @!p4 s5, s30;
	s15 =	simm.s32 @!p5 $0x6  }
0x7b: {  	s21 =	sand.u32 @!p4 $0x18000, s21;
	s20 =	sshll.u32 @!p4 s20, $0x11;
	_ =	swait.ge @!p5 [sflag:s15], $0x8000  }
0x7c: {  	s20 =	sor.u32 @!p4 s21, s20;
	[sflag:s15] =	ssyncset.done @!p5 $0x0  }
0x7d: {  	[sflag:s15] =	ssyncadd.s32 @!p5 $0xFFFF8000;
	s15 =	sshrl.u32 @!p4 s20, $0x3  }
0x7e: {  	s22 =	simm.s32 @!p4 $0x10000;
	s20 =	simm.s32 @!p4 $0x0;
	s15 =	sadd.s32 @!p4 s2, s15  }
0x7f: {  	[tilespmem:s22], [sflag:$0x3] =	stream.linear.gather @!p4 [hbm4b:s15+s20], $0x8000, $0x38;
	[tilespmem:$0x18000] =	vst v63  }
0x80: {  	s15 =	sadd.s32 @!p2 s7, s25  }
0x81: {  	s25 =	simm.s32 @!p2 $0x1;
	s15 =	sshll.u32 @!p2 s15, $0x11  }
0x82: {  	_ =	swait.ge @!p2 [sflag:s25], $0x8000;
	s15 =	sor.u32 @!p2 s29, s15  }
0x83: {  	[sflag:s25] =	ssyncset.done @!p2 $0x0;
	s15 =	sshrl.u32 @!p2 s15, $0x3  }
0x84: {  	[sflag:s25] =	ssyncadd.s32 @!p2 $0xFFFF8000;
	s15 =	sadd.s32 @!p2 s3, s15  }
0x85: {  	[hbm4b:s15+s28] =	stream.linear.scatter @!p2 [tilespmem:s28], [sflag:$0x4], $0x8000, $0x38;
	[tilespmem:$0x18000] =	vst v63  }
0x86: {  	s15 =	sadd.s32 @!p3 s7, s26  }
0x87: {  	s25 =	simm.s32 @!p3 $0x2;
	s15 =	sshll.u32 @!p3 s15, $0x11  }
0x88: {  	_ =	swait.ge @!p3 [sflag:s25], $0x8000;
	s0 =	sor.u32 @!p3 s0, s15  }
0x89: {  	[sflag:s25] =	ssyncset.done @!p3 $0x0;
	s0 =	sshrl.u32 @!p3 s0, $0x3  }
0x8a: {  	[sflag:s25] =	ssyncadd.s32 @!p3 $0xFFFF8000;
	s0 =	sadd.s32 @!p3 s3, s0  }
0x8b: {  	[hbm4b:s0+s31] =	stream.linear.scatter @!p3 [tilespmem:s1], [sflag:$0x5], $0x8000, $0x38;
	[tilespmem:$0x18000] =	vst v63  }
0x8c: {  	s1 =	simm.s32 @!p4 $0x3  }
0x8d: {  	_ =	swait.ge @!p4 [sflag:s1], $0x8000  }
0x8e: {  	s23 =	sadd.s32 $0x3, s23;
	s31 =	rddreg [dreg:$0x3]  }
0x8f: {  	s0 =	sadd.s32 @!p4 s7, s30;
	p2 =	sne.s32 s31, s23  }
.Ltmp7:
0x90: {  	s0 =	sshll.u32 @!p4 s0, $0x11;
	(pc) =	sbr.rel @p2 .LBB2_2-.Ltmp7, $4  }
0x91: {  	s0 =	sor.u32 @!p4 s21, s0  }
0x92: {  	[sflag:s1] =	ssyncset.done @!p4 $0x0;
	s0 =	sshrl.u32 @!p4 s0, $0x3  }
0x93: {  	s24 =	sadd.s32 $0x18000, s24;
	[sflag:s1] =	ssyncadd.s32 @!p4 $0xFFFF8000;
	s0 =	sadd.s32 @!p4 s3, s0  }
0x94: {  	[hbm4b:s0+s20] =	stream.linear.scatter @!p4 [tilespmem:s22], [sflag:$0x6], $0x8000, $0x38;
	[tilespmem:$0x18000] =	vst v63  }
0x95: {  	s0 =	simm.s32 $0x4  }
0x96: {  	_ =	swait.ge [sflag:s0], $0x8000  }
0x97: {  	[sflag:s0] =	ssyncset.done $0x0  }
0x98: {  	s31 =	simm.s32 $0x5;
	[sflag:s0] =	ssyncadd.s32 $0xFFFF8000  }
0x99: {  	_ =	swait.ge [sflag:s31], $0x8000  }
.Ltmp8:
0x9a: {  	[sflag:s31] =	ssyncset.done $0x0;
	(pc) =	sbr.rel @p1 .LBB2_6-.Ltmp8, $4  }
0x9b: {  	[sflag:s31] =	ssyncadd.s32 $0xFFFF8000  }
0x9c: {  	_ =	swait.ge [sflag:s19], $0x8000  }
0x9d: {  	[sflag:s19] =	ssyncset.done $0x0  }
0x9e: {  	s23 =	simm.s32 $0x0;
	s24 =	simm.s32 $0x0;
	[sflag:s19] =	ssyncadd.s32 $0xFFFF8000  }
.LBB2_4:
0x9f: {  	p2 =	sge.u32 s23, s12  }
0xa0: {  	p3 =	seq.s32 @!p2 s24, $0x0;
	s0 =	sshrl.u32 @!p2 s23, $0x2  }
0xa1: {  	p3 =	por p3, p2;
	s1 =	sadd.s32 @!p2 s10, s0  }
0xa2: {  	s20 =	sand.u32 @!p2 $0x18000, s24;
	s15 =	simm.s32 @!p3 $0x4;
	s1 =	sshll.u32 @!p2 s1, $0x11  }
0xa3: {  	_ =	swait.ge @!p3 [sflag:s15], $0x8000;
	s1 =	sor.u32 @!p2 s20, s1  }
0xa4: {  	[sflag:s15] =	ssyncset.done @!p3 $0x0;
	s1 =	sshrl.u32 @!p2 s1, $0x3  }
0xa5: {  	[sflag:s15] =	ssyncadd.s32 @!p3 $0xFFFF8000;
	s1 =	sadd.s32 @!p2 s2, s1;
	s15 =	simm.s32 @!p2 $0x0  }
0xa6: {  	[tilespmem:s15], [sflag:$0x1] =	stream.linear.gather @!p2 [hbm4b:s1+s15], $0x8000, $0x38;
	[tilespmem:$0x18000] =	vst v63  }
0xa7: {  	s1 =	sadd.s32 $0x1, s23  }
0xa8: {  	p3 =	sge.u32 s1, s12  }
0xa9: {  	p4 =	seq.s32 @!p3 s24, $0x0  }
0xaa: {  	s1 =	sshrl.u32 @!p3 s1, $0x2;
	p4 =	por p4, p3  }
0xab: {  	s25 =	sadd.s32 @!p3 $0x8000, s24;
	s22 =	sadd.s32 @!p3 s10, s1;
	s21 =	simm.s32 @!p4 $0x5  }
0xac: {  	s25 =	sand.u32 @!p3 $0x18000, s25;
	s22 =	sshll.u32 @!p3 s22, $0x11;
	_ =	swait.ge @!p4 [sflag:s21], $0x8000  }
0xad: {  	s22 =	sor.u32 @!p3 s25, s22;
	[sflag:s21] =	ssyncset.done @!p4 $0x0  }
0xae: {  	[sflag:s21] =	ssyncadd.s32 @!p4 $0xFFFF8000;
	s21 =	sshrl.u32 @!p3 s22, $0x3  }
0xaf: {  	s26 =	simm.s32 @!p3 $0x8000;
	s22 =	simm.s32 @!p3 $0x0;
	s21 =	sadd.s32 @!p3 s2, s21  }
0xb0: {  	[tilespmem:s26], [sflag:$0x2] =	stream.linear.gather @!p3 [hbm4b:s21+s22], $0x8000, $0x38;
	[tilespmem:$0x18000] =	vst v63  }
0xb1: {  	s21 =	sadd.s32 $0x2, s23  }
0xb2: {  	p4 =	sge.u32 s21, s12  }
0xb3: {  	p5 =	seq.s32 @!p4 s24, $0x0  }
0xb4: {  	s21 =	sshrl.u32 @!p4 s21, $0x2;
	p5 =	por p5, p4  }
0xb5: {  	s30 =	sadd.s32 @!p4 $0x10000, s24;
	s29 =	sadd.s32 @!p4 s10, s21;
	s28 =	simm.s32 @!p5 $0x6  }
0xb6: {  	s30 =	sand.u32 @!p4 $0x18000, s30;
	s29 =	sshll.u32 @!p4 s29, $0x11;
	_ =	swait.ge @!p5 [sflag:s28], $0x8000  }
0xb7: {  	s29 =	sor.u32 @!p4 s30, s29;
	[sflag:s28] =	ssyncset.done @!p5 $0x0  }
0xb8: {  	s0 =	sadd.s32 @!p2 s11, s0;
	[sflag:s28] =	ssyncadd.s32 @!p5 $0xFFFF8000;
	s28 =	sshrl.u32 @!p4 s29, $0x3  }
0xb9: {  	s31 =	simm.s32 @!p4 $0x10000;
	s29 =	simm.s32 @!p4 $0x0;
	s28 =	sadd.s32 @!p4 s2, s28  }
0xba: {  	[tilespmem:s31], [sflag:$0x3] =	stream.linear.gather @!p4 [hbm4b:s28+s29], $0x8000, $0x38;
	[tilespmem:$0x18000] =	vst v63  }
0xbb: {  	s0 =	sshll.u32 @!p2 s0, $0x11;
	s28 =	simm.s32 @!p2 $0x1  }
0xbc: {  	s0 =	sor.u32 @!p2 s20, s0;
	_ =	swait.ge @!p2 [sflag:s28], $0x8000  }
0xbd: {  	s0 =	sshrl.u32 @!p2 s0, $0x3;
	[sflag:s28] =	ssyncset.done @!p2 $0x0  }
0xbe: {  	s0 =	sadd.s32 @!p2 s3, s0;
	[sflag:s28] =	ssyncadd.s32 @!p2 $0xFFFF8000  }
0xbf: {  	[hbm4b:s0+s15] =	stream.linear.scatter @!p2 [tilespmem:s15], [sflag:$0x4], $0x8000, $0x38;
	[tilespmem:$0x18000] =	vst v63  }
0xc0: {  	s0 =	sadd.s32 @!p3 s11, s1  }
0xc1: {  	s1 =	simm.s32 @!p3 $0x2;
	s0 =	sshll.u32 @!p3 s0, $0x11  }
0xc2: {  	_ =	swait.ge @!p3 [sflag:s1], $0x8000;
	s0 =	sor.u32 @!p3 s25, s0  }
0xc3: {  	[sflag:s1] =	ssyncset.done @!p3 $0x0;
	s0 =	sshrl.u32 @!p3 s0, $0x3  }
0xc4: {  	[sflag:s1] =	ssyncadd.s32 @!p3 $0xFFFF8000;
	s0 =	sadd.s32 @!p3 s3, s0  }
0xc5: {  	[hbm4b:s0+s22] =	stream.linear.scatter @!p3 [tilespmem:s26], [sflag:$0x5], $0x8000, $0x38;
	[tilespmem:$0x18000] =	vst v63  }
0xc6: {  	s1 =	simm.s32 @!p4 $0x3;
	s0 =	sadd.s32 @!p4 s11, s21  }
0xc7: {  	s0 =	sshll.u32 @!p4 s0, $0x11;
	_ =	swait.ge @!p4 [sflag:s1], $0x8000  }
0xc8: {  	s24 =	sadd.s32 $0x18000, s24;
	s0 =	sor.u32 @!p4 s30, s0;
	s30 =	rddreg [dreg:$0x4]  }
0xc9: {  	p2 =	seq.s32 s30, s24  }
.Ltmp9:
0xca: {  	_ = 	snop;
	(pc) =	sbr.rel @!p2 .LBB2_4-.Ltmp9, $4  }
0xcb: {  	_ = 	snop  }
0xcc: {  	[sflag:s1] =	ssyncset.done @!p4 $0x0;
	s0 =	sshrl.u32 @!p4 s0, $0x3  }
0xcd: {  	s23 =	sadd.s32 $0x3, s23;
	[sflag:s1] =	ssyncadd.s32 @!p4 $0xFFFF8000;
	s0 =	sadd.s32 @!p4 s3, s0  }
0xce: {  	[hbm4b:s0+s29] =	stream.linear.scatter @!p4 [tilespmem:s31], [sflag:$0x6], $0x8000, $0x38;
	[tilespmem:$0x18000] =	vst v63  }
.Ltmp10:
0xcf: {  	_ = 	snop;
	(pc) =	sbr.rel .LBB2_5-.Ltmp10, $1  }
0xd0: {  	_ =	sdelay $0x3  }
.LBB2_7:
0xd1: {  	_ =	sfence.sel $0x180000  }
0xd2: {  	[bflag:$0x0] =	sbarrier.arrive $0xFFFF  }
0xd3: {  	_ =	strace $0x90000047  }
0xd4: {  	s0 =	stileid.u32;
	[bflag:$0x2] =	sbarrier.arrive $0xFFFF  }
0xd5: {  	p0 =	sne.s32 s0, $0x0;
	s0 =	rddreg [dreg:$0x2]  }
0xd6: {  	s0 =	sadd.s32 @!p0 $0x100000, s0  }
0xd7: {  	[sflag:s0] =	ssyncadd.tile.s32 @!p0 $0x1;
	_ =	shalt  }
.Lfunc_end2:
_tile_overlayer_lowered:
.L_overlay_start_2:
0xd8: {  	(tag) =	ssettag $0x2  }
0xd9: {  	s0 =	rddreg [dreg:$0x0];
	s2 =	stileid.u32  }
0xda: {  	s1 =	rddreg [dreg:$0x1];
	p0 =	sne.s32 s2, $0x0  }
0xdb: {  	s3 =	rddreg [dreg:$0x2];
	[bflag:$0x3] =	sbarrier.arrive $0xFFFF;
	s2 =	simm.s32 @!p0 $0x1C07  }
0xdc: {  	[timem:s3], [sflag:s2] =	dma.local @!p0 [hbm:s0], s1  }
0xdd: {  	s0 =	simm.s32 @!p0 $0x7  }
0xde: {  	_ =	swait.ge @!p0 [sflag:s0], s1  }
0xdf: {  	s1 =	ssub.s32 @!p0 $0x0, s1;
	[sflag:s0] =	ssyncset.done @!p0 $0x0  }
0xe0: {  	[sflag:s0] =	ssyncadd.s32 @!p0 s1  }
0xe1: {  	[bflag:$0x3] =	sbarrier.arrive $0xFFFF  }
0xe2: {  	_ =	shalt  }

</sc_bundles>
